<compile_context>
chip_gen: v7x
topology: tpu7x:2x2x1
jax: 0.10.2.dev20260603
libtpu: 0.0.44.dev20260713+nightly
codegen_flags: <defaults>
</compile_context>

<pallas_src>
import functools

import jax
import jax.numpy as jnp
from jax import lax
from jax.experimental import pallas as pl
from jax.experimental.pallas import tpu as pltpu
from jax.experimental.pallas import tpu_sc as plsc

_LAMBDA = 0.1
_SMOOTH = 1e-07



def _tc_body(B, C, S, num_h):
    def body(sup_ref, cs_ref, s2s_ref, tgt_ref, w_ref,
             loss_ref, fin_ref,
             a_interc, a_sumc, a_cntc, a_sums, a_cnts, a_inters):
        b = pl.program_id(0)
        h = pl.program_id(1)

        @pl.when(jnp.logical_and(b == 0, h == 0))
        def _init():
            for c in range(C):
                a_interc[c] = 0.0
                a_sumc[c] = 0.0
                a_cntc[c] = 0.0
            for s in range(S):
                a_sums[s] = 0.0
                a_cnts[s] = 0.0
                a_inters[s] = 0.0

        t = tgt_ref[0]
        st = jnp.zeros_like(t)
        for c in range(C):
            oh = t == c
            ohf = oh.astype(jnp.float32)
            x = cs_ref[0, c]
            sidx = s2s_ref[c]
            g = sup_ref[0, sidx]
            fin_ref[0, c] = x * g
            a_interc[c] += jnp.sum(x * ohf)
            a_sumc[c] += jnp.sum(x)
            a_cntc[c] += jnp.sum(ohf)
            st = st + sidx * oh.astype(jnp.int32)
        for s in range(S):
            sup_s = sup_ref[0, s]
            m = (st == s).astype(jnp.float32)
            a_sums[s] += jnp.sum(sup_s)
            a_cnts[s] += jnp.sum(m)
            a_inters[s] += jnp.sum(sup_s * m)

        @pl.when(jnp.logical_and(b == B - 1, h == num_h - 1))
        def _finish():
            sl = 0.0
            for s in range(S):
                sl += 1.0 - (2.0 * a_inters[s] + _SMOOTH) / (
                    a_sums[s] + a_cnts[s] + _SMOOTH)
            cl = 0.0
            wsum = 0.0
            for c in range(C):
                pc = 1.0 - (2.0 * a_interc[c] + _SMOOTH) / (
                    a_sumc[c] + a_cntc[c] + _SMOOTH)
                cl += pc * w_ref[c]
                wsum += w_ref[c]
            loss_ref[0, 0] = _LAMBDA * sl / S + cl / wsum

    return body



def _make_sc_onehot(B, C, HW):
    NW = 32
    WPB = NW // B
    span = HW // WPB
    CH = 2048
    n_chunks = span // CH
    L = 16

    @functools.partial(
        pl.kernel,
        out_type=jax.ShapeDtypeStruct((B * C * HW,), jnp.float32),
        mesh=plsc.VectorSubcoreMesh(core_axis_name="c", subcore_axis_name="s"),
        scratch_types=[
            pltpu.VMEM((CH,), jnp.int32),
            pltpu.VMEM((C, CH), jnp.float32),
        ],
    )
    def sc_onehot(tgt_hbm, out_hbm, t_v, oh_v):
        wid = lax.axis_index("s") * 2 + lax.axis_index("c")
        b = wid // WPB
        q = wid % WPB
        base_in = b * HW + q * span

        def chunk_body(k, _):
            off = base_in + k * CH
            pltpu.sync_copy(tgt_hbm.at[pl.ds(off, CH)], t_v)

            def vec_body(v, _):
                tv = t_v[pl.ds(v * L, L)]
                for c in range(C):
                    oh_v[c, pl.ds(v * L, L)] = jnp.where(
                        tv == c, 1.0, 0.0).astype(jnp.float32)
                return 0

            lax.fori_loop(0, CH // L, vec_body, 0)
            for c in range(C):
                out_off = (b * C + c) * HW + q * span + k * CH
                pltpu.sync_copy(oh_v.at[c], out_hbm.at[pl.ds(out_off, CH)])
            return 0

        lax.fori_loop(0, n_chunks, chunk_body, 0)

    return sc_onehot



def kernel(superclass_scores, class_score, super2sub, target, weights):
    B, C, H, W = class_score.shape
    S = superclass_scores.shape[1]
    HW = H * W
    bh = 128
    num_h = H // bh

    cids = jnp.arange(C, dtype=jnp.int32)
    member = jnp.any(super2sub.astype(jnp.int32)[None, :, :] == cids[:, None, None],
                     axis=2)
    sub2super = jnp.sum(member.astype(jnp.int32)
                        * jnp.arange(S, dtype=jnp.int32)[None, :], axis=1)

    oh_flat = _make_sc_onehot(B, C, HW)(target.reshape(-1))
    oh = oh_flat.reshape(B, C, H, W)

    grid = (B, num_h)
    out_shapes = (
        jax.ShapeDtypeStruct((1, 1), jnp.float32),
        jax.ShapeDtypeStruct((B, C, H, W), jnp.float32),
    )
    loss2d, fin = pl.pallas_call(
        _tc_body(B, C, S, num_h),
        grid=grid,
        in_specs=[
            pl.BlockSpec((1, S, bh, W), lambda b, h: (b, 0, h, 0)),
            pl.BlockSpec((1, C, bh, W), lambda b, h: (b, 0, h, 0)),
            pl.BlockSpec(memory_space=pltpu.SMEM),
            pl.BlockSpec((1, bh, W), lambda b, h: (b, h, 0)),
            pl.BlockSpec(memory_space=pltpu.SMEM),
        ],
        out_specs=(
            pl.BlockSpec(memory_space=pltpu.SMEM),
            pl.BlockSpec((1, C, bh, W), lambda b, h: (b, 0, h, 0)),
        ),
        scratch_shapes=[
            pltpu.SMEM((C,), jnp.float32),
            pltpu.SMEM((C,), jnp.float32),
            pltpu.SMEM((C,), jnp.float32),
            pltpu.SMEM((S,), jnp.float32),
            pltpu.SMEM((S,), jnp.float32),
            pltpu.SMEM((S,), jnp.float32),
        ],
        out_shape=out_shapes,
    )(superclass_scores, class_score, sub2super, target, weights)
    return (loss2d.reshape(()), fin, oh)

# --- scband reference (transcript-rebuilt; emitter-appended) ---
"""Pipeline reference for scband-super-label-diceloss-51522427682884 (READ-ONLY COPY).

The authoritative reference and input builder live on the scoring server;
editing this copy changes nothing except your own understanding.
"""

import jax, jax.numpy as jnp
import numpy as np

_LAMBDA = 0.1


def setup_inputs(seed: int = 0) -> dict:
    key = jax.random.key(seed)
    k1, k2, k3 = jax.random.split(key, 3)
    B, S, C, H, W = 8, 4, 16, 512, 512
    superclass_scores = jax.random.uniform(k1, (B, S, H, W), dtype=jnp.float32)
    class_score = jax.random.uniform(k2, (B, C, H, W), dtype=jnp.float32)
    super2sub = jnp.arange(S * 4, dtype=jnp.int64 if jax.config.read('jax_enable_x64') else jnp.int32).reshape(S, 4)
    target = jax.random.randint(k3, (B, H, W), 0, C)
    weights = jnp.ones((C,), dtype=jnp.float32)
    return {
        'superclass_scores': superclass_scores,
        'class_score': class_score,
        'super2sub': super2sub,
        'target': target,
        'weights': weights,
    }


def reference(superclass_scores, class_score, super2sub, target, weights):
    B, C, H, W = class_score.shape
    S = super2sub.shape[0]
    smooth = 1e-07
    # build sub-class -> super-class lookup via scatter, then gather per pixel
    sub2super = jnp.zeros((C,), dtype=jnp.int32).at[super2sub.reshape(-1)].set(
        jnp.repeat(jnp.arange(S, dtype=jnp.int32), super2sub.shape[1]))
    super_target = jnp.take(sub2super, target, axis=0)
    # one-hot encodings (scatter of 1s along class axis)
    target_one_hot = jnp.moveaxis(jax.nn.one_hot(target, C, dtype=class_score.dtype), -1, 1)
    super_target_one_hot = jnp.moveaxis(jax.nn.one_hot(super_target, S, dtype=class_score.dtype), -1, 1)
    # superclass dice loss (vectorized over the class loop)
    inter_s = jnp.sum(superclass_scores * super_target_one_hot, axis=(0, 2, 3))
    denom_s = jnp.sum(superclass_scores, axis=(0, 2, 3)) + jnp.sum(super_target_one_hot, axis=(0, 2, 3))
    super_class_loss = jnp.sum(1.0 - (2.0 * inter_s + smooth) / (denom_s + smooth))
    # fine-class weighted dice loss
    inter_c = jnp.sum(class_score * target_one_hot, axis=(0, 2, 3))
    denom_c = jnp.sum(class_score, axis=(0, 2, 3)) + jnp.sum(target_one_hot, axis=(0, 2, 3))
    per_class = 1.0 - (2.0 * inter_c + smooth) / (denom_c + smooth)
    final_class_loss = jnp.sum(per_class * weights)
    loss = _LAMBDA * super_class_loss / S + final_class_loss / jnp.sum(weights)
    # final_class_score[:, j] = class_score[:, j] * superclass_scores[:, super_of(j)]
    gathered_super = jnp.take(superclass_scores, sub2super, axis=1)
    final_class_score = class_score * gathered_super
    return (loss, final_class_score, target_one_hot)

if __name__ == "__main__":
    import jax
    _d = setup_inputs()
    print(jax.jit(kernel)(*tuple(_d.values())))

</pallas_src>

<mosaic_0001>
#map = affine_map<(d0, d1) -> (0)>
module attributes {stable_mosaic.version = 14 : i64} {
  func.func @sc_onehot(%arg0: i32, %arg1: i32, %arg2: memref<2097152xi32, #tpu.memory_space<hbm>>, %arg3: memref<33554432xf32, #tpu.memory_space<hbm>>, %arg4: memref<2048xi32, #tpu.memory_space<vmem>>, %arg5: memref<16x2048xf32, #tpu.memory_space<vmem>>) attributes {dimension_semantics = [#tpu.dimension_semantics<core_parallel>, #tpu.dimension_semantics<subcore_parallel>], iteration_bounds = array<i64: 2, 16>, scalar_prefetch = 0 : i64, scratch_operands = 2 : i64, tpu.core_type = #tpu.core_type<sc_vector_subcore>, window_params = [{transform_indices = #map}, {transform_indices = #map}]} {
    %mul3A = arith.constant 2 : i32
    %mul3A_0 = arith.muli %arg1, %mul3A : i32
    %add3A = arith.addi %mul3A_0, %arg0 : i32
    %jit3A = arith.constant 4 : i32
    %div3A = arith.divsi %add3A, %jit3A : i32
    %sign3A = arith.constant 0 : i32
    %sign3A_1 = arith.cmpi sgt, %add3A, %sign3A : i32
    %sign3A_2 = arith.extui %sign3A_1 : i1 to i32
    %sign3A_3 = arith.constant 0 : i32
    %sign3A_4 = arith.cmpi slt, %add3A, %sign3A_3 : i32
    %sign3A_5 = arith.extui %sign3A_4 : i1 to i32
    %sign3A_6 = arith.subi %sign3A_2, %sign3A_5 : i32
    %sign3A_7 = arith.constant 0 : i32
    %sign3A_8 = arith.cmpi sgt, %jit3A, %sign3A_7 : i32
    %sign3A_9 = arith.extui %sign3A_8 : i1 to i32
    %sign3A_10 = arith.constant 0 : i32
    %sign3A_11 = arith.cmpi slt, %jit3A, %sign3A_10 : i32
    %sign3A_12 = arith.extui %sign3A_11 : i1 to i32
    %sign3A_13 = arith.subi %sign3A_9, %sign3A_12 : i32
    %ne3A = arith.cmpi ne, %sign3A_6, %sign3A_13 : i32
    %rem3A = arith.remsi %add3A, %jit3A : i32
    %ne3A_14 = arith.constant 0 : i32
    %ne3A_15 = arith.cmpi ne, %rem3A, %ne3A_14 : i32
    %and3A = arith.andi %ne3A, %ne3A_15 : i1
    %sub3A = arith.constant 1 : i32
    %sub3A_16 = arith.subi %div3A, %sub3A : i32
    %select_n3A = arith.select %and3A, %sub3A_16, %div3A : i32
    %jit3A_17 = arith.constant 4 : i32
    %eq3A = arith.constant 0 : i32
    %eq3A_18 = arith.cmpi eq, %jit3A_17, %eq3A : i32
    %jit3A_19 = arith.constant 1 : i32
    %select_n3A_20 = arith.select %eq3A_18, %jit3A_19, %jit3A_17 : i32
    %rem3A_21 = arith.remsi %add3A, %select_n3A_20 : i32
    %ne3A_22 = arith.constant 0 : i32
    %ne3A_23 = arith.cmpi ne, %rem3A_21, %ne3A_22 : i32
    %lt3A = arith.constant 0 : i32
    %lt3A_24 = arith.cmpi slt, %rem3A_21, %lt3A : i32
    %lt3A_25 = arith.constant 0 : i32
    %lt3A_26 = arith.cmpi slt, %select_n3A_20, %lt3A_25 : i32
    %ne3A_27 = arith.xori %lt3A_24, %lt3A_26 : i1
    %and3A_28 = arith.andi %ne3A_27, %ne3A_23 : i1
    %add3A_29 = arith.addi %rem3A_21, %select_n3A_20 : i32
    %select_n3A_30 = arith.select %and3A_28, %add3A_29, %rem3A_21 : i32
    %mul3A_31 = arith.constant 262144 : i32
    %mul3A_32 = arith.muli %select_n3A, %mul3A_31 : i32
    %mul3A_33 = arith.constant 65536 : i32
    %mul3A_34 = arith.muli %select_n3A_30, %mul3A_33 : i32
    %add3A_35 = arith.addi %mul3A_32, %mul3A_34 : i32
    %scan3A = arith.constant 0 : i32
    %scan3A_36 = arith.constant 0 : i32
    %scan3A_37 = arith.constant 32 : i32
    %scan3A_38 = arith.addi %scan3A_36, %scan3A_37 : i32
    %scan3A_39 = arith.constant 1 : i32
    %scan3A_40 = scf.for %scan3A_42 = %scan3A_36 to %scan3A_38 step %scan3A_39 iter_args(%scan3A_43 = %scan3A) -> (i32)  : i32 {
      %mul3A_44 = arith.constant 2048 : i32
      %mul3A_45 = arith.muli %scan3A_42, %mul3A_44 : i32
      %add3A_46 = arith.addi %add3A_35, %mul3A_45 : i32
      "tpu.region"() ({
        %run_scoped3A_262 = tpu.sem_alloc : memref<!tpu.dma_semaphore, #tpu.memory_space<semaphore_mem>>
        %dma_start3A = tpu.memref_slice %arg2[%add3A_46] : memref<2097152xi32, #tpu.memory_space<hbm>> -> memref<2048xi32, #tpu.memory_space<hbm>>
        %dma_start3A_263 = tpu.memref_slice %arg2[%add3A_46] : memref<2097152xi32, #tpu.memory_space<hbm>> -> memref<2048xi32, #tpu.memory_space<hbm>>
        tpu.enqueue_dma source(%dma_start3A_263 : memref<2048xi32, #tpu.memory_space<hbm>>) target(%arg4 : memref<2048xi32, #tpu.memory_space<vmem>>) target_semaphore(%run_scoped3A_262 : memref<!tpu.dma_semaphore, #tpu.memory_space<semaphore_mem>>)
        %dma_wait3A = tpu.memref_slice %arg2[%add3A_46] : memref<2097152xi32, #tpu.memory_space<hbm>> -> memref<2048xi32, #tpu.memory_space<hbm>>
        %dma_wait3A_264 = tpu.memref_slice %arg2[%add3A_46] : memref<2097152xi32, #tpu.memory_space<hbm>> -> memref<2048xi32, #tpu.memory_space<hbm>>
        tpu.wait_dma2 semaphore(%run_scoped3A_262 : memref<!tpu.dma_semaphore, #tpu.memory_space<semaphore_mem>>) src(%dma_wait3A_264 : memref<2048xi32, #tpu.memory_space<hbm>>) dst(%arg4 : memref<2048xi32, #tpu.memory_space<vmem>>)
        tpu.yield
      }) : () -> ()
      %scan3A_47 = arith.constant 0 : i32
      %scan3A_48 = arith.constant 0 : i32
      %scan3A_49 = arith.constant 128 : i32
      %scan3A_50 = arith.addi %scan3A_48, %scan3A_49 : i32
      %scan3A_51 = arith.constant 1 : i32
      %scan3A_52 = scf.for %scan3A_262 = %scan3A_48 to %scan3A_50 step %scan3A_51 iter_args(%scan3A_263 = %scan3A_47) -> (i32)  : i32 {
        %mul3A_264 = arith.constant 16 : i32
        %mul3A_265 = arith.muli %scan3A_262, %mul3A_264 : i32
        %get3A = arith.index_cast %mul3A_265 : i32 to index
        %get3A_266 = tpu.vector_load %arg4[%get3A] {strides = array<i32>} : memref<2048xi32, #tpu.memory_space<vmem>>, vector<16xi32>,
        %get3A_267 = vector.shape_cast %get3A_266 : vector<16xi32> to vector<16xi32>
        %eq3A_268 = arith.constant 0 : i32
        %eq3A_269 = vector.broadcast %eq3A_268 : i32 to vector<16xi32>
        %eq3A_270 = arith.cmpi eq, %get3A_267, %eq3A_269 : vector<16xi32>
        %jit3A_271 = arith.constant 1.000000e+00 : f32
        %jit3A_272 = arith.constant 0.000000e+00 : f32
        %broadcast_in_dim3A = vector.broadcast %jit3A_271 : f32 to vector<16xf32>
        %broadcast_in_dim3A_273 = vector.broadcast %jit3A_272 : f32 to vector<16xf32>
        %select_n3A_274 = arith.select %eq3A_270, %broadcast_in_dim3A, %broadcast_in_dim3A_273 : vector<16xi1>, vector<16xf32>
        %mul3A_275 = arith.constant 16 : i32
        %mul3A_276 = arith.muli %scan3A_262, %mul3A_275 : i32
        %swap3A = arith.constant 0 : i32
        %swap3A_277 = arith.index_cast %swap3A : i32 to index
        %swap3A_278 = arith.index_cast %mul3A_276 : i32 to index
        %swap3A_279 = tpu.vector_load %arg5[%swap3A_277, %swap3A_278] {strides = array<i32>} : memref<16x2048xf32, #tpu.memory_space<vmem>>, vector<1x16xf32>,
        %swap3A_280 = vector.shape_cast %swap3A_279 : vector<1x16xf32> to vector<16xf32>
        %swap3A_281 = vector.shape_cast %select_n3A_274 : vector<16xf32> to vector<1x16xf32>
        tpu.vector_store %arg5[%swap3A_277, %swap3A_278], %swap3A_281 {strides = array<i32>} : memref<16x2048xf32, #tpu.memory_space<vmem>>, vector<1x16xf32>,
        %eq3A_282 = arith.constant 1 : i32
        %eq3A_283 = vector.broadcast %eq3A_282 : i32 to vector<16xi32>
        %eq3A_284 = arith.cmpi eq, %get3A_267, %eq3A_283 : vector<16xi32>
        %jit3A_285 = arith.constant 1.000000e+00 : f32
        %jit3A_286 = arith.constant 0.000000e+00 : f32
        %broadcast_in_dim3A_287 = vector.broadcast %jit3A_285 : f32 to vector<16xf32>
        %broadcast_in_dim3A_288 = vector.broadcast %jit3A_286 : f32 to vector<16xf32>
        %select_n3A_289 = arith.select %eq3A_284, %broadcast_in_dim3A_287, %broadcast_in_dim3A_288 : vector<16xi1>, vector<16xf32>
        %mul3A_290 = arith.constant 16 : i32
        %mul3A_291 = arith.muli %scan3A_262, %mul3A_290 : i32
        %swap3A_292 = arith.constant 1 : i32
        %swap3A_293 = arith.index_cast %swap3A_292 : i32 to index
        %swap3A_294 = arith.index_cast %mul3A_291 : i32 to index
        %swap3A_295 = tpu.vector_load %arg5[%swap3A_293, %swap3A_294] {strides = array<i32>} : memref<16x2048xf32, #tpu.memory_space<vmem>>, vector<1x16xf32>,
        %swap3A_296 = vector.shape_cast %swap3A_295 : vector<1x16xf32> to vector<16xf32>
        %swap3A_297 = vector.shape_cast %select_n3A_289 : vector<16xf32> to vector<1x16xf32>
        tpu.vector_store %arg5[%swap3A_293, %swap3A_294], %swap3A_297 {strides = array<i32>} : memref<16x2048xf32, #tpu.memory_space<vmem>>, vector<1x16xf32>,
        %eq3A_298 = arith.constant 2 : i32
        %eq3A_299 = vector.broadcast %eq3A_298 : i32 to vector<16xi32>
        %eq3A_300 = arith.cmpi eq, %get3A_267, %eq3A_299 : vector<16xi32>
        %jit3A_301 = arith.constant 1.000000e+00 : f32
        %jit3A_302 = arith.constant 0.000000e+00 : f32
        %broadcast_in_dim3A_303 = vector.broadcast %jit3A_301 : f32 to vector<16xf32>
        %broadcast_in_dim3A_304 = vector.broadcast %jit3A_302 : f32 to vector<16xf32>
        %select_n3A_305 = arith.select %eq3A_300, %broadcast_in_dim3A_303, %broadcast_in_dim3A_304 : vector<16xi1>, vector<16xf32>
        %mul3A_306 = arith.constant 16 : i32
        %mul3A_307 = arith.muli %scan3A_262, %mul3A_306 : i32
        %swap3A_308 = arith.constant 2 : i32
        %swap3A_309 = arith.index_cast %swap3A_308 : i32 to index
        %swap3A_310 = arith.index_cast %mul3A_307 : i32 to index
        %swap3A_311 = tpu.vector_load %arg5[%swap3A_309, %swap3A_310] {strides = array<i32>} : memref<16x2048xf32, #tpu.memory_space<vmem>>, vector<1x16xf32>,
        %swap3A_312 = vector.shape_cast %swap3A_311 : vector<1x16xf32> to vector<16xf32>
        %swap3A_313 = vector.shape_cast %select_n3A_305 : vector<16xf32> to vector<1x16xf32>
        tpu.vector_store %arg5[%swap3A_309, %swap3A_310], %swap3A_313 {strides = array<i32>} : memref<16x2048xf32, #tpu.memory_space<vmem>>, vector<1x16xf32>,
        %eq3A_314 = arith.constant 3 : i32
        %eq3A_315 = vector.broadcast %eq3A_314 : i32 to vector<16xi32>
        %eq3A_316 = arith.cmpi eq, %get3A_267, %eq3A_315 : vector<16xi32>
        %jit3A_317 = arith.constant 1.000000e+00 : f32
        %jit3A_318 = arith.constant 0.000000e+00 : f32
        %broadcast_in_dim3A_319 = vector.broadcast %jit3A_317 : f32 to vector<16xf32>
        %broadcast_in_dim3A_320 = vector.broadcast %jit3A_318 : f32 to vector<16xf32>
        %select_n3A_321 = arith.select %eq3A_316, %broadcast_in_dim3A_319, %broadcast_in_dim3A_320 : vector<16xi1>, vector<16xf32>
        %mul3A_322 = arith.constant 16 : i32
        %mul3A_323 = arith.muli %scan3A_262, %mul3A_322 : i32
        %swap3A_324 = arith.constant 3 : i32
        %swap3A_325 = arith.index_cast %swap3A_324 : i32 to index
        %swap3A_326 = arith.index_cast %mul3A_323 : i32 to index
        %swap3A_327 = tpu.vector_load %arg5[%swap3A_325, %swap3A_326] {strides = array<i32>} : memref<16x2048xf32, #tpu.memory_space<vmem>>, vector<1x16xf32>,
        %swap3A_328 = vector.shape_cast %swap3A_327 : vector<1x16xf32> to vector<16xf32>
        %swap3A_329 = vector.shape_cast %select_n3A_321 : vector<16xf32> to vector<1x16xf32>
        tpu.vector_store %arg5[%swap3A_325, %swap3A_326], %swap3A_329 {strides = array<i32>} : memref<16x2048xf32, #tpu.memory_space<vmem>>, vector<1x16xf32>,
        %eq3A_330 = arith.constant 4 : i32
        %eq3A_331 = vector.broadcast %eq3A_330 : i32 to vector<16xi32>
        %eq3A_332 = arith.cmpi eq, %get3A_267, %eq3A_331 : vector<16xi32>
        %jit3A_333 = arith.constant 1.000000e+00 : f32
        %jit3A_334 = arith.constant 0.000000e+00 : f32
        %broadcast_in_dim3A_335 = vector.broadcast %jit3A_333 : f32 to vector<16xf32>
        %broadcast_in_dim3A_336 = vector.broadcast %jit3A_334 : f32 to vector<16xf32>
        %select_n3A_337 = arith.select %eq3A_332, %broadcast_in_dim3A_335, %broadcast_in_dim3A_336 : vector<16xi1>, vector<16xf32>
        %mul3A_338 = arith.constant 16 : i32
        %mul3A_339 = arith.muli %scan3A_262, %mul3A_338 : i32
        %swap3A_340 = arith.constant 4 : i32
        %swap3A_341 = arith.index_cast %swap3A_340 : i32 to index
        %swap3A_342 = arith.index_cast %mul3A_339 : i32 to index
        %swap3A_343 = tpu.vector_load %arg5[%swap3A_341, %swap3A_342] {strides = array<i32>} : memref<16x2048xf32, #tpu.memory_space<vmem>>, vector<1x16xf32>,
        %swap3A_344 = vector.shape_cast %swap3A_343 : vector<1x16xf32> to vector<16xf32>
        %swap3A_345 = vector.shape_cast %select_n3A_337 : vector<16xf32> to vector<1x16xf32>
        tpu.vector_store %arg5[%swap3A_341, %swap3A_342], %swap3A_345 {strides = array<i32>} : memref<16x2048xf32, #tpu.memory_space<vmem>>, vector<1x16xf32>,
        %eq3A_346 = arith.constant 5 : i32
        %eq3A_347 = vector.broadcast %eq3A_346 : i32 to vector<16xi32>
        %eq3A_348 = arith.cmpi eq, %get3A_267, %eq3A_347 : vector<16xi32>
        %jit3A_349 = arith.constant 1.000000e+00 : f32
        %jit3A_350 = arith.constant 0.000000e+00 : f32
        %broadcast_in_dim3A_351 = vector.broadcast %jit3A_349 : f32 to vector<16xf32>
        %broadcast_in_dim3A_352 = vector.broadcast %jit3A_350 : f32 to vector<16xf32>
        %select_n3A_353 = arith.select %eq3A_348, %broadcast_in_dim3A_351, %broadcast_in_dim3A_352 : vector<16xi1>, vector<16xf32>
        %mul3A_354 = arith.constant 16 : i32
        %mul3A_355 = arith.muli %scan3A_262, %mul3A_354 : i32
        %swap3A_356 = arith.constant 5 : i32
        %swap3A_357 = arith.index_cast %swap3A_356 : i32 to index
        %swap3A_358 = arith.index_cast %mul3A_355 : i32 to index
        %swap3A_359 = tpu.vector_load %arg5[%swap3A_357, %swap3A_358] {strides = array<i32>} : memref<16x2048xf32, #tpu.memory_space<vmem>>, vector<1x16xf32>,
        %swap3A_360 = vector.shape_cast %swap3A_359 : vector<1x16xf32> to vector<16xf32>
        %swap3A_361 = vector.shape_cast %select_n3A_353 : vector<16xf32> to vector<1x16xf32>
        tpu.vector_store %arg5[%swap3A_357, %swap3A_358], %swap3A_361 {strides = array<i32>} : memref<16x2048xf32, #tpu.memory_space<vmem>>, vector<1x16xf32>,
        %eq3A_362 = arith.constant 6 : i32
        %eq3A_363 = vector.broadcast %eq3A_362 : i32 to vector<16xi32>
        %eq3A_364 = arith.cmpi eq, %get3A_267, %eq3A_363 : vector<16xi32>
        %jit3A_365 = arith.constant 1.000000e+00 : f32
        %jit3A_366 = arith.constant 0.000000e+00 : f32
        %broadcast_in_dim3A_367 = vector.broadcast %jit3A_365 : f32 to vector<16xf32>
        %broadcast_in_dim3A_368 = vector.broadcast %jit3A_366 : f32 to vector<16xf32>
        %select_n3A_369 = arith.select %eq3A_364, %broadcast_in_dim3A_367, %broadcast_in_dim3A_368 : vector<16xi1>, vector<16xf32>
        %mul3A_370 = arith.constant 16 : i32
        %mul3A_371 = arith.muli %scan3A_262, %mul3A_370 : i32
        %swap3A_372 = arith.constant 6 : i32
        %swap3A_373 = arith.index_cast %swap3A_372 : i32 to index
        %swap3A_374 = arith.index_cast %mul3A_371 : i32 to index
        %swap3A_375 = tpu.vector_load %arg5[%swap3A_373, %swap3A_374] {strides = array<i32>} : memref<16x2048xf32, #tpu.memory_space<vmem>>, vector<1x16xf32>,
        %swap3A_376 = vector.shape_cast %swap3A_375 : vector<1x16xf32> to vector<16xf32>
        %swap3A_377 = vector.shape_cast %select_n3A_369 : vector<16xf32> to vector<1x16xf32>
        tpu.vector_store %arg5[%swap3A_373, %swap3A_374], %swap3A_377 {strides = array<i32>} : memref<16x2048xf32, #tpu.memory_space<vmem>>, vector<1x16xf32>,
        %eq3A_378 = arith.constant 7 : i32
        %eq3A_379 = vector.broadcast %eq3A_378 : i32 to vector<16xi32>
        %eq3A_380 = arith.cmpi eq, %get3A_267, %eq3A_379 : vector<16xi32>
        %jit3A_381 = arith.constant 1.000000e+00 : f32
        %jit3A_382 = arith.constant 0.000000e+00 : f32
        %broadcast_in_dim3A_383 = vector.broadcast %jit3A_381 : f32 to vector<16xf32>
        %broadcast_in_dim3A_384 = vector.broadcast %jit3A_382 : f32 to vector<16xf32>
        %select_n3A_385 = arith.select %eq3A_380, %broadcast_in_dim3A_383, %broadcast_in_dim3A_384 : vector<16xi1>, vector<16xf32>
        %mul3A_386 = arith.constant 16 : i32
        %mul3A_387 = arith.muli %scan3A_262, %mul3A_386 : i32
        %swap3A_388 = arith.constant 7 : i32
        %swap3A_389 = arith.index_cast %swap3A_388 : i32 to index
        %swap3A_390 = arith.index_cast %mul3A_387 : i32 to index
        %swap3A_391 = tpu.vector_load %arg5[%swap3A_389, %swap3A_390] {strides = array<i32>} : memref<16x2048xf32, #tpu.memory_space<vmem>>, vector<1x16xf32>,
        %swap3A_392 = vector.shape_cast %swap3A_391 : vector<1x16xf32> to vector<16xf32>
        %swap3A_393 = vector.shape_cast %select_n3A_385 : vector<16xf32> to vector<1x16xf32>
        tpu.vector_store %arg5[%swap3A_389, %swap3A_390], %swap3A_393 {strides = array<i32>} : memref<16x2048xf32, #tpu.memory_space<vmem>>, vector<1x16xf32>,
        %eq3A_394 = arith.constant 8 : i32
        %eq3A_395 = vector.broadcast %eq3A_394 : i32 to vector<16xi32>
        %eq3A_396 = arith.cmpi eq, %get3A_267, %eq3A_395 : vector<16xi32>
        %jit3A_397 = arith.constant 1.000000e+00 : f32
        %jit3A_398 = arith.constant 0.000000e+00 : f32
        %broadcast_in_dim3A_399 = vector.broadcast %jit3A_397 : f32 to vector<16xf32>
        %broadcast_in_dim3A_400 = vector.broadcast %jit3A_398 : f32 to vector<16xf32>
        %select_n3A_401 = arith.select %eq3A_396, %broadcast_in_dim3A_399, %broadcast_in_dim3A_400 : vector<16xi1>, vector<16xf32>
        %mul3A_402 = arith.constant 16 : i32
        %mul3A_403 = arith.muli %scan3A_262, %mul3A_402 : i32
        %swap3A_404 = arith.constant 8 : i32
        %swap3A_405 = arith.index_cast %swap3A_404 : i32 to index
        %swap3A_406 = arith.index_cast %mul3A_403 : i32 to index
        %swap3A_407 = tpu.vector_load %arg5[%swap3A_405, %swap3A_406] {strides = array<i32>} : memref<16x2048xf32, #tpu.memory_space<vmem>>, vector<1x16xf32>,
        %swap3A_408 = vector.shape_cast %swap3A_407 : vector<1x16xf32> to vector<16xf32>
        %swap3A_409 = vector.shape_cast %select_n3A_401 : vector<16xf32> to vector<1x16xf32>
        tpu.vector_store %arg5[%swap3A_405, %swap3A_406], %swap3A_409 {strides = array<i32>} : memref<16x2048xf32, #tpu.memory_space<vmem>>, vector<1x16xf32>,
        %eq3A_410 = arith.constant 9 : i32
        %eq3A_411 = vector.broadcast %eq3A_410 : i32 to vector<16xi32>
        %eq3A_412 = arith.cmpi eq, %get3A_267, %eq3A_411 : vector<16xi32>
        %jit3A_413 = arith.constant 1.000000e+00 : f32
        %jit3A_414 = arith.constant 0.000000e+00 : f32
        %broadcast_in_dim3A_415 = vector.broadcast %jit3A_413 : f32 to vector<16xf32>
        %broadcast_in_dim3A_416 = vector.broadcast %jit3A_414 : f32 to vector<16xf32>
        %select_n3A_417 = arith.select %eq3A_412, %broadcast_in_dim3A_415, %broadcast_in_dim3A_416 : vector<16xi1>, vector<16xf32>
        %mul3A_418 = arith.constant 16 : i32
        %mul3A_419 = arith.muli %scan3A_262, %mul3A_418 : i32
        %swap3A_420 = arith.constant 9 : i32
        %swap3A_421 = arith.index_cast %swap3A_420 : i32 to index
        %swap3A_422 = arith.index_cast %mul3A_419 : i32 to index
        %swap3A_423 = tpu.vector_load %arg5[%swap3A_421, %swap3A_422] {strides = array<i32>} : memref<16x2048xf32, #tpu.memory_space<vmem>>, vector<1x16xf32>,
        %swap3A_424 = vector.shape_cast %swap3A_423 : vector<1x16xf32> to vector<16xf32>
        %swap3A_425 = vector.shape_cast %select_n3A_417 : vector<16xf32> to vector<1x16xf32>
        tpu.vector_store %arg5[%swap3A_421, %swap3A_422], %swap3A_425 {strides = array<i32>} : memref<16x2048xf32, #tpu.memory_space<vmem>>, vector<1x16xf32>,
        %eq3A_426 = arith.constant 10 : i32
        %eq3A_427 = vector.broadcast %eq3A_426 : i32 to vector<16xi32>
        %eq3A_428 = arith.cmpi eq, %get3A_267, %eq3A_427 : vector<16xi32>
        %jit3A_429 = arith.constant 1.000000e+00 : f32
        %jit3A_430 = arith.constant 0.000000e+00 : f32
        %broadcast_in_dim3A_431 = vector.broadcast %jit3A_429 : f32 to vector<16xf32>
        %broadcast_in_dim3A_432 = vector.broadcast %jit3A_430 : f32 to vector<16xf32>
        %select_n3A_433 = arith.select %eq3A_428, %broadcast_in_dim3A_431, %broadcast_in_dim3A_432 : vector<16xi1>, vector<16xf32>
        %mul3A_434 = arith.constant 16 : i32
        %mul3A_435 = arith.muli %scan3A_262, %mul3A_434 : i32
        %swap3A_436 = arith.constant 10 : i32
        %swap3A_437 = arith.index_cast %swap3A_436 : i32 to index
        %swap3A_438 = arith.index_cast %mul3A_435 : i32 to index
        %swap3A_439 = tpu.vector_load %arg5[%swap3A_437, %swap3A_438] {strides = array<i32>} : memref<16x2048xf32, #tpu.memory_space<vmem>>, vector<1x16xf32>,
        %swap3A_440 = vector.shape_cast %swap3A_439 : vector<1x16xf32> to vector<16xf32>
        %swap3A_441 = vector.shape_cast %select_n3A_433 : vector<16xf32> to vector<1x16xf32>
        tpu.vector_store %arg5[%swap3A_437, %swap3A_438], %swap3A_441 {strides = array<i32>} : memref<16x2048xf32, #tpu.memory_space<vmem>>, vector<1x16xf32>,
        %eq3A_442 = arith.constant 11 : i32
        %eq3A_443 = vector.broadcast %eq3A_442 : i32 to vector<16xi32>
        %eq3A_444 = arith.cmpi eq, %get3A_267, %eq3A_443 : vector<16xi32>
        %jit3A_445 = arith.constant 1.000000e+00 : f32
        %jit3A_446 = arith.constant 0.000000e+00 : f32
        %broadcast_in_dim3A_447 = vector.broadcast %jit3A_445 : f32 to vector<16xf32>
        %broadcast_in_dim3A_448 = vector.broadcast %jit3A_446 : f32 to vector<16xf32>
        %select_n3A_449 = arith.select %eq3A_444, %broadcast_in_dim3A_447, %broadcast_in_dim3A_448 : vector<16xi1>, vector<16xf32>
        %mul3A_450 = arith.constant 16 : i32
        %mul3A_451 = arith.muli %scan3A_262, %mul3A_450 : i32
        %swap3A_452 = arith.constant 11 : i32
        %swap3A_453 = arith.index_cast %swap3A_452 : i32 to index
        %swap3A_454 = arith.index_cast %mul3A_451 : i32 to index
        %swap3A_455 = tpu.vector_load %arg5[%swap3A_453, %swap3A_454] {strides = array<i32>} : memref<16x2048xf32, #tpu.memory_space<vmem>>, vector<1x16xf32>,
        %swap3A_456 = vector.shape_cast %swap3A_455 : vector<1x16xf32> to vector<16xf32>
        %swap3A_457 = vector.shape_cast %select_n3A_449 : vector<16xf32> to vector<1x16xf32>
        tpu.vector_store %arg5[%swap3A_453, %swap3A_454], %swap3A_457 {strides = array<i32>} : memref<16x2048xf32, #tpu.memory_space<vmem>>, vector<1x16xf32>,
        %eq3A_458 = arith.constant 12 : i32
        %eq3A_459 = vector.broadcast %eq3A_458 : i32 to vector<16xi32>
        %eq3A_460 = arith.cmpi eq, %get3A_267, %eq3A_459 : vector<16xi32>
        %jit3A_461 = arith.constant 1.000000e+00 : f32
        %jit3A_462 = arith.constant 0.000000e+00 : f32
        %broadcast_in_dim3A_463 = vector.broadcast %jit3A_461 : f32 to vector<16xf32>
        %broadcast_in_dim3A_464 = vector.broadcast %jit3A_462 : f32 to vector<16xf32>
        %select_n3A_465 = arith.select %eq3A_460, %broadcast_in_dim3A_463, %broadcast_in_dim3A_464 : vector<16xi1>, vector<16xf32>
        %mul3A_466 = arith.constant 16 : i32
        %mul3A_467 = arith.muli %scan3A_262, %mul3A_466 : i32
        %swap3A_468 = arith.constant 12 : i32
        %swap3A_469 = arith.index_cast %swap3A_468 : i32 to index
        %swap3A_470 = arith.index_cast %mul3A_467 : i32 to index
        %swap3A_471 = tpu.vector_load %arg5[%swap3A_469, %swap3A_470] {strides = array<i32>} : memref<16x2048xf32, #tpu.memory_space<vmem>>, vector<1x16xf32>,
        %swap3A_472 = vector.shape_cast %swap3A_471 : vector<1x16xf32> to vector<16xf32>
        %swap3A_473 = vector.shape_cast %select_n3A_465 : vector<16xf32> to vector<1x16xf32>
        tpu.vector_store %arg5[%swap3A_469, %swap3A_470], %swap3A_473 {strides = array<i32>} : memref<16x2048xf32, #tpu.memory_space<vmem>>, vector<1x16xf32>,
        %eq3A_474 = arith.constant 13 : i32
        %eq3A_475 = vector.broadcast %eq3A_474 : i32 to vector<16xi32>
        %eq3A_476 = arith.cmpi eq, %get3A_267, %eq3A_475 : vector<16xi32>
        %jit3A_477 = arith.constant 1.000000e+00 : f32
        %jit3A_478 = arith.constant 0.000000e+00 : f32
        %broadcast_in_dim3A_479 = vector.broadcast %jit3A_477 : f32 to vector<16xf32>
        %broadcast_in_dim3A_480 = vector.broadcast %jit3A_478 : f32 to vector<16xf32>
        %select_n3A_481 = arith.select %eq3A_476, %broadcast_in_dim3A_479, %broadcast_in_dim3A_480 : vector<16xi1>, vector<16xf32>
        %mul3A_482 = arith.constant 16 : i32
        %mul3A_483 = arith.muli %scan3A_262, %mul3A_482 : i32
        %swap3A_484 = arith.constant 13 : i32
        %swap3A_485 = arith.index_cast %swap3A_484 : i32 to index
        %swap3A_486 = arith.index_cast %mul3A_483 : i32 to index
        %swap3A_487 = tpu.vector_load %arg5[%swap3A_485, %swap3A_486] {strides = array<i32>} : memref<16x2048xf32, #tpu.memory_space<vmem>>, vector<1x16xf32>,
        %swap3A_488 = vector.shape_cast %swap3A_487 : vector<1x16xf32> to vector<16xf32>
        %swap3A_489 = vector.shape_cast %select_n3A_481 : vector<16xf32> to vector<1x16xf32>
        tpu.vector_store %arg5[%swap3A_485, %swap3A_486], %swap3A_489 {strides = array<i32>} : memref<16x2048xf32, #tpu.memory_space<vmem>>, vector<1x16xf32>,
        %eq3A_490 = arith.constant 14 : i32
        %eq3A_491 = vector.broadcast %eq3A_490 : i32 to vector<16xi32>
        %eq3A_492 = arith.cmpi eq, %get3A_267, %eq3A_491 : vector<16xi32>
        %jit3A_493 = arith.constant 1.000000e+00 : f32
        %jit3A_494 = arith.constant 0.000000e+00 : f32
        %broadcast_in_dim3A_495 = vector.broadcast %jit3A_493 : f32 to vector<16xf32>
        %broadcast_in_dim3A_496 = vector.broadcast %jit3A_494 : f32 to vector<16xf32>
        %select_n3A_497 = arith.select %eq3A_492, %broadcast_in_dim3A_495, %broadcast_in_dim3A_496 : vector<16xi1>, vector<16xf32>
        %mul3A_498 = arith.constant 16 : i32
        %mul3A_499 = arith.muli %scan3A_262, %mul3A_498 : i32
        %swap3A_500 = arith.constant 14 : i32
        %swap3A_501 = arith.index_cast %swap3A_500 : i32 to index
        %swap3A_502 = arith.index_cast %mul3A_499 : i32 to index
        %swap3A_503 = tpu.vector_load %arg5[%swap3A_501, %swap3A_502] {strides = array<i32>} : memref<16x2048xf32, #tpu.memory_space<vmem>>, vector<1x16xf32>,
        %swap3A_504 = vector.shape_cast %swap3A_503 : vector<1x16xf32> to vector<16xf32>
        %swap3A_505 = vector.shape_cast %select_n3A_497 : vector<16xf32> to vector<1x16xf32>
        tpu.vector_store %arg5[%swap3A_501, %swap3A_502], %swap3A_505 {strides = array<i32>} : memref<16x2048xf32, #tpu.memory_space<vmem>>, vector<1x16xf32>,
        %eq3A_506 = arith.constant 15 : i32
        %eq3A_507 = vector.broadcast %eq3A_506 : i32 to vector<16xi32>
        %eq3A_508 = arith.cmpi eq, %get3A_267, %eq3A_507 : vector<16xi32>
        %jit3A_509 = arith.constant 1.000000e+00 : f32
        %jit3A_510 = arith.constant 0.000000e+00 : f32
        %broadcast_in_dim3A_511 = vector.broadcast %jit3A_509 : f32 to vector<16xf32>
        %broadcast_in_dim3A_512 = vector.broadcast %jit3A_510 : f32 to vector<16xf32>
        %select_n3A_513 = arith.select %eq3A_508, %broadcast_in_dim3A_511, %broadcast_in_dim3A_512 : vector<16xi1>, vector<16xf32>
        %mul3A_514 = arith.constant 16 : i32
        %mul3A_515 = arith.muli %scan3A_262, %mul3A_514 : i32
        %swap3A_516 = arith.constant 15 : i32
        %swap3A_517 = arith.index_cast %swap3A_516 : i32 to index
        %swap3A_518 = arith.index_cast %mul3A_515 : i32 to index
        %swap3A_519 = tpu.vector_load %arg5[%swap3A_517, %swap3A_518] {strides = array<i32>} : memref<16x2048xf32, #tpu.memory_space<vmem>>, vector<1x16xf32>,
        %swap3A_520 = vector.shape_cast %swap3A_519 : vector<1x16xf32> to vector<16xf32>
        %swap3A_521 = vector.shape_cast %select_n3A_513 : vector<16xf32> to vector<1x16xf32>
        tpu.vector_store %arg5[%swap3A_517, %swap3A_518], %swap3A_521 {strides = array<i32>} : memref<16x2048xf32, #tpu.memory_space<vmem>>, vector<1x16xf32>,
        %scan3A_522 = arith.constant 0 : i32
        scf.yield %scan3A_522 : i32
      }
      %scan3A_53 = arith.constant 128 : i32
      %mul3A_54 = arith.constant 16 : i32
      %mul3A_55 = arith.muli %select_n3A, %mul3A_54 : i32
      %add3A_56 = arith.constant 0 : i32
      %add3A_57 = arith.addi %mul3A_55, %add3A_56 : i32
      %mul3A_58 = arith.constant 262144 : i32
      %mul3A_59 = arith.muli %add3A_57, %mul3A_58 : i32
      %mul3A_60 = arith.constant 65536 : i32
      %mul3A_61 = arith.muli %select_n3A_30, %mul3A_60 : i32
      %add3A_62 = arith.addi %mul3A_59, %mul3A_61 : i32
      %mul3A_63 = arith.constant 2048 : i32
      %mul3A_64 = arith.muli %scan3A_42, %mul3A_63 : i32
      %add3A_65 = arith.addi %add3A_62, %mul3A_64 : i32
      %run_scoped3A = arith.constant 0 : i32
      "tpu.region"() ({
        %run_scoped3A_262 = tpu.sem_alloc : memref<!tpu.dma_semaphore, #tpu.memory_space<semaphore_mem>>
        %dma_start3A = arith.constant 0 : i32
        %dma_start3A_263 = tpu.memref_slice %arg5[%run_scoped3A, %dma_start3A] : memref<16x2048xf32, #tpu.memory_space<vmem>> -> memref<1x2048xf32, #tpu.memory_space<vmem>>
        %dma_start3A_264 = tpu.memref_squeeze %dma_start3A_263 : memref<1x2048xf32, #tpu.memory_space<vmem>> -> memref<2048xf32, #tpu.memory_space<vmem>>
        %dma_start3A_265 = tpu.memref_slice %arg3[%add3A_65] : memref<33554432xf32, #tpu.memory_space<hbm>> -> memref<2048xf32, #tpu.memory_space<hbm>>
        %dma_start3A_266 = tpu.memref_slice %arg3[%add3A_65] : memref<33554432xf32, #tpu.memory_space<hbm>> -> memref<2048xf32, #tpu.memory_space<hbm>>
        %dma_start3A_267 = arith.constant 0 : i32
        %dma_start3A_268 = tpu.memref_slice %arg5[%run_scoped3A, %dma_start3A_267] : memref<16x2048xf32, #tpu.memory_space<vmem>> -> memref<1x2048xf32, #tpu.memory_space<vmem>>
        %dma_start3A_269 = tpu.memref_squeeze %dma_start3A_268 : memref<1x2048xf32, #tpu.memory_space<vmem>> -> memref<2048xf32, #tpu.memory_space<vmem>>
        tpu.enqueue_dma source(%dma_start3A_269 : memref<2048xf32, #tpu.memory_space<vmem>>) target(%dma_start3A_266 : memref<2048xf32, #tpu.memory_space<hbm>>) target_semaphore(%run_scoped3A_262 : memref<!tpu.dma_semaphore, #tpu.memory_space<semaphore_mem>>)
        %dma_wait3A = arith.constant 0 : i32
        %dma_wait3A_270 = tpu.memref_slice %arg5[%run_scoped3A, %dma_wait3A] : memref<16x2048xf32, #tpu.memory_space<vmem>> -> memref<1x2048xf32, #tpu.memory_space<vmem>>
        %dma_wait3A_271 = tpu.memref_squeeze %dma_wait3A_270 : memref<1x2048xf32, #tpu.memory_space<vmem>> -> memref<2048xf32, #tpu.memory_space<vmem>>
        %dma_wait3A_272 = tpu.memref_slice %arg3[%add3A_65] : memref<33554432xf32, #tpu.memory_space<hbm>> -> memref<2048xf32, #tpu.memory_space<hbm>>
        %dma_wait3A_273 = tpu.memref_slice %arg3[%add3A_65] : memref<33554432xf32, #tpu.memory_space<hbm>> -> memref<2048xf32, #tpu.memory_space<hbm>>
        %dma_wait3A_274 = arith.constant 0 : i32
        %dma_wait3A_275 = tpu.memref_slice %arg5[%run_scoped3A, %dma_wait3A_274] : memref<16x2048xf32, #tpu.memory_space<vmem>> -> memref<1x2048xf32, #tpu.memory_space<vmem>>
        %dma_wait3A_276 = tpu.memref_squeeze %dma_wait3A_275 : memref<1x2048xf32, #tpu.memory_space<vmem>> -> memref<2048xf32, #tpu.memory_space<vmem>>
        tpu.wait_dma2 semaphore(%run_scoped3A_262 : memref<!tpu.dma_semaphore, #tpu.memory_space<semaphore_mem>>) src(%dma_wait3A_276 : memref<2048xf32, #tpu.memory_space<vmem>>) dst(%dma_wait3A_273 : memref<2048xf32, #tpu.memory_space<hbm>>)
        tpu.yield
      }) : () -> ()
      %mul3A_66 = arith.constant 16 : i32
      %mul3A_67 = arith.muli %select_n3A, %mul3A_66 : i32
      %add3A_68 = arith.constant 1 : i32
      %add3A_69 = arith.addi %mul3A_67, %add3A_68 : i32
      %mul3A_70 = arith.constant 262144 : i32
      %mul3A_71 = arith.muli %add3A_69, %mul3A_70 : i32
      %mul3A_72 = arith.constant 65536 : i32
      %mul3A_73 = arith.muli %select_n3A_30, %mul3A_72 : i32
      %add3A_74 = arith.addi %mul3A_71, %mul3A_73 : i32
      %mul3A_75 = arith.constant 2048 : i32
      %mul3A_76 = arith.muli %scan3A_42, %mul3A_75 : i32
      %add3A_77 = arith.addi %add3A_74, %mul3A_76 : i32
      %run_scoped3A_78 = arith.constant 1 : i32
      "tpu.region"() ({
        %run_scoped3A_262 = tpu.sem_alloc : memref<!tpu.dma_semaphore, #tpu.memory_space<semaphore_mem>>
        %dma_start3A = arith.constant 0 : i32
        %dma_start3A_263 = tpu.memref_slice %arg5[%run_scoped3A_78, %dma_start3A] : memref<16x2048xf32, #tpu.memory_space<vmem>> -> memref<1x2048xf32, #tpu.memory_space<vmem>>
        %dma_start3A_264 = tpu.memref_squeeze %dma_start3A_263 : memref<1x2048xf32, #tpu.memory_space<vmem>> -> memref<2048xf32, #tpu.memory_space<vmem>>
        %dma_start3A_265 = tpu.memref_slice %arg3[%add3A_77] : memref<33554432xf32, #tpu.memory_space<hbm>> -> memref<2048xf32, #tpu.memory_space<hbm>>
        %dma_start3A_266 = tpu.memref_slice %arg3[%add3A_77] : memref<33554432xf32, #tpu.memory_space<hbm>> -> memref<2048xf32, #tpu.memory_space<hbm>>
        %dma_start3A_267 = arith.constant 0 : i32
        %dma_start3A_268 = tpu.memref_slice %arg5[%run_scoped3A_78, %dma_start3A_267] : memref<16x2048xf32, #tpu.memory_space<vmem>> -> memref<1x2048xf32, #tpu.memory_space<vmem>>
        %dma_start3A_269 = tpu.memref_squeeze %dma_start3A_268 : memref<1x2048xf32, #tpu.memory_space<vmem>> -> memref<2048xf32, #tpu.memory_space<vmem>>
        tpu.enqueue_dma source(%dma_start3A_269 : memref<2048xf32, #tpu.memory_space<vmem>>) target(%dma_start3A_266 : memref<2048xf32, #tpu.memory_space<hbm>>) target_semaphore(%run_scoped3A_262 : memref<!tpu.dma_semaphore, #tpu.memory_space<semaphore_mem>>)
        %dma_wait3A = arith.constant 0 : i32
        %dma_wait3A_270 = tpu.memref_slice %arg5[%run_scoped3A_78, %dma_wait3A] : memref<16x2048xf32, #tpu.memory_space<vmem>> -> memref<1x2048xf32, #tpu.memory_space<vmem>>
        %dma_wait3A_271 = tpu.memref_squeeze %dma_wait3A_270 : memref<1x2048xf32, #tpu.memory_space<vmem>> -> memref<2048xf32, #tpu.memory_space<vmem>>
        %dma_wait3A_272 = tpu.memref_slice %arg3[%add3A_77] : memref<33554432xf32, #tpu.memory_space<hbm>> -> memref<2048xf32, #tpu.memory_space<hbm>>
        %dma_wait3A_273 = tpu.memref_slice %arg3[%add3A_77] : memref<33554432xf32, #tpu.memory_space<hbm>> -> memref<2048xf32, #tpu.memory_space<hbm>>
        %dma_wait3A_274 = arith.constant 0 : i32
        %dma_wait3A_275 = tpu.memref_slice %arg5[%run_scoped3A_78, %dma_wait3A_274] : memref<16x2048xf32, #tpu.memory_space<vmem>> -> memref<1x2048xf32, #tpu.memory_space<vmem>>
        %dma_wait3A_276 = tpu.memref_squeeze %dma_wait3A_275 : memref<1x2048xf32, #tpu.memory_space<vmem>> -> memref<2048xf32, #tpu.memory_space<vmem>>
        tpu.wait_dma2 semaphore(%run_scoped3A_262 : memref<!tpu.dma_semaphore, #tpu.memory_space<semaphore_mem>>) src(%dma_wait3A_276 : memref<2048xf32, #tpu.memory_space<vmem>>) dst(%dma_wait3A_273 : memref<2048xf32, #tpu.memory_space<hbm>>)
        tpu.yield
      }) : () -> ()
      %mul3A_79 = arith.constant 16 : i32
      %mul3A_80 = arith.muli %select_n3A, %mul3A_79 : i32
      %add3A_81 = arith.constant 2 : i32
      %add3A_82 = arith.addi %mul3A_80, %add3A_81 : i32
      %mul3A_83 = arith.constant 262144 : i32
      %mul3A_84 = arith.muli %add3A_82, %mul3A_83 : i32
      %mul3A_85 = arith.constant 65536 : i32
      %mul3A_86 = arith.muli %select_n3A_30, %mul3A_85 : i32
      %add3A_87 = arith.addi %mul3A_84, %mul3A_86 : i32
      %mul3A_88 = arith.constant 2048 : i32
      %mul3A_89 = arith.muli %scan3A_42, %mul3A_88 : i32
      %add3A_90 = arith.addi %add3A_87, %mul3A_89 : i32
      %run_scoped3A_91 = arith.constant 2 : i32
      "tpu.region"() ({
        %run_scoped3A_262 = tpu.sem_alloc : memref<!tpu.dma_semaphore, #tpu.memory_space<semaphore_mem>>
        %dma_start3A = arith.constant 0 : i32
        %dma_start3A_263 = tpu.memref_slice %arg5[%run_scoped3A_91, %dma_start3A] : memref<16x2048xf32, #tpu.memory_space<vmem>> -> memref<1x2048xf32, #tpu.memory_space<vmem>>
        %dma_start3A_264 = tpu.memref_squeeze %dma_start3A_263 : memref<1x2048xf32, #tpu.memory_space<vmem>> -> memref<2048xf32, #tpu.memory_space<vmem>>
        %dma_start3A_265 = tpu.memref_slice %arg3[%add3A_90] : memref<33554432xf32, #tpu.memory_space<hbm>> -> memref<2048xf32, #tpu.memory_space<hbm>>
        %dma_start3A_266 = tpu.memref_slice %arg3[%add3A_90] : memref<33554432xf32, #tpu.memory_space<hbm>> -> memref<2048xf32, #tpu.memory_space<hbm>>
        %dma_start3A_267 = arith.constant 0 : i32
        %dma_start3A_268 = tpu.memref_slice %arg5[%run_scoped3A_91, %dma_start3A_267] : memref<16x2048xf32, #tpu.memory_space<vmem>> -> memref<1x2048xf32, #tpu.memory_space<vmem>>
        %dma_start3A_269 = tpu.memref_squeeze %dma_start3A_268 : memref<1x2048xf32, #tpu.memory_space<vmem>> -> memref<2048xf32, #tpu.memory_space<vmem>>
        tpu.enqueue_dma source(%dma_start3A_269 : memref<2048xf32, #tpu.memory_space<vmem>>) target(%dma_start3A_266 : memref<2048xf32, #tpu.memory_space<hbm>>) target_semaphore(%run_scoped3A_262 : memref<!tpu.dma_semaphore, #tpu.memory_space<semaphore_mem>>)
        %dma_wait3A = arith.constant 0 : i32
        %dma_wait3A_270 = tpu.memref_slice %arg5[%run_scoped3A_91, %dma_wait3A] : memref<16x2048xf32, #tpu.memory_space<vmem>> -> memref<1x2048xf32, #tpu.memory_space<vmem>>
        %dma_wait3A_271 = tpu.memref_squeeze %dma_wait3A_270 : memref<1x2048xf32, #tpu.memory_space<vmem>> -> memref<2048xf32, #tpu.memory_space<vmem>>
        %dma_wait3A_272 = tpu.memref_slice %arg3[%add3A_90] : memref<33554432xf32, #tpu.memory_space<hbm>> -> memref<2048xf32, #tpu.memory_space<hbm>>
        %dma_wait3A_273 = tpu.memref_slice %arg3[%add3A_90] : memref<33554432xf32, #tpu.memory_space<hbm>> -> memref<2048xf32, #tpu.memory_space<hbm>>
        %dma_wait3A_274 = arith.constant 0 : i32
        %dma_wait3A_275 = tpu.memref_slice %arg5[%run_scoped3A_91, %dma_wait3A_274] : memref<16x2048xf32, #tpu.memory_space<vmem>> -> memref<1x2048xf32, #tpu.memory_space<vmem>>
        %dma_wait3A_276 = tpu.memref_squeeze %dma_wait3A_275 : memref<1x2048xf32, #tpu.memory_space<vmem>> -> memref<2048xf32, #tpu.memory_space<vmem>>
        tpu.wait_dma2 semaphore(%run_scoped3A_262 : memref<!tpu.dma_semaphore, #tpu.memory_space<semaphore_mem>>) src(%dma_wait3A_276 : memref<2048xf32, #tpu.memory_space<vmem>>) dst(%dma_wait3A_273 : memref<2048xf32, #tpu.memory_space<hbm>>)
        tpu.yield
      }) : () -> ()
      %mul3A_92 = arith.constant 16 : i32
      %mul3A_93 = arith.muli %select_n3A, %mul3A_92 : i32
      %add3A_94 = arith.constant 3 : i32
      %add3A_95 = arith.addi %mul3A_93, %add3A_94 : i32
      %mul3A_96 = arith.constant 262144 : i32
      %mul3A_97 = arith.muli %add3A_95, %mul3A_96 : i32
      %mul3A_98 = arith.constant 65536 : i32
      %mul3A_99 = arith.muli %select_n3A_30, %mul3A_98 : i32
      %add3A_100 = arith.addi %mul3A_97, %mul3A_99 : i32
      %mul3A_101 = arith.constant 2048 : i32
      %mul3A_102 = arith.muli %scan3A_42, %mul3A_101 : i32
      %add3A_103 = arith.addi %add3A_100, %mul3A_102 : i32
      %run_scoped3A_104 = arith.constant 3 : i32
      "tpu.region"() ({
        %run_scoped3A_262 = tpu.sem_alloc : memref<!tpu.dma_semaphore, #tpu.memory_space<semaphore_mem>>
        %dma_start3A = arith.constant 0 : i32
        %dma_start3A_263 = tpu.memref_slice %arg5[%run_scoped3A_104, %dma_start3A] : memref<16x2048xf32, #tpu.memory_space<vmem>> -> memref<1x2048xf32, #tpu.memory_space<vmem>>
        %dma_start3A_264 = tpu.memref_squeeze %dma_start3A_263 : memref<1x2048xf32, #tpu.memory_space<vmem>> -> memref<2048xf32, #tpu.memory_space<vmem>>
        %dma_start3A_265 = tpu.memref_slice %arg3[%add3A_103] : memref<33554432xf32, #tpu.memory_space<hbm>> -> memref<2048xf32, #tpu.memory_space<hbm>>
        %dma_start3A_266 = tpu.memref_slice %arg3[%add3A_103] : memref<33554432xf32, #tpu.memory_space<hbm>> -> memref<2048xf32, #tpu.memory_space<hbm>>
        %dma_start3A_267 = arith.constant 0 : i32
        %dma_start3A_268 = tpu.memref_slice %arg5[%run_scoped3A_104, %dma_start3A_267] : memref<16x2048xf32, #tpu.memory_space<vmem>> -> memref<1x2048xf32, #tpu.memory_space<vmem>>
        %dma_start3A_269 = tpu.memref_squeeze %dma_start3A_268 : memref<1x2048xf32, #tpu.memory_space<vmem>> -> memref<2048xf32, #tpu.memory_space<vmem>>
        tpu.enqueue_dma source(%dma_start3A_269 : memref<2048xf32, #tpu.memory_space<vmem>>) target(%dma_start3A_266 : memref<2048xf32, #tpu.memory_space<hbm>>) target_semaphore(%run_scoped3A_262 : memref<!tpu.dma_semaphore, #tpu.memory_space<semaphore_mem>>)
        %dma_wait3A = arith.constant 0 : i32
        %dma_wait3A_270 = tpu.memref_slice %arg5[%run_scoped3A_104, %dma_wait3A] : memref<16x2048xf32, #tpu.memory_space<vmem>> -> memref<1x2048xf32, #tpu.memory_space<vmem>>
        %dma_wait3A_271 = tpu.memref_squeeze %dma_wait3A_270 : memref<1x2048xf32, #tpu.memory_space<vmem>> -> memref<2048xf32, #tpu.memory_space<vmem>>
        %dma_wait3A_272 = tpu.memref_slice %arg3[%add3A_103] : memref<33554432xf32, #tpu.memory_space<hbm>> -> memref<2048xf32, #tpu.memory_space<hbm>>
        %dma_wait3A_273 = tpu.memref_slice %arg3[%add3A_103] : memref<33554432xf32, #tpu.memory_space<hbm>> -> memref<2048xf32, #tpu.memory_space<hbm>>
        %dma_wait3A_274 = arith.constant 0 : i32
        %dma_wait3A_275 = tpu.memref_slice %arg5[%run_scoped3A_104, %dma_wait3A_274] : memref<16x2048xf32, #tpu.memory_space<vmem>> -> memref<1x2048xf32, #tpu.memory_space<vmem>>
        %dma_wait3A_276 = tpu.memref_squeeze %dma_wait3A_275 : memref<1x2048xf32, #tpu.memory_space<vmem>> -> memref<2048xf32, #tpu.memory_space<vmem>>
        tpu.wait_dma2 semaphore(%run_scoped3A_262 : memref<!tpu.dma_semaphore, #tpu.memory_space<semaphore_mem>>) src(%dma_wait3A_276 : memref<2048xf32, #tpu.memory_space<vmem>>) dst(%dma_wait3A_273 : memref<2048xf32, #tpu.memory_space<hbm>>)
        tpu.yield
      }) : () -> ()
      %mul3A_105 = arith.constant 16 : i32
      %mul3A_106 = arith.muli %select_n3A, %mul3A_105 : i32
      %add3A_107 = arith.constant 4 : i32
      %add3A_108 = arith.addi %mul3A_106, %add3A_107 : i32
      %mul3A_109 = arith.constant 262144 : i32
      %mul3A_110 = arith.muli %add3A_108, %mul3A_109 : i32
      %mul3A_111 = arith.constant 65536 : i32
      %mul3A_112 = arith.muli %select_n3A_30, %mul3A_111 : i32
      %add3A_113 = arith.addi %mul3A_110, %mul3A_112 : i32
      %mul3A_114 = arith.constant 2048 : i32
      %mul3A_115 = arith.muli %scan3A_42, %mul3A_114 : i32
      %add3A_116 = arith.addi %add3A_113, %mul3A_115 : i32
      %run_scoped3A_117 = arith.constant 4 : i32
      "tpu.region"() ({
        %run_scoped3A_262 = tpu.sem_alloc : memref<!tpu.dma_semaphore, #tpu.memory_space<semaphore_mem>>
        %dma_start3A = arith.constant 0 : i32
        %dma_start3A_263 = tpu.memref_slice %arg5[%run_scoped3A_117, %dma_start3A] : memref<16x2048xf32, #tpu.memory_space<vmem>> -> memref<1x2048xf32, #tpu.memory_space<vmem>>
        %dma_start3A_264 = tpu.memref_squeeze %dma_start3A_263 : memref<1x2048xf32, #tpu.memory_space<vmem>> -> memref<2048xf32, #tpu.memory_space<vmem>>
        %dma_start3A_265 = tpu.memref_slice %arg3[%add3A_116] : memref<33554432xf32, #tpu.memory_space<hbm>> -> memref<2048xf32, #tpu.memory_space<hbm>>
        %dma_start3A_266 = tpu.memref_slice %arg3[%add3A_116] : memref<33554432xf32, #tpu.memory_space<hbm>> -> memref<2048xf32, #tpu.memory_space<hbm>>
        %dma_start3A_267 = arith.constant 0 : i32
        %dma_start3A_268 = tpu.memref_slice %arg5[%run_scoped3A_117, %dma_start3A_267] : memref<16x2048xf32, #tpu.memory_space<vmem>> -> memref<1x2048xf32, #tpu.memory_space<vmem>>
        %dma_start3A_269 = tpu.memref_squeeze %dma_start3A_268 : memref<1x2048xf32, #tpu.memory_space<vmem>> -> memref<2048xf32, #tpu.memory_space<vmem>>
        tpu.enqueue_dma source(%dma_start3A_269 : memref<2048xf32, #tpu.memory_space<vmem>>) target(%dma_start3A_266 : memref<2048xf32, #tpu.memory_space<hbm>>) target_semaphore(%run_scoped3A_262 : memref<!tpu.dma_semaphore, #tpu.memory_space<semaphore_mem>>)
        %dma_wait3A = arith.constant 0 : i32
        %dma_wait3A_270 = tpu.memref_slice %arg5[%run_scoped3A_117, %dma_wait3A] : memref<16x2048xf32, #tpu.memory_space<vmem>> -> memref<1x2048xf32, #tpu.memory_space<vmem>>
        %dma_wait3A_271 = tpu.memref_squeeze %dma_wait3A_270 : memref<1x2048xf32, #tpu.memory_space<vmem>> -> memref<2048xf32, #tpu.memory_space<vmem>>
        %dma_wait3A_272 = tpu.memref_slice %arg3[%add3A_116] : memref<33554432xf32, #tpu.memory_space<hbm>> -> memref<2048xf32, #tpu.memory_space<hbm>>
        %dma_wait3A_273 = tpu.memref_slice %arg3[%add3A_116] : memref<33554432xf32, #tpu.memory_space<hbm>> -> memref<2048xf32, #tpu.memory_space<hbm>>
        %dma_wait3A_274 = arith.constant 0 : i32
        %dma_wait3A_275 = tpu.memref_slice %arg5[%run_scoped3A_117, %dma_wait3A_274] : memref<16x2048xf32, #tpu.memory_space<vmem>> -> memref<1x2048xf32, #tpu.memory_space<vmem>>
        %dma_wait3A_276 = tpu.memref_squeeze %dma_wait3A_275 : memref<1x2048xf32, #tpu.memory_space<vmem>> -> memref<2048xf32, #tpu.memory_space<vmem>>
        tpu.wait_dma2 semaphore(%run_scoped3A_262 : memref<!tpu.dma_semaphore, #tpu.memory_space<semaphore_mem>>) src(%dma_wait3A_276 : memref<2048xf32, #tpu.memory_space<vmem>>) dst(%dma_wait3A_273 : memref<2048xf32, #tpu.memory_space<hbm>>)
        tpu.yield
      }) : () -> ()
      %mul3A_118 = arith.constant 16 : i32
      %mul3A_119 = arith.muli %select_n3A, %mul3A_118 : i32
      %add3A_120 = arith.constant 5 : i32
      %add3A_121 = arith.addi %mul3A_119, %add3A_120 : i32
      %mul3A_122 = arith.constant 262144 : i32
      %mul3A_123 = arith.muli %add3A_121, %mul3A_122 : i32
      %mul3A_124 = arith.constant 65536 : i32
      %mul3A_125 = arith.muli %select_n3A_30, %mul3A_124 : i32
      %add3A_126 = arith.addi %mul3A_123, %mul3A_125 : i32
      %mul3A_127 = arith.constant 2048 : i32
      %mul3A_128 = arith.muli %scan3A_42, %mul3A_127 : i32
      %add3A_129 = arith.addi %add3A_126, %mul3A_128 : i32
      %run_scoped3A_130 = arith.constant 5 : i32
      "tpu.region"() ({
        %run_scoped3A_262 = tpu.sem_alloc : memref<!tpu.dma_semaphore, #tpu.memory_space<semaphore_mem>>
        %dma_start3A = arith.constant 0 : i32
        %dma_start3A_263 = tpu.memref_slice %arg5[%run_scoped3A_130, %dma_start3A] : memref<16x2048xf32, #tpu.memory_space<vmem>> -> memref<1x2048xf32, #tpu.memory_space<vmem>>
        %dma_start3A_264 = tpu.memref_squeeze %dma_start3A_263 : memref<1x2048xf32, #tpu.memory_space<vmem>> -> memref<2048xf32, #tpu.memory_space<vmem>>
        %dma_start3A_265 = tpu.memref_slice %arg3[%add3A_129] : memref<33554432xf32, #tpu.memory_space<hbm>> -> memref<2048xf32, #tpu.memory_space<hbm>>
        %dma_start3A_266 = tpu.memref_slice %arg3[%add3A_129] : memref<33554432xf32, #tpu.memory_space<hbm>> -> memref<2048xf32, #tpu.memory_space<hbm>>
        %dma_start3A_267 = arith.constant 0 : i32
        %dma_start3A_268 = tpu.memref_slice %arg5[%run_scoped3A_130, %dma_start3A_267] : memref<16x2048xf32, #tpu.memory_space<vmem>> -> memref<1x2048xf32, #tpu.memory_space<vmem>>
        %dma_start3A_269 = tpu.memref_squeeze %dma_start3A_268 : memref<1x2048xf32, #tpu.memory_space<vmem>> -> memref<2048xf32, #tpu.memory_space<vmem>>
        tpu.enqueue_dma source(%dma_start3A_269 : memref<2048xf32, #tpu.memory_space<vmem>>) target(%dma_start3A_266 : memref<2048xf32, #tpu.memory_space<hbm>>) target_semaphore(%run_scoped3A_262 : memref<!tpu.dma_semaphore, #tpu.memory_space<semaphore_mem>>)
        %dma_wait3A = arith.constant 0 : i32
        %dma_wait3A_270 = tpu.memref_slice %arg5[%run_scoped3A_130, %dma_wait3A] : memref<16x2048xf32, #tpu.memory_space<vmem>> -> memref<1x2048xf32, #tpu.memory_space<vmem>>
        %dma_wait3A_271 = tpu.memref_squeeze %dma_wait3A_270 : memref<1x2048xf32, #tpu.memory_space<vmem>> -> memref<2048xf32, #tpu.memory_space<vmem>>
        %dma_wait3A_272 = tpu.memref_slice %arg3[%add3A_129] : memref<33554432xf32, #tpu.memory_space<hbm>> -> memref<2048xf32, #tpu.memory_space<hbm>>
        %dma_wait3A_273 = tpu.memref_slice %arg3[%add3A_129] : memref<33554432xf32, #tpu.memory_space<hbm>> -> memref<2048xf32, #tpu.memory_space<hbm>>
        %dma_wait3A_274 = arith.constant 0 : i32
        %dma_wait3A_275 = tpu.memref_slice %arg5[%run_scoped3A_130, %dma_wait3A_274] : memref<16x2048xf32, #tpu.memory_space<vmem>> -> memref<1x2048xf32, #tpu.memory_space<vmem>>
        %dma_wait3A_276 = tpu.memref_squeeze %dma_wait3A_275 : memref<1x2048xf32, #tpu.memory_space<vmem>> -> memref<2048xf32, #tpu.memory_space<vmem>>
        tpu.wait_dma2 semaphore(%run_scoped3A_262 : memref<!tpu.dma_semaphore, #tpu.memory_space<semaphore_mem>>) src(%dma_wait3A_276 : memref<2048xf32, #tpu.memory_space<vmem>>) dst(%dma_wait3A_273 : memref<2048xf32, #tpu.memory_space<hbm>>)
        tpu.yield
      }) : () -> ()
      %mul3A_131 = arith.constant 16 : i32
      %mul3A_132 = arith.muli %select_n3A, %mul3A_131 : i32
      %add3A_133 = arith.constant 6 : i32
      %add3A_134 = arith.addi %mul3A_132, %add3A_133 : i32
      %mul3A_135 = arith.constant 262144 : i32
      %mul3A_136 = arith.muli %add3A_134, %mul3A_135 : i32
      %mul3A_137 = arith.constant 65536 : i32
      %mul3A_138 = arith.muli %select_n3A_30, %mul3A_137 : i32
      %add3A_139 = arith.addi %mul3A_136, %mul3A_138 : i32
      %mul3A_140 = arith.constant 2048 : i32
      %mul3A_141 = arith.muli %scan3A_42, %mul3A_140 : i32
      %add3A_142 = arith.addi %add3A_139, %mul3A_141 : i32
      %run_scoped3A_143 = arith.constant 6 : i32
      "tpu.region"() ({
        %run_scoped3A_262 = tpu.sem_alloc : memref<!tpu.dma_semaphore, #tpu.memory_space<semaphore_mem>>
        %dma_start3A = arith.constant 0 : i32
        %dma_start3A_263 = tpu.memref_slice %arg5[%run_scoped3A_143, %dma_start3A] : memref<16x2048xf32, #tpu.memory_space<vmem>> -> memref<1x2048xf32, #tpu.memory_space<vmem>>
        %dma_start3A_264 = tpu.memref_squeeze %dma_start3A_263 : memref<1x2048xf32, #tpu.memory_space<vmem>> -> memref<2048xf32, #tpu.memory_space<vmem>>
        %dma_start3A_265 = tpu.memref_slice %arg3[%add3A_142] : memref<33554432xf32, #tpu.memory_space<hbm>> -> memref<2048xf32, #tpu.memory_space<hbm>>
        %dma_start3A_266 = tpu.memref_slice %arg3[%add3A_142] : memref<33554432xf32, #tpu.memory_space<hbm>> -> memref<2048xf32, #tpu.memory_space<hbm>>
        %dma_start3A_267 = arith.constant 0 : i32
        %dma_start3A_268 = tpu.memref_slice %arg5[%run_scoped3A_143, %dma_start3A_267] : memref<16x2048xf32, #tpu.memory_space<vmem>> -> memref<1x2048xf32, #tpu.memory_space<vmem>>
        %dma_start3A_269 = tpu.memref_squeeze %dma_start3A_268 : memref<1x2048xf32, #tpu.memory_space<vmem>> -> memref<2048xf32, #tpu.memory_space<vmem>>
        tpu.enqueue_dma source(%dma_start3A_269 : memref<2048xf32, #tpu.memory_space<vmem>>) target(%dma_start3A_266 : memref<2048xf32, #tpu.memory_space<hbm>>) target_semaphore(%run_scoped3A_262 : memref<!tpu.dma_semaphore, #tpu.memory_space<semaphore_mem>>)
        %dma_wait3A = arith.constant 0 : i32
        %dma_wait3A_270 = tpu.memref_slice %arg5[%run_scoped3A_143, %dma_wait3A] : memref<16x2048xf32, #tpu.memory_space<vmem>> -> memref<1x2048xf32, #tpu.memory_space<vmem>>
        %dma_wait3A_271 = tpu.memref_squeeze %dma_wait3A_270 : memref<1x2048xf32, #tpu.memory_space<vmem>> -> memref<2048xf32, #tpu.memory_space<vmem>>
        %dma_wait3A_272 = tpu.memref_slice %arg3[%add3A_142] : memref<33554432xf32, #tpu.memory_space<hbm>> -> memref<2048xf32, #tpu.memory_space<hbm>>
        %dma_wait3A_273 = tpu.memref_slice %arg3[%add3A_142] : memref<33554432xf32, #tpu.memory_space<hbm>> -> memref<2048xf32, #tpu.memory_space<hbm>>
        %dma_wait3A_274 = arith.constant 0 : i32
        %dma_wait3A_275 = tpu.memref_slice %arg5[%run_scoped3A_143, %dma_wait3A_274] : memref<16x2048xf32, #tpu.memory_space<vmem>> -> memref<1x2048xf32, #tpu.memory_space<vmem>>
        %dma_wait3A_276 = tpu.memref_squeeze %dma_wait3A_275 : memref<1x2048xf32, #tpu.memory_space<vmem>> -> memref<2048xf32, #tpu.memory_space<vmem>>
        tpu.wait_dma2 semaphore(%run_scoped3A_262 : memref<!tpu.dma_semaphore, #tpu.memory_space<semaphore_mem>>) src(%dma_wait3A_276 : memref<2048xf32, #tpu.memory_space<vmem>>) dst(%dma_wait3A_273 : memref<2048xf32, #tpu.memory_space<hbm>>)
        tpu.yield
      }) : () -> ()
      %mul3A_144 = arith.constant 16 : i32
      %mul3A_145 = arith.muli %select_n3A, %mul3A_144 : i32
      %add3A_146 = arith.constant 7 : i32
      %add3A_147 = arith.addi %mul3A_145, %add3A_146 : i32
      %mul3A_148 = arith.constant 262144 : i32
      %mul3A_149 = arith.muli %add3A_147, %mul3A_148 : i32
      %mul3A_150 = arith.constant 65536 : i32
      %mul3A_151 = arith.muli %select_n3A_30, %mul3A_150 : i32
      %add3A_152 = arith.addi %mul3A_149, %mul3A_151 : i32
      %mul3A_153 = arith.constant 2048 : i32
      %mul3A_154 = arith.muli %scan3A_42, %mul3A_153 : i32
      %add3A_155 = arith.addi %add3A_152, %mul3A_154 : i32
      %run_scoped3A_156 = arith.constant 7 : i32
      "tpu.region"() ({
        %run_scoped3A_262 = tpu.sem_alloc : memref<!tpu.dma_semaphore, #tpu.memory_space<semaphore_mem>>
        %dma_start3A = arith.constant 0 : i32
        %dma_start3A_263 = tpu.memref_slice %arg5[%run_scoped3A_156, %dma_start3A] : memref<16x2048xf32, #tpu.memory_space<vmem>> -> memref<1x2048xf32, #tpu.memory_space<vmem>>
        %dma_start3A_264 = tpu.memref_squeeze %dma_start3A_263 : memref<1x2048xf32, #tpu.memory_space<vmem>> -> memref<2048xf32, #tpu.memory_space<vmem>>
        %dma_start3A_265 = tpu.memref_slice %arg3[%add3A_155] : memref<33554432xf32, #tpu.memory_space<hbm>> -> memref<2048xf32, #tpu.memory_space<hbm>>
        %dma_start3A_266 = tpu.memref_slice %arg3[%add3A_155] : memref<33554432xf32, #tpu.memory_space<hbm>> -> memref<2048xf32, #tpu.memory_space<hbm>>
        %dma_start3A_267 = arith.constant 0 : i32
        %dma_start3A_268 = tpu.memref_slice %arg5[%run_scoped3A_156, %dma_start3A_267] : memref<16x2048xf32, #tpu.memory_space<vmem>> -> memref<1x2048xf32, #tpu.memory_space<vmem>>
        %dma_start3A_269 = tpu.memref_squeeze %dma_start3A_268 : memref<1x2048xf32, #tpu.memory_space<vmem>> -> memref<2048xf32, #tpu.memory_space<vmem>>
        tpu.enqueue_dma source(%dma_start3A_269 : memref<2048xf32, #tpu.memory_space<vmem>>) target(%dma_start3A_266 : memref<2048xf32, #tpu.memory_space<hbm>>) target_semaphore(%run_scoped3A_262 : memref<!tpu.dma_semaphore, #tpu.memory_space<semaphore_mem>>)
        %dma_wait3A = arith.constant 0 : i32
        %dma_wait3A_270 = tpu.memref_slice %arg5[%run_scoped3A_156, %dma_wait3A] : memref<16x2048xf32, #tpu.memory_space<vmem>> -> memref<1x2048xf32, #tpu.memory_space<vmem>>
        %dma_wait3A_271 = tpu.memref_squeeze %dma_wait3A_270 : memref<1x2048xf32, #tpu.memory_space<vmem>> -> memref<2048xf32, #tpu.memory_space<vmem>>
        %dma_wait3A_272 = tpu.memref_slice %arg3[%add3A_155] : memref<33554432xf32, #tpu.memory_space<hbm>> -> memref<2048xf32, #tpu.memory_space<hbm>>
        %dma_wait3A_273 = tpu.memref_slice %arg3[%add3A_155] : memref<33554432xf32, #tpu.memory_space<hbm>> -> memref<2048xf32, #tpu.memory_space<hbm>>
        %dma_wait3A_274 = arith.constant 0 : i32
        %dma_wait3A_275 = tpu.memref_slice %arg5[%run_scoped3A_156, %dma_wait3A_274] : memref<16x2048xf32, #tpu.memory_space<vmem>> -> memref<1x2048xf32, #tpu.memory_space<vmem>>
        %dma_wait3A_276 = tpu.memref_squeeze %dma_wait3A_275 : memref<1x2048xf32, #tpu.memory_space<vmem>> -> memref<2048xf32, #tpu.memory_space<vmem>>
        tpu.wait_dma2 semaphore(%run_scoped3A_262 : memref<!tpu.dma_semaphore, #tpu.memory_space<semaphore_mem>>) src(%dma_wait3A_276 : memref<2048xf32, #tpu.memory_space<vmem>>) dst(%dma_wait3A_273 : memref<2048xf32, #tpu.memory_space<hbm>>)
        tpu.yield
      }) : () -> ()
      %mul3A_157 = arith.constant 16 : i32
      %mul3A_158 = arith.muli %select_n3A, %mul3A_157 : i32
      %add3A_159 = arith.constant 8 : i32
      %add3A_160 = arith.addi %mul3A_158, %add3A_159 : i32
      %mul3A_161 = arith.constant 262144 : i32
      %mul3A_162 = arith.muli %add3A_160, %mul3A_161 : i32
      %mul3A_163 = arith.constant 65536 : i32
      %mul3A_164 = arith.muli %select_n3A_30, %mul3A_163 : i32
      %add3A_165 = arith.addi %mul3A_162, %mul3A_164 : i32
      %mul3A_166 = arith.constant 2048 : i32
      %mul3A_167 = arith.muli %scan3A_42, %mul3A_166 : i32
      %add3A_168 = arith.addi %add3A_165, %mul3A_167 : i32
      %run_scoped3A_169 = arith.constant 8 : i32
      "tpu.region"() ({
        %run_scoped3A_262 = tpu.sem_alloc : memref<!tpu.dma_semaphore, #tpu.memory_space<semaphore_mem>>
        %dma_start3A = arith.constant 0 : i32
        %dma_start3A_263 = tpu.memref_slice %arg5[%run_scoped3A_169, %dma_start3A] : memref<16x2048xf32, #tpu.memory_space<vmem>> -> memref<1x2048xf32, #tpu.memory_space<vmem>>
        %dma_start3A_264 = tpu.memref_squeeze %dma_start3A_263 : memref<1x2048xf32, #tpu.memory_space<vmem>> -> memref<2048xf32, #tpu.memory_space<vmem>>
        %dma_start3A_265 = tpu.memref_slice %arg3[%add3A_168] : memref<33554432xf32, #tpu.memory_space<hbm>> -> memref<2048xf32, #tpu.memory_space<hbm>>
        %dma_start3A_266 = tpu.memref_slice %arg3[%add3A_168] : memref<33554432xf32, #tpu.memory_space<hbm>> -> memref<2048xf32, #tpu.memory_space<hbm>>
        %dma_start3A_267 = arith.constant 0 : i32
        %dma_start3A_268 = tpu.memref_slice %arg5[%run_scoped3A_169, %dma_start3A_267] : memref<16x2048xf32, #tpu.memory_space<vmem>> -> memref<1x2048xf32, #tpu.memory_space<vmem>>
        %dma_start3A_269 = tpu.memref_squeeze %dma_start3A_268 : memref<1x2048xf32, #tpu.memory_space<vmem>> -> memref<2048xf32, #tpu.memory_space<vmem>>
        tpu.enqueue_dma source(%dma_start3A_269 : memref<2048xf32, #tpu.memory_space<vmem>>) target(%dma_start3A_266 : memref<2048xf32, #tpu.memory_space<hbm>>) target_semaphore(%run_scoped3A_262 : memref<!tpu.dma_semaphore, #tpu.memory_space<semaphore_mem>>)
        %dma_wait3A = arith.constant 0 : i32
        %dma_wait3A_270 = tpu.memref_slice %arg5[%run_scoped3A_169, %dma_wait3A] : memref<16x2048xf32, #tpu.memory_space<vmem>> -> memref<1x2048xf32, #tpu.memory_space<vmem>>
        %dma_wait3A_271 = tpu.memref_squeeze %dma_wait3A_270 : memref<1x2048xf32, #tpu.memory_space<vmem>> -> memref<2048xf32, #tpu.memory_space<vmem>>
        %dma_wait3A_272 = tpu.memref_slice %arg3[%add3A_168] : memref<33554432xf32, #tpu.memory_space<hbm>> -> memref<2048xf32, #tpu.memory_space<hbm>>
        %dma_wait3A_273 = tpu.memref_slice %arg3[%add3A_168] : memref<33554432xf32, #tpu.memory_space<hbm>> -> memref<2048xf32, #tpu.memory_space<hbm>>
        %dma_wait3A_274 = arith.constant 0 : i32
        %dma_wait3A_275 = tpu.memref_slice %arg5[%run_scoped3A_169, %dma_wait3A_274] : memref<16x2048xf32, #tpu.memory_space<vmem>> -> memref<1x2048xf32, #tpu.memory_space<vmem>>
        %dma_wait3A_276 = tpu.memref_squeeze %dma_wait3A_275 : memref<1x2048xf32, #tpu.memory_space<vmem>> -> memref<2048xf32, #tpu.memory_space<vmem>>
        tpu.wait_dma2 semaphore(%run_scoped3A_262 : memref<!tpu.dma_semaphore, #tpu.memory_space<semaphore_mem>>) src(%dma_wait3A_276 : memref<2048xf32, #tpu.memory_space<vmem>>) dst(%dma_wait3A_273 : memref<2048xf32, #tpu.memory_space<hbm>>)
        tpu.yield
      }) : () -> ()
      %mul3A_170 = arith.constant 16 : i32
      %mul3A_171 = arith.muli %select_n3A, %mul3A_170 : i32
      %add3A_172 = arith.constant 9 : i32
      %add3A_173 = arith.addi %mul3A_171, %add3A_172 : i32
      %mul3A_174 = arith.constant 262144 : i32
      %mul3A_175 = arith.muli %add3A_173, %mul3A_174 : i32
      %mul3A_176 = arith.constant 65536 : i32
      %mul3A_177 = arith.muli %select_n3A_30, %mul3A_176 : i32
      %add3A_178 = arith.addi %mul3A_175, %mul3A_177 : i32
      %mul3A_179 = arith.constant 2048 : i32
      %mul3A_180 = arith.muli %scan3A_42, %mul3A_179 : i32
      %add3A_181 = arith.addi %add3A_178, %mul3A_180 : i32
      %run_scoped3A_182 = arith.constant 9 : i32
      "tpu.region"() ({
        %run_scoped3A_262 = tpu.sem_alloc : memref<!tpu.dma_semaphore, #tpu.memory_space<semaphore_mem>>
        %dma_start3A = arith.constant 0 : i32
        %dma_start3A_263 = tpu.memref_slice %arg5[%run_scoped3A_182, %dma_start3A] : memref<16x2048xf32, #tpu.memory_space<vmem>> -> memref<1x2048xf32, #tpu.memory_space<vmem>>
        %dma_start3A_264 = tpu.memref_squeeze %dma_start3A_263 : memref<1x2048xf32, #tpu.memory_space<vmem>> -> memref<2048xf32, #tpu.memory_space<vmem>>
        %dma_start3A_265 = tpu.memref_slice %arg3[%add3A_181] : memref<33554432xf32, #tpu.memory_space<hbm>> -> memref<2048xf32, #tpu.memory_space<hbm>>
        %dma_start3A_266 = tpu.memref_slice %arg3[%add3A_181] : memref<33554432xf32, #tpu.memory_space<hbm>> -> memref<2048xf32, #tpu.memory_space<hbm>>
        %dma_start3A_267 = arith.constant 0 : i32
        %dma_start3A_268 = tpu.memref_slice %arg5[%run_scoped3A_182, %dma_start3A_267] : memref<16x2048xf32, #tpu.memory_space<vmem>> -> memref<1x2048xf32, #tpu.memory_space<vmem>>
        %dma_start3A_269 = tpu.memref_squeeze %dma_start3A_268 : memref<1x2048xf32, #tpu.memory_space<vmem>> -> memref<2048xf32, #tpu.memory_space<vmem>>
        tpu.enqueue_dma source(%dma_start3A_269 : memref<2048xf32, #tpu.memory_space<vmem>>) target(%dma_start3A_266 : memref<2048xf32, #tpu.memory_space<hbm>>) target_semaphore(%run_scoped3A_262 : memref<!tpu.dma_semaphore, #tpu.memory_space<semaphore_mem>>)
        %dma_wait3A = arith.constant 0 : i32
        %dma_wait3A_270 = tpu.memref_slice %arg5[%run_scoped3A_182, %dma_wait3A] : memref<16x2048xf32, #tpu.memory_space<vmem>> -> memref<1x2048xf32, #tpu.memory_space<vmem>>
        %dma_wait3A_271 = tpu.memref_squeeze %dma_wait3A_270 : memref<1x2048xf32, #tpu.memory_space<vmem>> -> memref<2048xf32, #tpu.memory_space<vmem>>
        %dma_wait3A_272 = tpu.memref_slice %arg3[%add3A_181] : memref<33554432xf32, #tpu.memory_space<hbm>> -> memref<2048xf32, #tpu.memory_space<hbm>>
        %dma_wait3A_273 = tpu.memref_slice %arg3[%add3A_181] : memref<33554432xf32, #tpu.memory_space<hbm>> -> memref<2048xf32, #tpu.memory_space<hbm>>
        %dma_wait3A_274 = arith.constant 0 : i32
        %dma_wait3A_275 = tpu.memref_slice %arg5[%run_scoped3A_182, %dma_wait3A_274] : memref<16x2048xf32, #tpu.memory_space<vmem>> -> memref<1x2048xf32, #tpu.memory_space<vmem>>
        %dma_wait3A_276 = tpu.memref_squeeze %dma_wait3A_275 : memref<1x2048xf32, #tpu.memory_space<vmem>> -> memref<2048xf32, #tpu.memory_space<vmem>>
        tpu.wait_dma2 semaphore(%run_scoped3A_262 : memref<!tpu.dma_semaphore, #tpu.memory_space<semaphore_mem>>) src(%dma_wait3A_276 : memref<2048xf32, #tpu.memory_space<vmem>>) dst(%dma_wait3A_273 : memref<2048xf32, #tpu.memory_space<hbm>>)
        tpu.yield
      }) : () -> ()
      %mul3A_183 = arith.constant 16 : i32
      %mul3A_184 = arith.muli %select_n3A, %mul3A_183 : i32
      %add3A_185 = arith.constant 10 : i32
      %add3A_186 = arith.addi %mul3A_184, %add3A_185 : i32
      %mul3A_187 = arith.constant 262144 : i32
      %mul3A_188 = arith.muli %add3A_186, %mul3A_187 : i32
      %mul3A_189 = arith.constant 65536 : i32
      %mul3A_190 = arith.muli %select_n3A_30, %mul3A_189 : i32
      %add3A_191 = arith.addi %mul3A_188, %mul3A_190 : i32
      %mul3A_192 = arith.constant 2048 : i32
      %mul3A_193 = arith.muli %scan3A_42, %mul3A_192 : i32
      %add3A_194 = arith.addi %add3A_191, %mul3A_193 : i32
      %run_scoped3A_195 = arith.constant 10 : i32
      "tpu.region"() ({
        %run_scoped3A_262 = tpu.sem_alloc : memref<!tpu.dma_semaphore, #tpu.memory_space<semaphore_mem>>
        %dma_start3A = arith.constant 0 : i32
        %dma_start3A_263 = tpu.memref_slice %arg5[%run_scoped3A_195, %dma_start3A] : memref<16x2048xf32, #tpu.memory_space<vmem>> -> memref<1x2048xf32, #tpu.memory_space<vmem>>
        %dma_start3A_264 = tpu.memref_squeeze %dma_start3A_263 : memref<1x2048xf32, #tpu.memory_space<vmem>> -> memref<2048xf32, #tpu.memory_space<vmem>>
        %dma_start3A_265 = tpu.memref_slice %arg3[%add3A_194] : memref<33554432xf32, #tpu.memory_space<hbm>> -> memref<2048xf32, #tpu.memory_space<hbm>>
        %dma_start3A_266 = tpu.memref_slice %arg3[%add3A_194] : memref<33554432xf32, #tpu.memory_space<hbm>> -> memref<2048xf32, #tpu.memory_space<hbm>>
        %dma_start3A_267 = arith.constant 0 : i32
        %dma_start3A_268 = tpu.memref_slice %arg5[%run_scoped3A_195, %dma_start3A_267] : memref<16x2048xf32, #tpu.memory_space<vmem>> -> memref<1x2048xf32, #tpu.memory_space<vmem>>
        %dma_start3A_269 = tpu.memref_squeeze %dma_start3A_268 : memref<1x2048xf32, #tpu.memory_space<vmem>> -> memref<2048xf32, #tpu.memory_space<vmem>>
        tpu.enqueue_dma source(%dma_start3A_269 : memref<2048xf32, #tpu.memory_space<vmem>>) target(%dma_start3A_266 : memref<2048xf32, #tpu.memory_space<hbm>>) target_semaphore(%run_scoped3A_262 : memref<!tpu.dma_semaphore, #tpu.memory_space<semaphore_mem>>)
        %dma_wait3A = arith.constant 0 : i32
        %dma_wait3A_270 = tpu.memref_slice %arg5[%run_scoped3A_195, %dma_wait3A] : memref<16x2048xf32, #tpu.memory_space<vmem>> -> memref<1x2048xf32, #tpu.memory_space<vmem>>
        %dma_wait3A_271 = tpu.memref_squeeze %dma_wait3A_270 : memref<1x2048xf32, #tpu.memory_space<vmem>> -> memref<2048xf32, #tpu.memory_space<vmem>>
        %dma_wait3A_272 = tpu.memref_slice %arg3[%add3A_194] : memref<33554432xf32, #tpu.memory_space<hbm>> -> memref<2048xf32, #tpu.memory_space<hbm>>
        %dma_wait3A_273 = tpu.memref_slice %arg3[%add3A_194] : memref<33554432xf32, #tpu.memory_space<hbm>> -> memref<2048xf32, #tpu.memory_space<hbm>>
        %dma_wait3A_274 = arith.constant 0 : i32
        %dma_wait3A_275 = tpu.memref_slice %arg5[%run_scoped3A_195, %dma_wait3A_274] : memref<16x2048xf32, #tpu.memory_space<vmem>> -> memref<1x2048xf32, #tpu.memory_space<vmem>>
        %dma_wait3A_276 = tpu.memref_squeeze %dma_wait3A_275 : memref<1x2048xf32, #tpu.memory_space<vmem>> -> memref<2048xf32, #tpu.memory_space<vmem>>
        tpu.wait_dma2 semaphore(%run_scoped3A_262 : memref<!tpu.dma_semaphore, #tpu.memory_space<semaphore_mem>>) src(%dma_wait3A_276 : memref<2048xf32, #tpu.memory_space<vmem>>) dst(%dma_wait3A_273 : memref<2048xf32, #tpu.memory_space<hbm>>)
        tpu.yield
      }) : () -> ()
      %mul3A_196 = arith.constant 16 : i32
      %mul3A_197 = arith.muli %select_n3A, %mul3A_196 : i32
      %add3A_198 = arith.constant 11 : i32
      %add3A_199 = arith.addi %mul3A_197, %add3A_198 : i32
      %mul3A_200 = arith.constant 262144 : i32
      %mul3A_201 = arith.muli %add3A_199, %mul3A_200 : i32
      %mul3A_202 = arith.constant 65536 : i32
      %mul3A_203 = arith.muli %select_n3A_30, %mul3A_202 : i32
      %add3A_204 = arith.addi %mul3A_201, %mul3A_203 : i32
      %mul3A_205 = arith.constant 2048 : i32
      %mul3A_206 = arith.muli %scan3A_42, %mul3A_205 : i32
      %add3A_207 = arith.addi %add3A_204, %mul3A_206 : i32
      %run_scoped3A_208 = arith.constant 11 : i32
      "tpu.region"() ({
        %run_scoped3A_262 = tpu.sem_alloc : memref<!tpu.dma_semaphore, #tpu.memory_space<semaphore_mem>>
        %dma_start3A = arith.constant 0 : i32
        %dma_start3A_263 = tpu.memref_slice %arg5[%run_scoped3A_208, %dma_start3A] : memref<16x2048xf32, #tpu.memory_space<vmem>> -> memref<1x2048xf32, #tpu.memory_space<vmem>>
        %dma_start3A_264 = tpu.memref_squeeze %dma_start3A_263 : memref<1x2048xf32, #tpu.memory_space<vmem>> -> memref<2048xf32, #tpu.memory_space<vmem>>
        %dma_start3A_265 = tpu.memref_slice %arg3[%add3A_207] : memref<33554432xf32, #tpu.memory_space<hbm>> -> memref<2048xf32, #tpu.memory_space<hbm>>
        %dma_start3A_266 = tpu.memref_slice %arg3[%add3A_207] : memref<33554432xf32, #tpu.memory_space<hbm>> -> memref<2048xf32, #tpu.memory_space<hbm>>
        %dma_start3A_267 = arith.constant 0 : i32
        %dma_start3A_268 = tpu.memref_slice %arg5[%run_scoped3A_208, %dma_start3A_267] : memref<16x2048xf32, #tpu.memory_space<vmem>> -> memref<1x2048xf32, #tpu.memory_space<vmem>>
        %dma_start3A_269 = tpu.memref_squeeze %dma_start3A_268 : memref<1x2048xf32, #tpu.memory_space<vmem>> -> memref<2048xf32, #tpu.memory_space<vmem>>
        tpu.enqueue_dma source(%dma_start3A_269 : memref<2048xf32, #tpu.memory_space<vmem>>) target(%dma_start3A_266 : memref<2048xf32, #tpu.memory_space<hbm>>) target_semaphore(%run_scoped3A_262 : memref<!tpu.dma_semaphore, #tpu.memory_space<semaphore_mem>>)
        %dma_wait3A = arith.constant 0 : i32
        %dma_wait3A_270 = tpu.memref_slice %arg5[%run_scoped3A_208, %dma_wait3A] : memref<16x2048xf32, #tpu.memory_space<vmem>> -> memref<1x2048xf32, #tpu.memory_space<vmem>>
        %dma_wait3A_271 = tpu.memref_squeeze %dma_wait3A_270 : memref<1x2048xf32, #tpu.memory_space<vmem>> -> memref<2048xf32, #tpu.memory_space<vmem>>
        %dma_wait3A_272 = tpu.memref_slice %arg3[%add3A_207] : memref<33554432xf32, #tpu.memory_space<hbm>> -> memref<2048xf32, #tpu.memory_space<hbm>>
        %dma_wait3A_273 = tpu.memref_slice %arg3[%add3A_207] : memref<33554432xf32, #tpu.memory_space<hbm>> -> memref<2048xf32, #tpu.memory_space<hbm>>
        %dma_wait3A_274 = arith.constant 0 : i32
        %dma_wait3A_275 = tpu.memref_slice %arg5[%run_scoped3A_208, %dma_wait3A_274] : memref<16x2048xf32, #tpu.memory_space<vmem>> -> memref<1x2048xf32, #tpu.memory_space<vmem>>
        %dma_wait3A_276 = tpu.memref_squeeze %dma_wait3A_275 : memref<1x2048xf32, #tpu.memory_space<vmem>> -> memref<2048xf32, #tpu.memory_space<vmem>>
        tpu.wait_dma2 semaphore(%run_scoped3A_262 : memref<!tpu.dma_semaphore, #tpu.memory_space<semaphore_mem>>) src(%dma_wait3A_276 : memref<2048xf32, #tpu.memory_space<vmem>>) dst(%dma_wait3A_273 : memref<2048xf32, #tpu.memory_space<hbm>>)
        tpu.yield
      }) : () -> ()
      %mul3A_209 = arith.constant 16 : i32
      %mul3A_210 = arith.muli %select_n3A, %mul3A_209 : i32
      %add3A_211 = arith.constant 12 : i32
      %add3A_212 = arith.addi %mul3A_210, %add3A_211 : i32
      %mul3A_213 = arith.constant 262144 : i32
      %mul3A_214 = arith.muli %add3A_212, %mul3A_213 : i32
      %mul3A_215 = arith.constant 65536 : i32
      %mul3A_216 = arith.muli %select_n3A_30, %mul3A_215 : i32
      %add3A_217 = arith.addi %mul3A_214, %mul3A_216 : i32
      %mul3A_218 = arith.constant 2048 : i32
      %mul3A_219 = arith.muli %scan3A_42, %mul3A_218 : i32
      %add3A_220 = arith.addi %add3A_217, %mul3A_219 : i32
      %run_scoped3A_221 = arith.constant 12 : i32
      "tpu.region"() ({
        %run_scoped3A_262 = tpu.sem_alloc : memref<!tpu.dma_semaphore, #tpu.memory_space<semaphore_mem>>
        %dma_start3A = arith.constant 0 : i32
        %dma_start3A_263 = tpu.memref_slice %arg5[%run_scoped3A_221, %dma_start3A] : memref<16x2048xf32, #tpu.memory_space<vmem>> -> memref<1x2048xf32, #tpu.memory_space<vmem>>
        %dma_start3A_264 = tpu.memref_squeeze %dma_start3A_263 : memref<1x2048xf32, #tpu.memory_space<vmem>> -> memref<2048xf32, #tpu.memory_space<vmem>>
        %dma_start3A_265 = tpu.memref_slice %arg3[%add3A_220] : memref<33554432xf32, #tpu.memory_space<hbm>> -> memref<2048xf32, #tpu.memory_space<hbm>>
        %dma_start3A_266 = tpu.memref_slice %arg3[%add3A_220] : memref<33554432xf32, #tpu.memory_space<hbm>> -> memref<2048xf32, #tpu.memory_space<hbm>>
        %dma_start3A_267 = arith.constant 0 : i32
        %dma_start3A_268 = tpu.memref_slice %arg5[%run_scoped3A_221, %dma_start3A_267] : memref<16x2048xf32, #tpu.memory_space<vmem>> -> memref<1x2048xf32, #tpu.memory_space<vmem>>
        %dma_start3A_269 = tpu.memref_squeeze %dma_start3A_268 : memref<1x2048xf32, #tpu.memory_space<vmem>> -> memref<2048xf32, #tpu.memory_space<vmem>>
        tpu.enqueue_dma source(%dma_start3A_269 : memref<2048xf32, #tpu.memory_space<vmem>>) target(%dma_start3A_266 : memref<2048xf32, #tpu.memory_space<hbm>>) target_semaphore(%run_scoped3A_262 : memref<!tpu.dma_semaphore, #tpu.memory_space<semaphore_mem>>)
        %dma_wait3A = arith.constant 0 : i32
        %dma_wait3A_270 = tpu.memref_slice %arg5[%run_scoped3A_221, %dma_wait3A] : memref<16x2048xf32, #tpu.memory_space<vmem>> -> memref<1x2048xf32, #tpu.memory_space<vmem>>
        %dma_wait3A_271 = tpu.memref_squeeze %dma_wait3A_270 : memref<1x2048xf32, #tpu.memory_space<vmem>> -> memref<2048xf32, #tpu.memory_space<vmem>>
        %dma_wait3A_272 = tpu.memref_slice %arg3[%add3A_220] : memref<33554432xf32, #tpu.memory_space<hbm>> -> memref<2048xf32, #tpu.memory_space<hbm>>
        %dma_wait3A_273 = tpu.memref_slice %arg3[%add3A_220] : memref<33554432xf32, #tpu.memory_space<hbm>> -> memref<2048xf32, #tpu.memory_space<hbm>>
        %dma_wait3A_274 = arith.constant 0 : i32
        %dma_wait3A_275 = tpu.memref_slice %arg5[%run_scoped3A_221, %dma_wait3A_274] : memref<16x2048xf32, #tpu.memory_space<vmem>> -> memref<1x2048xf32, #tpu.memory_space<vmem>>
        %dma_wait3A_276 = tpu.memref_squeeze %dma_wait3A_275 : memref<1x2048xf32, #tpu.memory_space<vmem>> -> memref<2048xf32, #tpu.memory_space<vmem>>
        tpu.wait_dma2 semaphore(%run_scoped3A_262 : memref<!tpu.dma_semaphore, #tpu.memory_space<semaphore_mem>>) src(%dma_wait3A_276 : memref<2048xf32, #tpu.memory_space<vmem>>) dst(%dma_wait3A_273 : memref<2048xf32, #tpu.memory_space<hbm>>)
        tpu.yield
      }) : () -> ()
      %mul3A_222 = arith.constant 16 : i32
      %mul3A_223 = arith.muli %select_n3A, %mul3A_222 : i32
      %add3A_224 = arith.constant 13 : i32
      %add3A_225 = arith.addi %mul3A_223, %add3A_224 : i32
      %mul3A_226 = arith.constant 262144 : i32
      %mul3A_227 = arith.muli %add3A_225, %mul3A_226 : i32
      %mul3A_228 = arith.constant 65536 : i32
      %mul3A_229 = arith.muli %select_n3A_30, %mul3A_228 : i32
      %add3A_230 = arith.addi %mul3A_227, %mul3A_229 : i32
      %mul3A_231 = arith.constant 2048 : i32
      %mul3A_232 = arith.muli %scan3A_42, %mul3A_231 : i32
      %add3A_233 = arith.addi %add3A_230, %mul3A_232 : i32
      %run_scoped3A_234 = arith.constant 13 : i32
      "tpu.region"() ({
        %run_scoped3A_262 = tpu.sem_alloc : memref<!tpu.dma_semaphore, #tpu.memory_space<semaphore_mem>>
        %dma_start3A = arith.constant 0 : i32
        %dma_start3A_263 = tpu.memref_slice %arg5[%run_scoped3A_234, %dma_start3A] : memref<16x2048xf32, #tpu.memory_space<vmem>> -> memref<1x2048xf32, #tpu.memory_space<vmem>>
        %dma_start3A_264 = tpu.memref_squeeze %dma_start3A_263 : memref<1x2048xf32, #tpu.memory_space<vmem>> -> memref<2048xf32, #tpu.memory_space<vmem>>
        %dma_start3A_265 = tpu.memref_slice %arg3[%add3A_233] : memref<33554432xf32, #tpu.memory_space<hbm>> -> memref<2048xf32, #tpu.memory_space<hbm>>
        %dma_start3A_266 = tpu.memref_slice %arg3[%add3A_233] : memref<33554432xf32, #tpu.memory_space<hbm>> -> memref<2048xf32, #tpu.memory_space<hbm>>
        %dma_start3A_267 = arith.constant 0 : i32
        %dma_start3A_268 = tpu.memref_slice %arg5[%run_scoped3A_234, %dma_start3A_267] : memref<16x2048xf32, #tpu.memory_space<vmem>> -> memref<1x2048xf32, #tpu.memory_space<vmem>>
        %dma_start3A_269 = tpu.memref_squeeze %dma_start3A_268 : memref<1x2048xf32, #tpu.memory_space<vmem>> -> memref<2048xf32, #tpu.memory_space<vmem>>
        tpu.enqueue_dma source(%dma_start3A_269 : memref<2048xf32, #tpu.memory_space<vmem>>) target(%dma_start3A_266 : memref<2048xf32, #tpu.memory_space<hbm>>) target_semaphore(%run_scoped3A_262 : memref<!tpu.dma_semaphore, #tpu.memory_space<semaphore_mem>>)
        %dma_wait3A = arith.constant 0 : i32
        %dma_wait3A_270 = tpu.memref_slice %arg5[%run_scoped3A_234, %dma_wait3A] : memref<16x2048xf32, #tpu.memory_space<vmem>> -> memref<1x2048xf32, #tpu.memory_space<vmem>>
        %dma_wait3A_271 = tpu.memref_squeeze %dma_wait3A_270 : memref<1x2048xf32, #tpu.memory_space<vmem>> -> memref<2048xf32, #tpu.memory_space<vmem>>
        %dma_wait3A_272 = tpu.memref_slice %arg3[%add3A_233] : memref<33554432xf32, #tpu.memory_space<hbm>> -> memref<2048xf32, #tpu.memory_space<hbm>>
        %dma_wait3A_273 = tpu.memref_slice %arg3[%add3A_233] : memref<33554432xf32, #tpu.memory_space<hbm>> -> memref<2048xf32, #tpu.memory_space<hbm>>
        %dma_wait3A_274 = arith.constant 0 : i32
        %dma_wait3A_275 = tpu.memref_slice %arg5[%run_scoped3A_234, %dma_wait3A_274] : memref<16x2048xf32, #tpu.memory_space<vmem>> -> memref<1x2048xf32, #tpu.memory_space<vmem>>
        %dma_wait3A_276 = tpu.memref_squeeze %dma_wait3A_275 : memref<1x2048xf32, #tpu.memory_space<vmem>> -> memref<2048xf32, #tpu.memory_space<vmem>>
        tpu.wait_dma2 semaphore(%run_scoped3A_262 : memref<!tpu.dma_semaphore, #tpu.memory_space<semaphore_mem>>) src(%dma_wait3A_276 : memref<2048xf32, #tpu.memory_space<vmem>>) dst(%dma_wait3A_273 : memref<2048xf32, #tpu.memory_space<hbm>>)
        tpu.yield
      }) : () -> ()
      %mul3A_235 = arith.constant 16 : i32
      %mul3A_236 = arith.muli %select_n3A, %mul3A_235 : i32
      %add3A_237 = arith.constant 14 : i32
      %add3A_238 = arith.addi %mul3A_236, %add3A_237 : i32
      %mul3A_239 = arith.constant 262144 : i32
      %mul3A_240 = arith.muli %add3A_238, %mul3A_239 : i32
      %mul3A_241 = arith.constant 65536 : i32
      %mul3A_242 = arith.muli %select_n3A_30, %mul3A_241 : i32
      %add3A_243 = arith.addi %mul3A_240, %mul3A_242 : i32
      %mul3A_244 = arith.constant 2048 : i32
      %mul3A_245 = arith.muli %scan3A_42, %mul3A_244 : i32
      %add3A_246 = arith.addi %add3A_243, %mul3A_245 : i32
      %run_scoped3A_247 = arith.constant 14 : i32
      "tpu.region"() ({
        %run_scoped3A_262 = tpu.sem_alloc : memref<!tpu.dma_semaphore, #tpu.memory_space<semaphore_mem>>
        %dma_start3A = arith.constant 0 : i32
        %dma_start3A_263 = tpu.memref_slice %arg5[%run_scoped3A_247, %dma_start3A] : memref<16x2048xf32, #tpu.memory_space<vmem>> -> memref<1x2048xf32, #tpu.memory_space<vmem>>
        %dma_start3A_264 = tpu.memref_squeeze %dma_start3A_263 : memref<1x2048xf32, #tpu.memory_space<vmem>> -> memref<2048xf32, #tpu.memory_space<vmem>>
        %dma_start3A_265 = tpu.memref_slice %arg3[%add3A_246] : memref<33554432xf32, #tpu.memory_space<hbm>> -> memref<2048xf32, #tpu.memory_space<hbm>>
        %dma_start3A_266 = tpu.memref_slice %arg3[%add3A_246] : memref<33554432xf32, #tpu.memory_space<hbm>> -> memref<2048xf32, #tpu.memory_space<hbm>>
        %dma_start3A_267 = arith.constant 0 : i32
        %dma_start3A_268 = tpu.memref_slice %arg5[%run_scoped3A_247, %dma_start3A_267] : memref<16x2048xf32, #tpu.memory_space<vmem>> -> memref<1x2048xf32, #tpu.memory_space<vmem>>
        %dma_start3A_269 = tpu.memref_squeeze %dma_start3A_268 : memref<1x2048xf32, #tpu.memory_space<vmem>> -> memref<2048xf32, #tpu.memory_space<vmem>>
        tpu.enqueue_dma source(%dma_start3A_269 : memref<2048xf32, #tpu.memory_space<vmem>>) target(%dma_start3A_266 : memref<2048xf32, #tpu.memory_space<hbm>>) target_semaphore(%run_scoped3A_262 : memref<!tpu.dma_semaphore, #tpu.memory_space<semaphore_mem>>)
        %dma_wait3A = arith.constant 0 : i32
        %dma_wait3A_270 = tpu.memref_slice %arg5[%run_scoped3A_247, %dma_wait3A] : memref<16x2048xf32, #tpu.memory_space<vmem>> -> memref<1x2048xf32, #tpu.memory_space<vmem>>
        %dma_wait3A_271 = tpu.memref_squeeze %dma_wait3A_270 : memref<1x2048xf32, #tpu.memory_space<vmem>> -> memref<2048xf32, #tpu.memory_space<vmem>>
        %dma_wait3A_272 = tpu.memref_slice %arg3[%add3A_246] : memref<33554432xf32, #tpu.memory_space<hbm>> -> memref<2048xf32, #tpu.memory_space<hbm>>
        %dma_wait3A_273 = tpu.memref_slice %arg3[%add3A_246] : memref<33554432xf32, #tpu.memory_space<hbm>> -> memref<2048xf32, #tpu.memory_space<hbm>>
        %dma_wait3A_274 = arith.constant 0 : i32
        %dma_wait3A_275 = tpu.memref_slice %arg5[%run_scoped3A_247, %dma_wait3A_274] : memref<16x2048xf32, #tpu.memory_space<vmem>> -> memref<1x2048xf32, #tpu.memory_space<vmem>>
        %dma_wait3A_276 = tpu.memref_squeeze %dma_wait3A_275 : memref<1x2048xf32, #tpu.memory_space<vmem>> -> memref<2048xf32, #tpu.memory_space<vmem>>
        tpu.wait_dma2 semaphore(%run_scoped3A_262 : memref<!tpu.dma_semaphore, #tpu.memory_space<semaphore_mem>>) src(%dma_wait3A_276 : memref<2048xf32, #tpu.memory_space<vmem>>) dst(%dma_wait3A_273 : memref<2048xf32, #tpu.memory_space<hbm>>)
        tpu.yield
      }) : () -> ()
      %mul3A_248 = arith.constant 16 : i32
      %mul3A_249 = arith.muli %select_n3A, %mul3A_248 : i32
      %add3A_250 = arith.constant 15 : i32
      %add3A_251 = arith.addi %mul3A_249, %add3A_250 : i32
      %mul3A_252 = arith.constant 262144 : i32
      %mul3A_253 = arith.muli %add3A_251, %mul3A_252 : i32
      %mul3A_254 = arith.constant 65536 : i32
      %mul3A_255 = arith.muli %select_n3A_30, %mul3A_254 : i32
      %add3A_256 = arith.addi %mul3A_253, %mul3A_255 : i32
      %mul3A_257 = arith.constant 2048 : i32
      %mul3A_258 = arith.muli %scan3A_42, %mul3A_257 : i32
      %add3A_259 = arith.addi %add3A_256, %mul3A_258 : i32
      %run_scoped3A_260 = arith.constant 15 : i32
      "tpu.region"() ({
        %run_scoped3A_262 = tpu.sem_alloc : memref<!tpu.dma_semaphore, #tpu.memory_space<semaphore_mem>>
        %dma_start3A = arith.constant 0 : i32
        %dma_start3A_263 = tpu.memref_slice %arg5[%run_scoped3A_260, %dma_start3A] : memref<16x2048xf32, #tpu.memory_space<vmem>> -> memref<1x2048xf32, #tpu.memory_space<vmem>>
        %dma_start3A_264 = tpu.memref_squeeze %dma_start3A_263 : memref<1x2048xf32, #tpu.memory_space<vmem>> -> memref<2048xf32, #tpu.memory_space<vmem>>
        %dma_start3A_265 = tpu.memref_slice %arg3[%add3A_259] : memref<33554432xf32, #tpu.memory_space<hbm>> -> memref<2048xf32, #tpu.memory_space<hbm>>
        %dma_start3A_266 = tpu.memref_slice %arg3[%add3A_259] : memref<33554432xf32, #tpu.memory_space<hbm>> -> memref<2048xf32, #tpu.memory_space<hbm>>
        %dma_start3A_267 = arith.constant 0 : i32
        %dma_start3A_268 = tpu.memref_slice %arg5[%run_scoped3A_260, %dma_start3A_267] : memref<16x2048xf32, #tpu.memory_space<vmem>> -> memref<1x2048xf32, #tpu.memory_space<vmem>>
        %dma_start3A_269 = tpu.memref_squeeze %dma_start3A_268 : memref<1x2048xf32, #tpu.memory_space<vmem>> -> memref<2048xf32, #tpu.memory_space<vmem>>
        tpu.enqueue_dma source(%dma_start3A_269 : memref<2048xf32, #tpu.memory_space<vmem>>) target(%dma_start3A_266 : memref<2048xf32, #tpu.memory_space<hbm>>) target_semaphore(%run_scoped3A_262 : memref<!tpu.dma_semaphore, #tpu.memory_space<semaphore_mem>>)
        %dma_wait3A = arith.constant 0 : i32
        %dma_wait3A_270 = tpu.memref_slice %arg5[%run_scoped3A_260, %dma_wait3A] : memref<16x2048xf32, #tpu.memory_space<vmem>> -> memref<1x2048xf32, #tpu.memory_space<vmem>>
        %dma_wait3A_271 = tpu.memref_squeeze %dma_wait3A_270 : memref<1x2048xf32, #tpu.memory_space<vmem>> -> memref<2048xf32, #tpu.memory_space<vmem>>
        %dma_wait3A_272 = tpu.memref_slice %arg3[%add3A_259] : memref<33554432xf32, #tpu.memory_space<hbm>> -> memref<2048xf32, #tpu.memory_space<hbm>>
        %dma_wait3A_273 = tpu.memref_slice %arg3[%add3A_259] : memref<33554432xf32, #tpu.memory_space<hbm>> -> memref<2048xf32, #tpu.memory_space<hbm>>
        %dma_wait3A_274 = arith.constant 0 : i32
        %dma_wait3A_275 = tpu.memref_slice %arg5[%run_scoped3A_260, %dma_wait3A_274] : memref<16x2048xf32, #tpu.memory_space<vmem>> -> memref<1x2048xf32, #tpu.memory_space<vmem>>
        %dma_wait3A_276 = tpu.memref_squeeze %dma_wait3A_275 : memref<1x2048xf32, #tpu.memory_space<vmem>> -> memref<2048xf32, #tpu.memory_space<vmem>>
        tpu.wait_dma2 semaphore(%run_scoped3A_262 : memref<!tpu.dma_semaphore, #tpu.memory_space<semaphore_mem>>) src(%dma_wait3A_276 : memref<2048xf32, #tpu.memory_space<vmem>>) dst(%dma_wait3A_273 : memref<2048xf32, #tpu.memory_space<hbm>>)
        tpu.yield
      }) : () -> ()
      %scan3A_261 = arith.constant 0 : i32
      scf.yield %scan3A_261 : i32
    }
    %scan3A_41 = arith.constant 32 : i32
    return
  }
}

module attributes {stable_mosaic.version = 14 : i64} {
  func.func @body(%arg0: i32, %arg1: i32, %arg2: memref<1x4x128x512xf32, #tpu.memory_space<vmem>>, %arg3: memref<1x16x128x512xf32, #tpu.memory_space<vmem>>, %arg4: memref<16xi32, #tpu.memory_space<smem>>, %arg5: memref<1x128x512xi32, #tpu.memory_space<vmem>>, %arg6: memref<16xf32, #tpu.memory_space<smem>>, %arg7: memref<1x1xf32, #tpu.memory_space<smem>>, %arg8: memref<1x16x128x512xf32, #tpu.memory_space<vmem>>, %arg9: memref<16xf32, #tpu.memory_space<smem>>, %arg10: memref<16xf32, #tpu.memory_space<smem>>, %arg11: memref<16xf32, #tpu.memory_space<smem>>, %arg12: memref<4xf32, #tpu.memory_space<smem>>, %arg13: memref<4xf32, #tpu.memory_space<smem>>, %arg14: memref<4xf32, #tpu.memory_space<smem>>) attributes {dimension_semantics = [#tpu.dimension_semantics<arbitrary>, #tpu.dimension_semantics<arbitrary>], iteration_bounds = array<i64: 8, 4>, scalar_prefetch = 0 : i64, scratch_operands = 6 : i64, tpu.core_type = #tpu.core_type<tc>, window_params = [{transform_indices = @transform_0, window_bounds = array<i64: 1, 4, 128, 512>}, {transform_indices = @transform_1, window_bounds = array<i64: 1, 16, 128, 512>}, {transform_indices = @transform_2, window_bounds = array<i64: 16>}, {transform_indices = @transform_3, window_bounds = array<i64: 1, 128, 512>}, {transform_indices = @transform_4, window_bounds = array<i64: 16>}, {transform_indices = @transform_5, window_bounds = array<i64: 1, 1>}, {transform_indices = @transform_6, window_bounds = array<i64: 1, 16, 128, 512>}]} {
    %eq3A = arith.constant 0 : i32
    %eq3A_0 = arith.cmpi eq, %arg0, %eq3A : i32
    %eq3A_1 = arith.constant 0 : i32
    %eq3A_2 = arith.cmpi eq, %arg1, %eq3A_1 : i32
    %and3A = arith.andi %eq3A_0, %eq3A_2 : i1
    %convert_element_type3A = arith.extui %and3A : i1 to i32
    %cond3A = arith.constant 0 : i32
    %cond3A_3 = arith.cmpi ne, %convert_element_type3A, %cond3A : i32
    scf.if %cond3A_3 {
      %swap3A_1173 = arith.constant 0.000000e+00 : f32
      %swap3A_1174 = arith.constant 0 : index
      %swap3A_1175 = memref.load %arg9[%swap3A_1174] : memref<16xf32, #tpu.memory_space<smem>>
      memref.store %swap3A_1173, %arg9[%swap3A_1174] : memref<16xf32, #tpu.memory_space<smem>>
      %swap3A_1176 = arith.constant 0.000000e+00 : f32
      %swap3A_1177 = arith.constant 0 : index
      %swap3A_1178 = memref.load %arg10[%swap3A_1177] : memref<16xf32, #tpu.memory_space<smem>>
      memref.store %swap3A_1176, %arg10[%swap3A_1177] : memref<16xf32, #tpu.memory_space<smem>>
      %swap3A_1179 = arith.constant 0.000000e+00 : f32
      %swap3A_1180 = arith.constant 0 : index
      %swap3A_1181 = memref.load %arg11[%swap3A_1180] : memref<16xf32, #tpu.memory_space<smem>>
      memref.store %swap3A_1179, %arg11[%swap3A_1180] : memref<16xf32, #tpu.memory_space<smem>>
      %swap3A_1182 = arith.constant 0.000000e+00 : f32
      %swap3A_1183 = arith.constant 1 : index
      %swap3A_1184 = memref.load %arg9[%swap3A_1183] : memref<16xf32, #tpu.memory_space<smem>>
      memref.store %swap3A_1182, %arg9[%swap3A_1183] : memref<16xf32, #tpu.memory_space<smem>>
      %swap3A_1185 = arith.constant 0.000000e+00 : f32
      %swap3A_1186 = arith.constant 1 : index
      %swap3A_1187 = memref.load %arg10[%swap3A_1186] : memref<16xf32, #tpu.memory_space<smem>>
      memref.store %swap3A_1185, %arg10[%swap3A_1186] : memref<16xf32, #tpu.memory_space<smem>>
      %swap3A_1188 = arith.constant 0.000000e+00 : f32
      %swap3A_1189 = arith.constant 1 : index
      %swap3A_1190 = memref.load %arg11[%swap3A_1189] : memref<16xf32, #tpu.memory_space<smem>>
      memref.store %swap3A_1188, %arg11[%swap3A_1189] : memref<16xf32, #tpu.memory_space<smem>>
      %swap3A_1191 = arith.constant 0.000000e+00 : f32
      %swap3A_1192 = arith.constant 2 : index
      %swap3A_1193 = memref.load %arg9[%swap3A_1192] : memref<16xf32, #tpu.memory_space<smem>>
      memref.store %swap3A_1191, %arg9[%swap3A_1192] : memref<16xf32, #tpu.memory_space<smem>>
      %swap3A_1194 = arith.constant 0.000000e+00 : f32
      %swap3A_1195 = arith.constant 2 : index
      %swap3A_1196 = memref.load %arg10[%swap3A_1195] : memref<16xf32, #tpu.memory_space<smem>>
      memref.store %swap3A_1194, %arg10[%swap3A_1195] : memref<16xf32, #tpu.memory_space<smem>>
      %swap3A_1197 = arith.constant 0.000000e+00 : f32
      %swap3A_1198 = arith.constant 2 : index
      %swap3A_1199 = memref.load %arg11[%swap3A_1198] : memref<16xf32, #tpu.memory_space<smem>>
      memref.store %swap3A_1197, %arg11[%swap3A_1198] : memref<16xf32, #tpu.memory_space<smem>>
      %swap3A_1200 = arith.constant 0.000000e+00 : f32
      %swap3A_1201 = arith.constant 3 : index
      %swap3A_1202 = memref.load %arg9[%swap3A_1201] : memref<16xf32, #tpu.memory_space<smem>>
      memref.store %swap3A_1200, %arg9[%swap3A_1201] : memref<16xf32, #tpu.memory_space<smem>>
      %swap3A_1203 = arith.constant 0.000000e+00 : f32
      %swap3A_1204 = arith.constant 3 : index
      %swap3A_1205 = memref.load %arg10[%swap3A_1204] : memref<16xf32, #tpu.memory_space<smem>>
      memref.store %swap3A_1203, %arg10[%swap3A_1204] : memref<16xf32, #tpu.memory_space<smem>>
      %swap3A_1206 = arith.constant 0.000000e+00 : f32
      %swap3A_1207 = arith.constant 3 : index
      %swap3A_1208 = memref.load %arg11[%swap3A_1207] : memref<16xf32, #tpu.memory_space<smem>>
      memref.store %swap3A_1206, %arg11[%swap3A_1207] : memref<16xf32, #tpu.memory_space<smem>>
      %swap3A_1209 = arith.constant 0.000000e+00 : f32
      %swap3A_1210 = arith.constant 4 : index
      %swap3A_1211 = memref.load %arg9[%swap3A_1210] : memref<16xf32, #tpu.memory_space<smem>>
      memref.store %swap3A_1209, %arg9[%swap3A_1210] : memref<16xf32, #tpu.memory_space<smem>>
      %swap3A_1212 = arith.constant 0.000000e+00 : f32
      %swap3A_1213 = arith.constant 4 : index
      %swap3A_1214 = memref.load %arg10[%swap3A_1213] : memref<16xf32, #tpu.memory_space<smem>>
      memref.store %swap3A_1212, %arg10[%swap3A_1213] : memref<16xf32, #tpu.memory_space<smem>>
      %swap3A_1215 = arith.constant 0.000000e+00 : f32
      %swap3A_1216 = arith.constant 4 : index
      %swap3A_1217 = memref.load %arg11[%swap3A_1216] : memref<16xf32, #tpu.memory_space<smem>>
      memref.store %swap3A_1215, %arg11[%swap3A_1216] : memref<16xf32, #tpu.memory_space<smem>>
      %swap3A_1218 = arith.constant 0.000000e+00 : f32
      %swap3A_1219 = arith.constant 5 : index
      %swap3A_1220 = memref.load %arg9[%swap3A_1219] : memref<16xf32, #tpu.memory_space<smem>>
      memref.store %swap3A_1218, %arg9[%swap3A_1219] : memref<16xf32, #tpu.memory_space<smem>>
      %swap3A_1221 = arith.constant 0.000000e+00 : f32
      %swap3A_1222 = arith.constant 5 : index
      %swap3A_1223 = memref.load %arg10[%swap3A_1222] : memref<16xf32, #tpu.memory_space<smem>>
      memref.store %swap3A_1221, %arg10[%swap3A_1222] : memref<16xf32, #tpu.memory_space<smem>>
      %swap3A_1224 = arith.constant 0.000000e+00 : f32
      %swap3A_1225 = arith.constant 5 : index
      %swap3A_1226 = memref.load %arg11[%swap3A_1225] : memref<16xf32, #tpu.memory_space<smem>>
      memref.store %swap3A_1224, %arg11[%swap3A_1225] : memref<16xf32, #tpu.memory_space<smem>>
      %swap3A_1227 = arith.constant 0.000000e+00 : f32
      %swap3A_1228 = arith.constant 6 : index
      %swap3A_1229 = memref.load %arg9[%swap3A_1228] : memref<16xf32, #tpu.memory_space<smem>>
      memref.store %swap3A_1227, %arg9[%swap3A_1228] : memref<16xf32, #tpu.memory_space<smem>>
      %swap3A_1230 = arith.constant 0.000000e+00 : f32
      %swap3A_1231 = arith.constant 6 : index
      %swap3A_1232 = memref.load %arg10[%swap3A_1231] : memref<16xf32, #tpu.memory_space<smem>>
      memref.store %swap3A_1230, %arg10[%swap3A_1231] : memref<16xf32, #tpu.memory_space<smem>>
      %swap3A_1233 = arith.constant 0.000000e+00 : f32
      %swap3A_1234 = arith.constant 6 : index
      %swap3A_1235 = memref.load %arg11[%swap3A_1234] : memref<16xf32, #tpu.memory_space<smem>>
      memref.store %swap3A_1233, %arg11[%swap3A_1234] : memref<16xf32, #tpu.memory_space<smem>>
      %swap3A_1236 = arith.constant 0.000000e+00 : f32
      %swap3A_1237 = arith.constant 7 : index
      %swap3A_1238 = memref.load %arg9[%swap3A_1237] : memref<16xf32, #tpu.memory_space<smem>>
      memref.store %swap3A_1236, %arg9[%swap3A_1237] : memref<16xf32, #tpu.memory_space<smem>>
      %swap3A_1239 = arith.constant 0.000000e+00 : f32
      %swap3A_1240 = arith.constant 7 : index
      %swap3A_1241 = memref.load %arg10[%swap3A_1240] : memref<16xf32, #tpu.memory_space<smem>>
      memref.store %swap3A_1239, %arg10[%swap3A_1240] : memref<16xf32, #tpu.memory_space<smem>>
      %swap3A_1242 = arith.constant 0.000000e+00 : f32
      %swap3A_1243 = arith.constant 7 : index
      %swap3A_1244 = memref.load %arg11[%swap3A_1243] : memref<16xf32, #tpu.memory_space<smem>>
      memref.store %swap3A_1242, %arg11[%swap3A_1243] : memref<16xf32, #tpu.memory_space<smem>>
      %swap3A_1245 = arith.constant 0.000000e+00 : f32
      %swap3A_1246 = arith.constant 8 : index
      %swap3A_1247 = memref.load %arg9[%swap3A_1246] : memref<16xf32, #tpu.memory_space<smem>>
      memref.store %swap3A_1245, %arg9[%swap3A_1246] : memref<16xf32, #tpu.memory_space<smem>>
      %swap3A_1248 = arith.constant 0.000000e+00 : f32
      %swap3A_1249 = arith.constant 8 : index
      %swap3A_1250 = memref.load %arg10[%swap3A_1249] : memref<16xf32, #tpu.memory_space<smem>>
      memref.store %swap3A_1248, %arg10[%swap3A_1249] : memref<16xf32, #tpu.memory_space<smem>>
      %swap3A_1251 = arith.constant 0.000000e+00 : f32
      %swap3A_1252 = arith.constant 8 : index
      %swap3A_1253 = memref.load %arg11[%swap3A_1252] : memref<16xf32, #tpu.memory_space<smem>>
      memref.store %swap3A_1251, %arg11[%swap3A_1252] : memref<16xf32, #tpu.memory_space<smem>>
      %swap3A_1254 = arith.constant 0.000000e+00 : f32
      %swap3A_1255 = arith.constant 9 : index
      %swap3A_1256 = memref.load %arg9[%swap3A_1255] : memref<16xf32, #tpu.memory_space<smem>>
      memref.store %swap3A_1254, %arg9[%swap3A_1255] : memref<16xf32, #tpu.memory_space<smem>>
      %swap3A_1257 = arith.constant 0.000000e+00 : f32
      %swap3A_1258 = arith.constant 9 : index
      %swap3A_1259 = memref.load %arg10[%swap3A_1258] : memref<16xf32, #tpu.memory_space<smem>>
      memref.store %swap3A_1257, %arg10[%swap3A_1258] : memref<16xf32, #tpu.memory_space<smem>>
      %swap3A_1260 = arith.constant 0.000000e+00 : f32
      %swap3A_1261 = arith.constant 9 : index
      %swap3A_1262 = memref.load %arg11[%swap3A_1261] : memref<16xf32, #tpu.memory_space<smem>>
      memref.store %swap3A_1260, %arg11[%swap3A_1261] : memref<16xf32, #tpu.memory_space<smem>>
      %swap3A_1263 = arith.constant 0.000000e+00 : f32
      %swap3A_1264 = arith.constant 10 : index
      %swap3A_1265 = memref.load %arg9[%swap3A_1264] : memref<16xf32, #tpu.memory_space<smem>>
      memref.store %swap3A_1263, %arg9[%swap3A_1264] : memref<16xf32, #tpu.memory_space<smem>>
      %swap3A_1266 = arith.constant 0.000000e+00 : f32
      %swap3A_1267 = arith.constant 10 : index
      %swap3A_1268 = memref.load %arg10[%swap3A_1267] : memref<16xf32, #tpu.memory_space<smem>>
      memref.store %swap3A_1266, %arg10[%swap3A_1267] : memref<16xf32, #tpu.memory_space<smem>>
      %swap3A_1269 = arith.constant 0.000000e+00 : f32
      %swap3A_1270 = arith.constant 10 : index
      %swap3A_1271 = memref.load %arg11[%swap3A_1270] : memref<16xf32, #tpu.memory_space<smem>>
      memref.store %swap3A_1269, %arg11[%swap3A_1270] : memref<16xf32, #tpu.memory_space<smem>>
      %swap3A_1272 = arith.constant 0.000000e+00 : f32
      %swap3A_1273 = arith.constant 11 : index
      %swap3A_1274 = memref.load %arg9[%swap3A_1273] : memref<16xf32, #tpu.memory_space<smem>>
      memref.store %swap3A_1272, %arg9[%swap3A_1273] : memref<16xf32, #tpu.memory_space<smem>>
      %swap3A_1275 = arith.constant 0.000000e+00 : f32
      %swap3A_1276 = arith.constant 11 : index
      %swap3A_1277 = memref.load %arg10[%swap3A_1276] : memref<16xf32, #tpu.memory_space<smem>>
      memref.store %swap3A_1275, %arg10[%swap3A_1276] : memref<16xf32, #tpu.memory_space<smem>>
      %swap3A_1278 = arith.constant 0.000000e+00 : f32
      %swap3A_1279 = arith.constant 11 : index
      %swap3A_1280 = memref.load %arg11[%swap3A_1279] : memref<16xf32, #tpu.memory_space<smem>>
      memref.store %swap3A_1278, %arg11[%swap3A_1279] : memref<16xf32, #tpu.memory_space<smem>>
      %swap3A_1281 = arith.constant 0.000000e+00 : f32
      %swap3A_1282 = arith.constant 12 : index
      %swap3A_1283 = memref.load %arg9[%swap3A_1282] : memref<16xf32, #tpu.memory_space<smem>>
      memref.store %swap3A_1281, %arg9[%swap3A_1282] : memref<16xf32, #tpu.memory_space<smem>>
      %swap3A_1284 = arith.constant 0.000000e+00 : f32
      %swap3A_1285 = arith.constant 12 : index
      %swap3A_1286 = memref.load %arg10[%swap3A_1285] : memref<16xf32, #tpu.memory_space<smem>>
      memref.store %swap3A_1284, %arg10[%swap3A_1285] : memref<16xf32, #tpu.memory_space<smem>>
      %swap3A_1287 = arith.constant 0.000000e+00 : f32
      %swap3A_1288 = arith.constant 12 : index
      %swap3A_1289 = memref.load %arg11[%swap3A_1288] : memref<16xf32, #tpu.memory_space<smem>>
      memref.store %swap3A_1287, %arg11[%swap3A_1288] : memref<16xf32, #tpu.memory_space<smem>>
      %swap3A_1290 = arith.constant 0.000000e+00 : f32
      %swap3A_1291 = arith.constant 13 : index
      %swap3A_1292 = memref.load %arg9[%swap3A_1291] : memref<16xf32, #tpu.memory_space<smem>>
      memref.store %swap3A_1290, %arg9[%swap3A_1291] : memref<16xf32, #tpu.memory_space<smem>>
      %swap3A_1293 = arith.constant 0.000000e+00 : f32
      %swap3A_1294 = arith.constant 13 : index
      %swap3A_1295 = memref.load %arg10[%swap3A_1294] : memref<16xf32, #tpu.memory_space<smem>>
      memref.store %swap3A_1293, %arg10[%swap3A_1294] : memref<16xf32, #tpu.memory_space<smem>>
      %swap3A_1296 = arith.constant 0.000000e+00 : f32
      %swap3A_1297 = arith.constant 13 : index
      %swap3A_1298 = memref.load %arg11[%swap3A_1297] : memref<16xf32, #tpu.memory_space<smem>>
      memref.store %swap3A_1296, %arg11[%swap3A_1297] : memref<16xf32, #tpu.memory_space<smem>>
      %swap3A_1299 = arith.constant 0.000000e+00 : f32
      %swap3A_1300 = arith.constant 14 : index
      %swap3A_1301 = memref.load %arg9[%swap3A_1300] : memref<16xf32, #tpu.memory_space<smem>>
      memref.store %swap3A_1299, %arg9[%swap3A_1300] : memref<16xf32, #tpu.memory_space<smem>>
      %swap3A_1302 = arith.constant 0.000000e+00 : f32
      %swap3A_1303 = arith.constant 14 : index
      %swap3A_1304 = memref.load %arg10[%swap3A_1303] : memref<16xf32, #tpu.memory_space<smem>>
      memref.store %swap3A_1302, %arg10[%swap3A_1303] : memref<16xf32, #tpu.memory_space<smem>>
      %swap3A_1305 = arith.constant 0.000000e+00 : f32
      %swap3A_1306 = arith.constant 14 : index
      %swap3A_1307 = memref.load %arg11[%swap3A_1306] : memref<16xf32, #tpu.memory_space<smem>>
      memref.store %swap3A_1305, %arg11[%swap3A_1306] : memref<16xf32, #tpu.memory_space<smem>>
      %swap3A_1308 = arith.constant 0.000000e+00 : f32
      %swap3A_1309 = arith.constant 15 : index
      %swap3A_1310 = memref.load %arg9[%swap3A_1309] : memref<16xf32, #tpu.memory_space<smem>>
      memref.store %swap3A_1308, %arg9[%swap3A_1309] : memref<16xf32, #tpu.memory_space<smem>>
      %swap3A_1311 = arith.constant 0.000000e+00 : f32
      %swap3A_1312 = arith.constant 15 : index
      %swap3A_1313 = memref.load %arg10[%swap3A_1312] : memref<16xf32, #tpu.memory_space<smem>>
      memref.store %swap3A_1311, %arg10[%swap3A_1312] : memref<16xf32, #tpu.memory_space<smem>>
      %swap3A_1314 = arith.constant 0.000000e+00 : f32
      %swap3A_1315 = arith.constant 15 : index
      %swap3A_1316 = memref.load %arg11[%swap3A_1315] : memref<16xf32, #tpu.memory_space<smem>>
      memref.store %swap3A_1314, %arg11[%swap3A_1315] : memref<16xf32, #tpu.memory_space<smem>>
      %swap3A_1317 = arith.constant 0.000000e+00 : f32
      %swap3A_1318 = arith.constant 0 : index
      %swap3A_1319 = memref.load %arg12[%swap3A_1318] : memref<4xf32, #tpu.memory_space<smem>>
      memref.store %swap3A_1317, %arg12[%swap3A_1318] : memref<4xf32, #tpu.memory_space<smem>>
      %swap3A_1320 = arith.constant 0.000000e+00 : f32
      %swap3A_1321 = arith.constant 0 : index
      %swap3A_1322 = memref.load %arg13[%swap3A_1321] : memref<4xf32, #tpu.memory_space<smem>>
      memref.store %swap3A_1320, %arg13[%swap3A_1321] : memref<4xf32, #tpu.memory_space<smem>>
      %swap3A_1323 = arith.constant 0.000000e+00 : f32
      %swap3A_1324 = arith.constant 0 : index
      %swap3A_1325 = memref.load %arg14[%swap3A_1324] : memref<4xf32, #tpu.memory_space<smem>>
      memref.store %swap3A_1323, %arg14[%swap3A_1324] : memref<4xf32, #tpu.memory_space<smem>>
      %swap3A_1326 = arith.constant 0.000000e+00 : f32
      %swap3A_1327 = arith.constant 1 : index
      %swap3A_1328 = memref.load %arg12[%swap3A_1327] : memref<4xf32, #tpu.memory_space<smem>>
      memref.store %swap3A_1326, %arg12[%swap3A_1327] : memref<4xf32, #tpu.memory_space<smem>>
      %swap3A_1329 = arith.constant 0.000000e+00 : f32
      %swap3A_1330 = arith.constant 1 : index
      %swap3A_1331 = memref.load %arg13[%swap3A_1330] : memref<4xf32, #tpu.memory_space<smem>>
      memref.store %swap3A_1329, %arg13[%swap3A_1330] : memref<4xf32, #tpu.memory_space<smem>>
      %swap3A_1332 = arith.constant 0.000000e+00 : f32
      %swap3A_1333 = arith.constant 1 : index
      %swap3A_1334 = memref.load %arg14[%swap3A_1333] : memref<4xf32, #tpu.memory_space<smem>>
      memref.store %swap3A_1332, %arg14[%swap3A_1333] : memref<4xf32, #tpu.memory_space<smem>>
      %swap3A_1335 = arith.constant 0.000000e+00 : f32
      %swap3A_1336 = arith.constant 2 : index
      %swap3A_1337 = memref.load %arg12[%swap3A_1336] : memref<4xf32, #tpu.memory_space<smem>>
      memref.store %swap3A_1335, %arg12[%swap3A_1336] : memref<4xf32, #tpu.memory_space<smem>>
      %swap3A_1338 = arith.constant 0.000000e+00 : f32
      %swap3A_1339 = arith.constant 2 : index
      %swap3A_1340 = memref.load %arg13[%swap3A_1339] : memref<4xf32, #tpu.memory_space<smem>>
      memref.store %swap3A_1338, %arg13[%swap3A_1339] : memref<4xf32, #tpu.memory_space<smem>>
      %swap3A_1341 = arith.constant 0.000000e+00 : f32
      %swap3A_1342 = arith.constant 2 : index
      %swap3A_1343 = memref.load %arg14[%swap3A_1342] : memref<4xf32, #tpu.memory_space<smem>>
      memref.store %swap3A_1341, %arg14[%swap3A_1342] : memref<4xf32, #tpu.memory_space<smem>>
      %swap3A_1344 = arith.constant 0.000000e+00 : f32
      %swap3A_1345 = arith.constant 3 : index
      %swap3A_1346 = memref.load %arg12[%swap3A_1345] : memref<4xf32, #tpu.memory_space<smem>>
      memref.store %swap3A_1344, %arg12[%swap3A_1345] : memref<4xf32, #tpu.memory_space<smem>>
      %swap3A_1347 = arith.constant 0.000000e+00 : f32
      %swap3A_1348 = arith.constant 3 : index
      %swap3A_1349 = memref.load %arg13[%swap3A_1348] : memref<4xf32, #tpu.memory_space<smem>>
      memref.store %swap3A_1347, %arg13[%swap3A_1348] : memref<4xf32, #tpu.memory_space<smem>>
      %swap3A_1350 = arith.constant 0.000000e+00 : f32
      %swap3A_1351 = arith.constant 3 : index
      %swap3A_1352 = memref.load %arg14[%swap3A_1351] : memref<4xf32, #tpu.memory_space<smem>>
      memref.store %swap3A_1350, %arg14[%swap3A_1351] : memref<4xf32, #tpu.memory_space<smem>>
    } else {
    }
    %get3A = arith.constant 0 : index
    %get3A_4 = arith.constant 0 : index
    %get3A_5 = arith.constant 0 : index
    %get3A_6 = vector.load %arg5[%get3A, %get3A_4, %get3A_5] : memref<1x128x512xi32, #tpu.memory_space<vmem>>, vector<1x128x512xi32>
    %get3A_7 = vector.shape_cast %get3A_6 : vector<1x128x512xi32> to vector<128x512xi32>
    %broadcast_in_dim3A = arith.constant 0 : i32
    %broadcast_in_dim3A_8 = vector.broadcast %broadcast_in_dim3A : i32 to vector<128x512xi32>
    %eq3A_9 = arith.constant 0 : i32
    %eq3A_10 = vector.broadcast %eq3A_9 : i32 to vector<128x512xi32>
    %eq3A_11 = arith.cmpi eq, %get3A_7, %eq3A_10 : vector<128x512xi32>
    %convert_element_type3A_12 = arith.extui %eq3A_11 : vector<128x512xi1> to vector<128x512xi32>
    %convert_element_type3A_13 = arith.sitofp %convert_element_type3A_12 : vector<128x512xi32> to vector<128x512xf32>
    %get3A_14 = arith.constant 0 : index
    %get3A_15 = arith.constant 0 : index
    %get3A_16 = arith.constant 0 : index
    %get3A_17 = arith.constant 0 : index
    %get3A_18 = vector.load %arg3[%get3A_14, %get3A_15, %get3A_16, %get3A_17] : memref<1x16x128x512xf32, #tpu.memory_space<vmem>>, vector<1x1x128x512xf32>
    %get3A_19 = vector.shape_cast %get3A_18 : vector<1x1x128x512xf32> to vector<128x512xf32>
    %get3A_20 = arith.constant 0 : index
    %get3A_21 = memref.load %arg4[%get3A_20] : memref<16xi32, #tpu.memory_space<smem>>
    %get3A_22 = arith.constant 0 : index
    %get3A_23 = arith.index_cast %get3A_21 : i32 to index
    %get3A_24 = arith.constant 0 : index
    %get3A_25 = arith.constant 0 : index
    %get3A_26 = vector.load %arg2[%get3A_22, %get3A_23, %get3A_24, %get3A_25] : memref<1x4x128x512xf32, #tpu.memory_space<vmem>>, vector<1x1x128x512xf32>
    %get3A_27 = vector.shape_cast %get3A_26 : vector<1x1x128x512xf32> to vector<128x512xf32>
    %mul3A = arith.mulf %get3A_19, %get3A_27 : vector<128x512xf32>
    %swap3A = arith.constant 0 : index
    %swap3A_28 = arith.constant 0 : index
    %swap3A_29 = arith.constant 0 : index
    %swap3A_30 = arith.constant 0 : index
    %swap3A_31 = vector.load %arg8[%swap3A, %swap3A_28, %swap3A_29, %swap3A_30] : memref<1x16x128x512xf32, #tpu.memory_space<vmem>>, vector<1x1x128x512xf32>
    %swap3A_32 = vector.shape_cast %swap3A_31 : vector<1x1x128x512xf32> to vector<128x512xf32>
    %swap3A_33 = vector.shape_cast %mul3A : vector<128x512xf32> to vector<1x1x128x512xf32>
    tpu.vector_store %arg8[%swap3A, %swap3A_28, %swap3A_29, %swap3A_30], %swap3A_33 {strides = array<i32>} : memref<1x16x128x512xf32, #tpu.memory_space<vmem>>, vector<1x1x128x512xf32>,
    %get3A_34 = arith.constant 0 : index
    %get3A_35 = memref.load %arg9[%get3A_34] : memref<16xf32, #tpu.memory_space<smem>>
    %mul3A_36 = arith.mulf %get3A_19, %convert_element_type3A_13 : vector<128x512xf32>
    %reduce_sum3A = vector.shape_cast %mul3A_36 : vector<128x512xf32> to vector<1x128x512xf32>
    %reduce_sum3A_37 = arith.constant dense<0.000000e+00> : vector<1xf32>
    %reduce_sum3A_38 = vector.multi_reduction <add>, %reduce_sum3A, %reduce_sum3A_37 [1, 2] : vector<1x128x512xf32> to vector<1xf32>
    %reduce_sum3A_39 = vector.shape_cast %reduce_sum3A_38 : vector<1xf32> to vector<1x1x1xf32>
    %reduce_sum3A_40 = vector.extract %reduce_sum3A_39[0, 0, 0] : f32 from vector<1x1x1xf32>
    %add3A = arith.addf %get3A_35, %reduce_sum3A_40 : f32
    %swap3A_41 = arith.constant 0 : index
    %swap3A_42 = memref.load %arg9[%swap3A_41] : memref<16xf32, #tpu.memory_space<smem>>
    memref.store %add3A, %arg9[%swap3A_41] : memref<16xf32, #tpu.memory_space<smem>>
    %get3A_43 = arith.constant 0 : index
    %get3A_44 = memref.load %arg10[%get3A_43] : memref<16xf32, #tpu.memory_space<smem>>
    %reduce_sum3A_45 = vector.shape_cast %get3A_19 : vector<128x512xf32> to vector<1x128x512xf32>
    %reduce_sum3A_46 = arith.constant dense<0.000000e+00> : vector<1xf32>
    %reduce_sum3A_47 = vector.multi_reduction <add>, %reduce_sum3A_45, %reduce_sum3A_46 [1, 2] : vector<1x128x512xf32> to vector<1xf32>
    %reduce_sum3A_48 = vector.shape_cast %reduce_sum3A_47 : vector<1xf32> to vector<1x1x1xf32>
    %reduce_sum3A_49 = vector.extract %reduce_sum3A_48[0, 0, 0] : f32 from vector<1x1x1xf32>
    %add3A_50 = arith.addf %get3A_44, %reduce_sum3A_49 : f32
    %swap3A_51 = arith.constant 0 : index
    %swap3A_52 = memref.load %arg10[%swap3A_51] : memref<16xf32, #tpu.memory_space<smem>>
    memref.store %add3A_50, %arg10[%swap3A_51] : memref<16xf32, #tpu.memory_space<smem>>
    %get3A_53 = arith.constant 0 : index
    %get3A_54 = memref.load %arg11[%get3A_53] : memref<16xf32, #tpu.memory_space<smem>>
    %reduce_sum3A_55 = vector.shape_cast %convert_element_type3A_13 : vector<128x512xf32> to vector<1x128x512xf32>
    %reduce_sum3A_56 = arith.constant dense<0.000000e+00> : vector<1xf32>
    %reduce_sum3A_57 = vector.multi_reduction <add>, %reduce_sum3A_55, %reduce_sum3A_56 [1, 2] : vector<1x128x512xf32> to vector<1xf32>
    %reduce_sum3A_58 = vector.shape_cast %reduce_sum3A_57 : vector<1xf32> to vector<1x1x1xf32>
    %reduce_sum3A_59 = vector.extract %reduce_sum3A_58[0, 0, 0] : f32 from vector<1x1x1xf32>
    %add3A_60 = arith.addf %get3A_54, %reduce_sum3A_59 : f32
    %swap3A_61 = arith.constant 0 : index
    %swap3A_62 = memref.load %arg11[%swap3A_61] : memref<16xf32, #tpu.memory_space<smem>>
    memref.store %add3A_60, %arg11[%swap3A_61] : memref<16xf32, #tpu.memory_space<smem>>
    %convert_element_type3A_63 = arith.extui %eq3A_11 : vector<128x512xi1> to vector<128x512xi32>
    %mul3A_64 = vector.broadcast %get3A_21 : i32 to vector<128x512xi32>
    %mul3A_65 = arith.muli %mul3A_64, %convert_element_type3A_63 : vector<128x512xi32>
    %add3A_66 = arith.addi %broadcast_in_dim3A_8, %mul3A_65 : vector<128x512xi32>
    %eq3A_67 = arith.constant 1 : i32
    %eq3A_68 = vector.broadcast %eq3A_67 : i32 to vector<128x512xi32>
    %eq3A_69 = arith.cmpi eq, %get3A_7, %eq3A_68 : vector<128x512xi32>
    %convert_element_type3A_70 = arith.extui %eq3A_69 : vector<128x512xi1> to vector<128x512xi32>
    %convert_element_type3A_71 = arith.sitofp %convert_element_type3A_70 : vector<128x512xi32> to vector<128x512xf32>
    %get3A_72 = arith.constant 0 : index
    %get3A_73 = arith.constant 1 : index
    %get3A_74 = arith.constant 0 : index
    %get3A_75 = arith.constant 0 : index
    %get3A_76 = vector.load %arg3[%get3A_72, %get3A_73, %get3A_74, %get3A_75] : memref<1x16x128x512xf32, #tpu.memory_space<vmem>>, vector<1x1x128x512xf32>
    %get3A_77 = vector.shape_cast %get3A_76 : vector<1x1x128x512xf32> to vector<128x512xf32>
    %get3A_78 = arith.constant 1 : index
    %get3A_79 = memref.load %arg4[%get3A_78] : memref<16xi32, #tpu.memory_space<smem>>
    %get3A_80 = arith.constant 0 : index
    %get3A_81 = arith.index_cast %get3A_79 : i32 to index
    %get3A_82 = arith.constant 0 : index
    %get3A_83 = arith.constant 0 : index
    %get3A_84 = vector.load %arg2[%get3A_80, %get3A_81, %get3A_82, %get3A_83] : memref<1x4x128x512xf32, #tpu.memory_space<vmem>>, vector<1x1x128x512xf32>
    %get3A_85 = vector.shape_cast %get3A_84 : vector<1x1x128x512xf32> to vector<128x512xf32>
    %mul3A_86 = arith.mulf %get3A_77, %get3A_85 : vector<128x512xf32>
    %swap3A_87 = arith.constant 0 : index
    %swap3A_88 = arith.constant 1 : index
    %swap3A_89 = arith.constant 0 : index
    %swap3A_90 = arith.constant 0 : index
    %swap3A_91 = vector.load %arg8[%swap3A_87, %swap3A_88, %swap3A_89, %swap3A_90] : memref<1x16x128x512xf32, #tpu.memory_space<vmem>>, vector<1x1x128x512xf32>
    %swap3A_92 = vector.shape_cast %swap3A_91 : vector<1x1x128x512xf32> to vector<128x512xf32>
    %swap3A_93 = vector.shape_cast %mul3A_86 : vector<128x512xf32> to vector<1x1x128x512xf32>
    tpu.vector_store %arg8[%swap3A_87, %swap3A_88, %swap3A_89, %swap3A_90], %swap3A_93 {strides = array<i32>} : memref<1x16x128x512xf32, #tpu.memory_space<vmem>>, vector<1x1x128x512xf32>,
    %get3A_94 = arith.constant 1 : index
    %get3A_95 = memref.load %arg9[%get3A_94] : memref<16xf32, #tpu.memory_space<smem>>
    %mul3A_96 = arith.mulf %get3A_77, %convert_element_type3A_71 : vector<128x512xf32>
    %reduce_sum3A_97 = vector.shape_cast %mul3A_96 : vector<128x512xf32> to vector<1x128x512xf32>
    %reduce_sum3A_98 = arith.constant dense<0.000000e+00> : vector<1xf32>
    %reduce_sum3A_99 = vector.multi_reduction <add>, %reduce_sum3A_97, %reduce_sum3A_98 [1, 2] : vector<1x128x512xf32> to vector<1xf32>
    %reduce_sum3A_100 = vector.shape_cast %reduce_sum3A_99 : vector<1xf32> to vector<1x1x1xf32>
    %reduce_sum3A_101 = vector.extract %reduce_sum3A_100[0, 0, 0] : f32 from vector<1x1x1xf32>
    %add3A_102 = arith.addf %get3A_95, %reduce_sum3A_101 : f32
    %swap3A_103 = arith.constant 1 : index
    %swap3A_104 = memref.load %arg9[%swap3A_103] : memref<16xf32, #tpu.memory_space<smem>>
    memref.store %add3A_102, %arg9[%swap3A_103] : memref<16xf32, #tpu.memory_space<smem>>
    %get3A_105 = arith.constant 1 : index
    %get3A_106 = memref.load %arg10[%get3A_105] : memref<16xf32, #tpu.memory_space<smem>>
    %reduce_sum3A_107 = vector.shape_cast %get3A_77 : vector<128x512xf32> to vector<1x128x512xf32>
    %reduce_sum3A_108 = arith.constant dense<0.000000e+00> : vector<1xf32>
    %reduce_sum3A_109 = vector.multi_reduction <add>, %reduce_sum3A_107, %reduce_sum3A_108 [1, 2] : vector<1x128x512xf32> to vector<1xf32>
    %reduce_sum3A_110 = vector.shape_cast %reduce_sum3A_109 : vector<1xf32> to vector<1x1x1xf32>
    %reduce_sum3A_111 = vector.extract %reduce_sum3A_110[0, 0, 0] : f32 from vector<1x1x1xf32>
    %add3A_112 = arith.addf %get3A_106, %reduce_sum3A_111 : f32
    %swap3A_113 = arith.constant 1 : index
    %swap3A_114 = memref.load %arg10[%swap3A_113] : memref<16xf32, #tpu.memory_space<smem>>
    memref.store %add3A_112, %arg10[%swap3A_113] : memref<16xf32, #tpu.memory_space<smem>>
    %get3A_115 = arith.constant 1 : index
    %get3A_116 = memref.load %arg11[%get3A_115] : memref<16xf32, #tpu.memory_space<smem>>
    %reduce_sum3A_117 = vector.shape_cast %convert_element_type3A_71 : vector<128x512xf32> to vector<1x128x512xf32>
    %reduce_sum3A_118 = arith.constant dense<0.000000e+00> : vector<1xf32>
    %reduce_sum3A_119 = vector.multi_reduction <add>, %reduce_sum3A_117, %reduce_sum3A_118 [1, 2] : vector<1x128x512xf32> to vector<1xf32>
    %reduce_sum3A_120 = vector.shape_cast %reduce_sum3A_119 : vector<1xf32> to vector<1x1x1xf32>
    %reduce_sum3A_121 = vector.extract %reduce_sum3A_120[0, 0, 0] : f32 from vector<1x1x1xf32>
    %add3A_122 = arith.addf %get3A_116, %reduce_sum3A_121 : f32
    %swap3A_123 = arith.constant 1 : index
    %swap3A_124 = memref.load %arg11[%swap3A_123] : memref<16xf32, #tpu.memory_space<smem>>
    memref.store %add3A_122, %arg11[%swap3A_123] : memref<16xf32, #tpu.memory_space<smem>>
    %convert_element_type3A_125 = arith.extui %eq3A_69 : vector<128x512xi1> to vector<128x512xi32>
    %mul3A_126 = vector.broadcast %get3A_79 : i32 to vector<128x512xi32>
    %mul3A_127 = arith.muli %mul3A_126, %convert_element_type3A_125 : vector<128x512xi32>
    %add3A_128 = arith.addi %add3A_66, %mul3A_127 : vector<128x512xi32>
    %eq3A_129 = arith.constant 2 : i32
    %eq3A_130 = vector.broadcast %eq3A_129 : i32 to vector<128x512xi32>
    %eq3A_131 = arith.cmpi eq, %get3A_7, %eq3A_130 : vector<128x512xi32>
    %convert_element_type3A_132 = arith.extui %eq3A_131 : vector<128x512xi1> to vector<128x512xi32>
    %convert_element_type3A_133 = arith.sitofp %convert_element_type3A_132 : vector<128x512xi32> to vector<128x512xf32>
    %get3A_134 = arith.constant 0 : index
    %get3A_135 = arith.constant 2 : index
    %get3A_136 = arith.constant 0 : index
    %get3A_137 = arith.constant 0 : index
    %get3A_138 = vector.load %arg3[%get3A_134, %get3A_135, %get3A_136, %get3A_137] : memref<1x16x128x512xf32, #tpu.memory_space<vmem>>, vector<1x1x128x512xf32>
    %get3A_139 = vector.shape_cast %get3A_138 : vector<1x1x128x512xf32> to vector<128x512xf32>
    %get3A_140 = arith.constant 2 : index
    %get3A_141 = memref.load %arg4[%get3A_140] : memref<16xi32, #tpu.memory_space<smem>>
    %get3A_142 = arith.constant 0 : index
    %get3A_143 = arith.index_cast %get3A_141 : i32 to index
    %get3A_144 = arith.constant 0 : index
    %get3A_145 = arith.constant 0 : index
    %get3A_146 = vector.load %arg2[%get3A_142, %get3A_143, %get3A_144, %get3A_145] : memref<1x4x128x512xf32, #tpu.memory_space<vmem>>, vector<1x1x128x512xf32>
    %get3A_147 = vector.shape_cast %get3A_146 : vector<1x1x128x512xf32> to vector<128x512xf32>
    %mul3A_148 = arith.mulf %get3A_139, %get3A_147 : vector<128x512xf32>
    %swap3A_149 = arith.constant 0 : index
    %swap3A_150 = arith.constant 2 : index
    %swap3A_151 = arith.constant 0 : index
    %swap3A_152 = arith.constant 0 : index
    %swap3A_153 = vector.load %arg8[%swap3A_149, %swap3A_150, %swap3A_151, %swap3A_152] : memref<1x16x128x512xf32, #tpu.memory_space<vmem>>, vector<1x1x128x512xf32>
    %swap3A_154 = vector.shape_cast %swap3A_153 : vector<1x1x128x512xf32> to vector<128x512xf32>
    %swap3A_155 = vector.shape_cast %mul3A_148 : vector<128x512xf32> to vector<1x1x128x512xf32>
    tpu.vector_store %arg8[%swap3A_149, %swap3A_150, %swap3A_151, %swap3A_152], %swap3A_155 {strides = array<i32>} : memref<1x16x128x512xf32, #tpu.memory_space<vmem>>, vector<1x1x128x512xf32>,
    %get3A_156 = arith.constant 2 : index
    %get3A_157 = memref.load %arg9[%get3A_156] : memref<16xf32, #tpu.memory_space<smem>>
    %mul3A_158 = arith.mulf %get3A_139, %convert_element_type3A_133 : vector<128x512xf32>
    %reduce_sum3A_159 = vector.shape_cast %mul3A_158 : vector<128x512xf32> to vector<1x128x512xf32>
    %reduce_sum3A_160 = arith.constant dense<0.000000e+00> : vector<1xf32>
    %reduce_sum3A_161 = vector.multi_reduction <add>, %reduce_sum3A_159, %reduce_sum3A_160 [1, 2] : vector<1x128x512xf32> to vector<1xf32>
    %reduce_sum3A_162 = vector.shape_cast %reduce_sum3A_161 : vector<1xf32> to vector<1x1x1xf32>
    %reduce_sum3A_163 = vector.extract %reduce_sum3A_162[0, 0, 0] : f32 from vector<1x1x1xf32>
    %add3A_164 = arith.addf %get3A_157, %reduce_sum3A_163 : f32
    %swap3A_165 = arith.constant 2 : index
    %swap3A_166 = memref.load %arg9[%swap3A_165] : memref<16xf32, #tpu.memory_space<smem>>
    memref.store %add3A_164, %arg9[%swap3A_165] : memref<16xf32, #tpu.memory_space<smem>>
    %get3A_167 = arith.constant 2 : index
    %get3A_168 = memref.load %arg10[%get3A_167] : memref<16xf32, #tpu.memory_space<smem>>
    %reduce_sum3A_169 = vector.shape_cast %get3A_139 : vector<128x512xf32> to vector<1x128x512xf32>
    %reduce_sum3A_170 = arith.constant dense<0.000000e+00> : vector<1xf32>
    %reduce_sum3A_171 = vector.multi_reduction <add>, %reduce_sum3A_169, %reduce_sum3A_170 [1, 2] : vector<1x128x512xf32> to vector<1xf32>
    %reduce_sum3A_172 = vector.shape_cast %reduce_sum3A_171 : vector<1xf32> to vector<1x1x1xf32>
    %reduce_sum3A_173 = vector.extract %reduce_sum3A_172[0, 0, 0] : f32 from vector<1x1x1xf32>
    %add3A_174 = arith.addf %get3A_168, %reduce_sum3A_173 : f32
    %swap3A_175 = arith.constant 2 : index
    %swap3A_176 = memref.load %arg10[%swap3A_175] : memref<16xf32, #tpu.memory_space<smem>>
    memref.store %add3A_174, %arg10[%swap3A_175] : memref<16xf32, #tpu.memory_space<smem>>
    %get3A_177 = arith.constant 2 : index
    %get3A_178 = memref.load %arg11[%get3A_177] : memref<16xf32, #tpu.memory_space<smem>>
    %reduce_sum3A_179 = vector.shape_cast %convert_element_type3A_133 : vector<128x512xf32> to vector<1x128x512xf32>
    %reduce_sum3A_180 = arith.constant dense<0.000000e+00> : vector<1xf32>
    %reduce_sum3A_181 = vector.multi_reduction <add>, %reduce_sum3A_179, %reduce_sum3A_180 [1, 2] : vector<1x128x512xf32> to vector<1xf32>
    %reduce_sum3A_182 = vector.shape_cast %reduce_sum3A_181 : vector<1xf32> to vector<1x1x1xf32>
    %reduce_sum3A_183 = vector.extract %reduce_sum3A_182[0, 0, 0] : f32 from vector<1x1x1xf32>
    %add3A_184 = arith.addf %get3A_178, %reduce_sum3A_183 : f32
    %swap3A_185 = arith.constant 2 : index
    %swap3A_186 = memref.load %arg11[%swap3A_185] : memref<16xf32, #tpu.memory_space<smem>>
    memref.store %add3A_184, %arg11[%swap3A_185] : memref<16xf32, #tpu.memory_space<smem>>
    %convert_element_type3A_187 = arith.extui %eq3A_131 : vector<128x512xi1> to vector<128x512xi32>
    %mul3A_188 = vector.broadcast %get3A_141 : i32 to vector<128x512xi32>
    %mul3A_189 = arith.muli %mul3A_188, %convert_element_type3A_187 : vector<128x512xi32>
    %add3A_190 = arith.addi %add3A_128, %mul3A_189 : vector<128x512xi32>
    %eq3A_191 = arith.constant 3 : i32
    %eq3A_192 = vector.broadcast %eq3A_191 : i32 to vector<128x512xi32>
    %eq3A_193 = arith.cmpi eq, %get3A_7, %eq3A_192 : vector<128x512xi32>
    %convert_element_type3A_194 = arith.extui %eq3A_193 : vector<128x512xi1> to vector<128x512xi32>
    %convert_element_type3A_195 = arith.sitofp %convert_element_type3A_194 : vector<128x512xi32> to vector<128x512xf32>
    %get3A_196 = arith.constant 0 : index
    %get3A_197 = arith.constant 3 : index
    %get3A_198 = arith.constant 0 : index
    %get3A_199 = arith.constant 0 : index
    %get3A_200 = vector.load %arg3[%get3A_196, %get3A_197, %get3A_198, %get3A_199] : memref<1x16x128x512xf32, #tpu.memory_space<vmem>>, vector<1x1x128x512xf32>
    %get3A_201 = vector.shape_cast %get3A_200 : vector<1x1x128x512xf32> to vector<128x512xf32>
    %get3A_202 = arith.constant 3 : index
    %get3A_203 = memref.load %arg4[%get3A_202] : memref<16xi32, #tpu.memory_space<smem>>
    %get3A_204 = arith.constant 0 : index
    %get3A_205 = arith.index_cast %get3A_203 : i32 to index
    %get3A_206 = arith.constant 0 : index
    %get3A_207 = arith.constant 0 : index
    %get3A_208 = vector.load %arg2[%get3A_204, %get3A_205, %get3A_206, %get3A_207] : memref<1x4x128x512xf32, #tpu.memory_space<vmem>>, vector<1x1x128x512xf32>
    %get3A_209 = vector.shape_cast %get3A_208 : vector<1x1x128x512xf32> to vector<128x512xf32>
    %mul3A_210 = arith.mulf %get3A_201, %get3A_209 : vector<128x512xf32>
    %swap3A_211 = arith.constant 0 : index
    %swap3A_212 = arith.constant 3 : index
    %swap3A_213 = arith.constant 0 : index
    %swap3A_214 = arith.constant 0 : index
    %swap3A_215 = vector.load %arg8[%swap3A_211, %swap3A_212, %swap3A_213, %swap3A_214] : memref<1x16x128x512xf32, #tpu.memory_space<vmem>>, vector<1x1x128x512xf32>
    %swap3A_216 = vector.shape_cast %swap3A_215 : vector<1x1x128x512xf32> to vector<128x512xf32>
    %swap3A_217 = vector.shape_cast %mul3A_210 : vector<128x512xf32> to vector<1x1x128x512xf32>
    tpu.vector_store %arg8[%swap3A_211, %swap3A_212, %swap3A_213, %swap3A_214], %swap3A_217 {strides = array<i32>} : memref<1x16x128x512xf32, #tpu.memory_space<vmem>>, vector<1x1x128x512xf32>,
    %get3A_218 = arith.constant 3 : index
    %get3A_219 = memref.load %arg9[%get3A_218] : memref<16xf32, #tpu.memory_space<smem>>
    %mul3A_220 = arith.mulf %get3A_201, %convert_element_type3A_195 : vector<128x512xf32>
    %reduce_sum3A_221 = vector.shape_cast %mul3A_220 : vector<128x512xf32> to vector<1x128x512xf32>
    %reduce_sum3A_222 = arith.constant dense<0.000000e+00> : vector<1xf32>
    %reduce_sum3A_223 = vector.multi_reduction <add>, %reduce_sum3A_221, %reduce_sum3A_222 [1, 2] : vector<1x128x512xf32> to vector<1xf32>
    %reduce_sum3A_224 = vector.shape_cast %reduce_sum3A_223 : vector<1xf32> to vector<1x1x1xf32>
    %reduce_sum3A_225 = vector.extract %reduce_sum3A_224[0, 0, 0] : f32 from vector<1x1x1xf32>
    %add3A_226 = arith.addf %get3A_219, %reduce_sum3A_225 : f32
    %swap3A_227 = arith.constant 3 : index
    %swap3A_228 = memref.load %arg9[%swap3A_227] : memref<16xf32, #tpu.memory_space<smem>>
    memref.store %add3A_226, %arg9[%swap3A_227] : memref<16xf32, #tpu.memory_space<smem>>
    %get3A_229 = arith.constant 3 : index
    %get3A_230 = memref.load %arg10[%get3A_229] : memref<16xf32, #tpu.memory_space<smem>>
    %reduce_sum3A_231 = vector.shape_cast %get3A_201 : vector<128x512xf32> to vector<1x128x512xf32>
    %reduce_sum3A_232 = arith.constant dense<0.000000e+00> : vector<1xf32>
    %reduce_sum3A_233 = vector.multi_reduction <add>, %reduce_sum3A_231, %reduce_sum3A_232 [1, 2] : vector<1x128x512xf32> to vector<1xf32>
    %reduce_sum3A_234 = vector.shape_cast %reduce_sum3A_233 : vector<1xf32> to vector<1x1x1xf32>
    %reduce_sum3A_235 = vector.extract %reduce_sum3A_234[0, 0, 0] : f32 from vector<1x1x1xf32>
    %add3A_236 = arith.addf %get3A_230, %reduce_sum3A_235 : f32
    %swap3A_237 = arith.constant 3 : index
    %swap3A_238 = memref.load %arg10[%swap3A_237] : memref<16xf32, #tpu.memory_space<smem>>
    memref.store %add3A_236, %arg10[%swap3A_237] : memref<16xf32, #tpu.memory_space<smem>>
    %get3A_239 = arith.constant 3 : index
    %get3A_240 = memref.load %arg11[%get3A_239] : memref<16xf32, #tpu.memory_space<smem>>
    %reduce_sum3A_241 = vector.shape_cast %convert_element_type3A_195 : vector<128x512xf32> to vector<1x128x512xf32>
    %reduce_sum3A_242 = arith.constant dense<0.000000e+00> : vector<1xf32>
    %reduce_sum3A_243 = vector.multi_reduction <add>, %reduce_sum3A_241, %reduce_sum3A_242 [1, 2] : vector<1x128x512xf32> to vector<1xf32>
    %reduce_sum3A_244 = vector.shape_cast %reduce_sum3A_243 : vector<1xf32> to vector<1x1x1xf32>
    %reduce_sum3A_245 = vector.extract %reduce_sum3A_244[0, 0, 0] : f32 from vector<1x1x1xf32>
    %add3A_246 = arith.addf %get3A_240, %reduce_sum3A_245 : f32
    %swap3A_247 = arith.constant 3 : index
    %swap3A_248 = memref.load %arg11[%swap3A_247] : memref<16xf32, #tpu.memory_space<smem>>
    memref.store %add3A_246, %arg11[%swap3A_247] : memref<16xf32, #tpu.memory_space<smem>>
    %convert_element_type3A_249 = arith.extui %eq3A_193 : vector<128x512xi1> to vector<128x512xi32>
    %mul3A_250 = vector.broadcast %get3A_203 : i32 to vector<128x512xi32>
    %mul3A_251 = arith.muli %mul3A_250, %convert_element_type3A_249 : vector<128x512xi32>
    %add3A_252 = arith.addi %add3A_190, %mul3A_251 : vector<128x512xi32>
    %eq3A_253 = arith.constant 4 : i32
    %eq3A_254 = vector.broadcast %eq3A_253 : i32 to vector<128x512xi32>
    %eq3A_255 = arith.cmpi eq, %get3A_7, %eq3A_254 : vector<128x512xi32>
    %convert_element_type3A_256 = arith.extui %eq3A_255 : vector<128x512xi1> to vector<128x512xi32>
    %convert_element_type3A_257 = arith.sitofp %convert_element_type3A_256 : vector<128x512xi32> to vector<128x512xf32>
    %get3A_258 = arith.constant 0 : index
    %get3A_259 = arith.constant 4 : index
    %get3A_260 = arith.constant 0 : index
    %get3A_261 = arith.constant 0 : index
    %get3A_262 = vector.load %arg3[%get3A_258, %get3A_259, %get3A_260, %get3A_261] : memref<1x16x128x512xf32, #tpu.memory_space<vmem>>, vector<1x1x128x512xf32>
    %get3A_263 = vector.shape_cast %get3A_262 : vector<1x1x128x512xf32> to vector<128x512xf32>
    %get3A_264 = arith.constant 4 : index
    %get3A_265 = memref.load %arg4[%get3A_264] : memref<16xi32, #tpu.memory_space<smem>>
    %get3A_266 = arith.constant 0 : index
    %get3A_267 = arith.index_cast %get3A_265 : i32 to index
    %get3A_268 = arith.constant 0 : index
    %get3A_269 = arith.constant 0 : index
    %get3A_270 = vector.load %arg2[%get3A_266, %get3A_267, %get3A_268, %get3A_269] : memref<1x4x128x512xf32, #tpu.memory_space<vmem>>, vector<1x1x128x512xf32>
    %get3A_271 = vector.shape_cast %get3A_270 : vector<1x1x128x512xf32> to vector<128x512xf32>
    %mul3A_272 = arith.mulf %get3A_263, %get3A_271 : vector<128x512xf32>
    %swap3A_273 = arith.constant 0 : index
    %swap3A_274 = arith.constant 4 : index
    %swap3A_275 = arith.constant 0 : index
    %swap3A_276 = arith.constant 0 : index
    %swap3A_277 = vector.load %arg8[%swap3A_273, %swap3A_274, %swap3A_275, %swap3A_276] : memref<1x16x128x512xf32, #tpu.memory_space<vmem>>, vector<1x1x128x512xf32>
    %swap3A_278 = vector.shape_cast %swap3A_277 : vector<1x1x128x512xf32> to vector<128x512xf32>
    %swap3A_279 = vector.shape_cast %mul3A_272 : vector<128x512xf32> to vector<1x1x128x512xf32>
    tpu.vector_store %arg8[%swap3A_273, %swap3A_274, %swap3A_275, %swap3A_276], %swap3A_279 {strides = array<i32>} : memref<1x16x128x512xf32, #tpu.memory_space<vmem>>, vector<1x1x128x512xf32>,
    %get3A_280 = arith.constant 4 : index
    %get3A_281 = memref.load %arg9[%get3A_280] : memref<16xf32, #tpu.memory_space<smem>>
    %mul3A_282 = arith.mulf %get3A_263, %convert_element_type3A_257 : vector<128x512xf32>
    %reduce_sum3A_283 = vector.shape_cast %mul3A_282 : vector<128x512xf32> to vector<1x128x512xf32>
    %reduce_sum3A_284 = arith.constant dense<0.000000e+00> : vector<1xf32>
    %reduce_sum3A_285 = vector.multi_reduction <add>, %reduce_sum3A_283, %reduce_sum3A_284 [1, 2] : vector<1x128x512xf32> to vector<1xf32>
    %reduce_sum3A_286 = vector.shape_cast %reduce_sum3A_285 : vector<1xf32> to vector<1x1x1xf32>
    %reduce_sum3A_287 = vector.extract %reduce_sum3A_286[0, 0, 0] : f32 from vector<1x1x1xf32>
    %add3A_288 = arith.addf %get3A_281, %reduce_sum3A_287 : f32
    %swap3A_289 = arith.constant 4 : index
    %swap3A_290 = memref.load %arg9[%swap3A_289] : memref<16xf32, #tpu.memory_space<smem>>
    memref.store %add3A_288, %arg9[%swap3A_289] : memref<16xf32, #tpu.memory_space<smem>>
    %get3A_291 = arith.constant 4 : index
    %get3A_292 = memref.load %arg10[%get3A_291] : memref<16xf32, #tpu.memory_space<smem>>
    %reduce_sum3A_293 = vector.shape_cast %get3A_263 : vector<128x512xf32> to vector<1x128x512xf32>
    %reduce_sum3A_294 = arith.constant dense<0.000000e+00> : vector<1xf32>
    %reduce_sum3A_295 = vector.multi_reduction <add>, %reduce_sum3A_293, %reduce_sum3A_294 [1, 2] : vector<1x128x512xf32> to vector<1xf32>
    %reduce_sum3A_296 = vector.shape_cast %reduce_sum3A_295 : vector<1xf32> to vector<1x1x1xf32>
    %reduce_sum3A_297 = vector.extract %reduce_sum3A_296[0, 0, 0] : f32 from vector<1x1x1xf32>
    %add3A_298 = arith.addf %get3A_292, %reduce_sum3A_297 : f32
    %swap3A_299 = arith.constant 4 : index
    %swap3A_300 = memref.load %arg10[%swap3A_299] : memref<16xf32, #tpu.memory_space<smem>>
    memref.store %add3A_298, %arg10[%swap3A_299] : memref<16xf32, #tpu.memory_space<smem>>
    %get3A_301 = arith.constant 4 : index
    %get3A_302 = memref.load %arg11[%get3A_301] : memref<16xf32, #tpu.memory_space<smem>>
    %reduce_sum3A_303 = vector.shape_cast %convert_element_type3A_257 : vector<128x512xf32> to vector<1x128x512xf32>
    %reduce_sum3A_304 = arith.constant dense<0.000000e+00> : vector<1xf32>
    %reduce_sum3A_305 = vector.multi_reduction <add>, %reduce_sum3A_303, %reduce_sum3A_304 [1, 2] : vector<1x128x512xf32> to vector<1xf32>
    %reduce_sum3A_306 = vector.shape_cast %reduce_sum3A_305 : vector<1xf32> to vector<1x1x1xf32>
    %reduce_sum3A_307 = vector.extract %reduce_sum3A_306[0, 0, 0] : f32 from vector<1x1x1xf32>
    %add3A_308 = arith.addf %get3A_302, %reduce_sum3A_307 : f32
    %swap3A_309 = arith.constant 4 : index
    %swap3A_310 = memref.load %arg11[%swap3A_309] : memref<16xf32, #tpu.memory_space<smem>>
    memref.store %add3A_308, %arg11[%swap3A_309] : memref<16xf32, #tpu.memory_space<smem>>
    %convert_element_type3A_311 = arith.extui %eq3A_255 : vector<128x512xi1> to vector<128x512xi32>
    %mul3A_312 = vector.broadcast %get3A_265 : i32 to vector<128x512xi32>
    %mul3A_313 = arith.muli %mul3A_312, %convert_element_type3A_311 : vector<128x512xi32>
    %add3A_314 = arith.addi %add3A_252, %mul3A_313 : vector<128x512xi32>
    %eq3A_315 = arith.constant 5 : i32
    %eq3A_316 = vector.broadcast %eq3A_315 : i32 to vector<128x512xi32>
    %eq3A_317 = arith.cmpi eq, %get3A_7, %eq3A_316 : vector<128x512xi32>
    %convert_element_type3A_318 = arith.extui %eq3A_317 : vector<128x512xi1> to vector<128x512xi32>
    %convert_element_type3A_319 = arith.sitofp %convert_element_type3A_318 : vector<128x512xi32> to vector<128x512xf32>
    %get3A_320 = arith.constant 0 : index
    %get3A_321 = arith.constant 5 : index
    %get3A_322 = arith.constant 0 : index
    %get3A_323 = arith.constant 0 : index
    %get3A_324 = vector.load %arg3[%get3A_320, %get3A_321, %get3A_322, %get3A_323] : memref<1x16x128x512xf32, #tpu.memory_space<vmem>>, vector<1x1x128x512xf32>
    %get3A_325 = vector.shape_cast %get3A_324 : vector<1x1x128x512xf32> to vector<128x512xf32>
    %get3A_326 = arith.constant 5 : index
    %get3A_327 = memref.load %arg4[%get3A_326] : memref<16xi32, #tpu.memory_space<smem>>
    %get3A_328 = arith.constant 0 : index
    %get3A_329 = arith.index_cast %get3A_327 : i32 to index
    %get3A_330 = arith.constant 0 : index
    %get3A_331 = arith.constant 0 : index
    %get3A_332 = vector.load %arg2[%get3A_328, %get3A_329, %get3A_330, %get3A_331] : memref<1x4x128x512xf32, #tpu.memory_space<vmem>>, vector<1x1x128x512xf32>
    %get3A_333 = vector.shape_cast %get3A_332 : vector<1x1x128x512xf32> to vector<128x512xf32>
    %mul3A_334 = arith.mulf %get3A_325, %get3A_333 : vector<128x512xf32>
    %swap3A_335 = arith.constant 0 : index
    %swap3A_336 = arith.constant 5 : index
    %swap3A_337 = arith.constant 0 : index
    %swap3A_338 = arith.constant 0 : index
    %swap3A_339 = vector.load %arg8[%swap3A_335, %swap3A_336, %swap3A_337, %swap3A_338] : memref<1x16x128x512xf32, #tpu.memory_space<vmem>>, vector<1x1x128x512xf32>
    %swap3A_340 = vector.shape_cast %swap3A_339 : vector<1x1x128x512xf32> to vector<128x512xf32>
    %swap3A_341 = vector.shape_cast %mul3A_334 : vector<128x512xf32> to vector<1x1x128x512xf32>
    tpu.vector_store %arg8[%swap3A_335, %swap3A_336, %swap3A_337, %swap3A_338], %swap3A_341 {strides = array<i32>} : memref<1x16x128x512xf32, #tpu.memory_space<vmem>>, vector<1x1x128x512xf32>,
    %get3A_342 = arith.constant 5 : index
    %get3A_343 = memref.load %arg9[%get3A_342] : memref<16xf32, #tpu.memory_space<smem>>
    %mul3A_344 = arith.mulf %get3A_325, %convert_element_type3A_319 : vector<128x512xf32>
    %reduce_sum3A_345 = vector.shape_cast %mul3A_344 : vector<128x512xf32> to vector<1x128x512xf32>
    %reduce_sum3A_346 = arith.constant dense<0.000000e+00> : vector<1xf32>
    %reduce_sum3A_347 = vector.multi_reduction <add>, %reduce_sum3A_345, %reduce_sum3A_346 [1, 2] : vector<1x128x512xf32> to vector<1xf32>
    %reduce_sum3A_348 = vector.shape_cast %reduce_sum3A_347 : vector<1xf32> to vector<1x1x1xf32>
    %reduce_sum3A_349 = vector.extract %reduce_sum3A_348[0, 0, 0] : f32 from vector<1x1x1xf32>
    %add3A_350 = arith.addf %get3A_343, %reduce_sum3A_349 : f32
    %swap3A_351 = arith.constant 5 : index
    %swap3A_352 = memref.load %arg9[%swap3A_351] : memref<16xf32, #tpu.memory_space<smem>>
    memref.store %add3A_350, %arg9[%swap3A_351] : memref<16xf32, #tpu.memory_space<smem>>
    %get3A_353 = arith.constant 5 : index
    %get3A_354 = memref.load %arg10[%get3A_353] : memref<16xf32, #tpu.memory_space<smem>>
    %reduce_sum3A_355 = vector.shape_cast %get3A_325 : vector<128x512xf32> to vector<1x128x512xf32>
    %reduce_sum3A_356 = arith.constant dense<0.000000e+00> : vector<1xf32>
    %reduce_sum3A_357 = vector.multi_reduction <add>, %reduce_sum3A_355, %reduce_sum3A_356 [1, 2] : vector<1x128x512xf32> to vector<1xf32>
    %reduce_sum3A_358 = vector.shape_cast %reduce_sum3A_357 : vector<1xf32> to vector<1x1x1xf32>
    %reduce_sum3A_359 = vector.extract %reduce_sum3A_358[0, 0, 0] : f32 from vector<1x1x1xf32>
    %add3A_360 = arith.addf %get3A_354, %reduce_sum3A_359 : f32
    %swap3A_361 = arith.constant 5 : index
    %swap3A_362 = memref.load %arg10[%swap3A_361] : memref<16xf32, #tpu.memory_space<smem>>
    memref.store %add3A_360, %arg10[%swap3A_361] : memref<16xf32, #tpu.memory_space<smem>>
    %get3A_363 = arith.constant 5 : index
    %get3A_364 = memref.load %arg11[%get3A_363] : memref<16xf32, #tpu.memory_space<smem>>
    %reduce_sum3A_365 = vector.shape_cast %convert_element_type3A_319 : vector<128x512xf32> to vector<1x128x512xf32>
    %reduce_sum3A_366 = arith.constant dense<0.000000e+00> : vector<1xf32>
    %reduce_sum3A_367 = vector.multi_reduction <add>, %reduce_sum3A_365, %reduce_sum3A_366 [1, 2] : vector<1x128x512xf32> to vector<1xf32>
    %reduce_sum3A_368 = vector.shape_cast %reduce_sum3A_367 : vector<1xf32> to vector<1x1x1xf32>
    %reduce_sum3A_369 = vector.extract %reduce_sum3A_368[0, 0, 0] : f32 from vector<1x1x1xf32>
    %add3A_370 = arith.addf %get3A_364, %reduce_sum3A_369 : f32
    %swap3A_371 = arith.constant 5 : index
    %swap3A_372 = memref.load %arg11[%swap3A_371] : memref<16xf32, #tpu.memory_space<smem>>
    memref.store %add3A_370, %arg11[%swap3A_371] : memref<16xf32, #tpu.memory_space<smem>>
    %convert_element_type3A_373 = arith.extui %eq3A_317 : vector<128x512xi1> to vector<128x512xi32>
    %mul3A_374 = vector.broadcast %get3A_327 : i32 to vector<128x512xi32>
    %mul3A_375 = arith.muli %mul3A_374, %convert_element_type3A_373 : vector<128x512xi32>
    %add3A_376 = arith.addi %add3A_314, %mul3A_375 : vector<128x512xi32>
    %eq3A_377 = arith.constant 6 : i32
    %eq3A_378 = vector.broadcast %eq3A_377 : i32 to vector<128x512xi32>
    %eq3A_379 = arith.cmpi eq, %get3A_7, %eq3A_378 : vector<128x512xi32>
    %convert_element_type3A_380 = arith.extui %eq3A_379 : vector<128x512xi1> to vector<128x512xi32>
    %convert_element_type3A_381 = arith.sitofp %convert_element_type3A_380 : vector<128x512xi32> to vector<128x512xf32>
    %get3A_382 = arith.constant 0 : index
    %get3A_383 = arith.constant 6 : index
    %get3A_384 = arith.constant 0 : index
    %get3A_385 = arith.constant 0 : index
    %get3A_386 = vector.load %arg3[%get3A_382, %get3A_383, %get3A_384, %get3A_385] : memref<1x16x128x512xf32, #tpu.memory_space<vmem>>, vector<1x1x128x512xf32>
    %get3A_387 = vector.shape_cast %get3A_386 : vector<1x1x128x512xf32> to vector<128x512xf32>
    %get3A_388 = arith.constant 6 : index
    %get3A_389 = memref.load %arg4[%get3A_388] : memref<16xi32, #tpu.memory_space<smem>>
    %get3A_390 = arith.constant 0 : index
    %get3A_391 = arith.index_cast %get3A_389 : i32 to index
    %get3A_392 = arith.constant 0 : index
    %get3A_393 = arith.constant 0 : index
    %get3A_394 = vector.load %arg2[%get3A_390, %get3A_391, %get3A_392, %get3A_393] : memref<1x4x128x512xf32, #tpu.memory_space<vmem>>, vector<1x1x128x512xf32>
    %get3A_395 = vector.shape_cast %get3A_394 : vector<1x1x128x512xf32> to vector<128x512xf32>
    %mul3A_396 = arith.mulf %get3A_387, %get3A_395 : vector<128x512xf32>
    %swap3A_397 = arith.constant 0 : index
    %swap3A_398 = arith.constant 6 : index
    %swap3A_399 = arith.constant 0 : index
    %swap3A_400 = arith.constant 0 : index
    %swap3A_401 = vector.load %arg8[%swap3A_397, %swap3A_398, %swap3A_399, %swap3A_400] : memref<1x16x128x512xf32, #tpu.memory_space<vmem>>, vector<1x1x128x512xf32>
    %swap3A_402 = vector.shape_cast %swap3A_401 : vector<1x1x128x512xf32> to vector<128x512xf32>
    %swap3A_403 = vector.shape_cast %mul3A_396 : vector<128x512xf32> to vector<1x1x128x512xf32>
    tpu.vector_store %arg8[%swap3A_397, %swap3A_398, %swap3A_399, %swap3A_400], %swap3A_403 {strides = array<i32>} : memref<1x16x128x512xf32, #tpu.memory_space<vmem>>, vector<1x1x128x512xf32>,
    %get3A_404 = arith.constant 6 : index
    %get3A_405 = memref.load %arg9[%get3A_404] : memref<16xf32, #tpu.memory_space<smem>>
    %mul3A_406 = arith.mulf %get3A_387, %convert_element_type3A_381 : vector<128x512xf32>
    %reduce_sum3A_407 = vector.shape_cast %mul3A_406 : vector<128x512xf32> to vector<1x128x512xf32>
    %reduce_sum3A_408 = arith.constant dense<0.000000e+00> : vector<1xf32>
    %reduce_sum3A_409 = vector.multi_reduction <add>, %reduce_sum3A_407, %reduce_sum3A_408 [1, 2] : vector<1x128x512xf32> to vector<1xf32>
    %reduce_sum3A_410 = vector.shape_cast %reduce_sum3A_409 : vector<1xf32> to vector<1x1x1xf32>
    %reduce_sum3A_411 = vector.extract %reduce_sum3A_410[0, 0, 0] : f32 from vector<1x1x1xf32>
    %add3A_412 = arith.addf %get3A_405, %reduce_sum3A_411 : f32
    %swap3A_413 = arith.constant 6 : index
    %swap3A_414 = memref.load %arg9[%swap3A_413] : memref<16xf32, #tpu.memory_space<smem>>
    memref.store %add3A_412, %arg9[%swap3A_413] : memref<16xf32, #tpu.memory_space<smem>>
    %get3A_415 = arith.constant 6 : index
    %get3A_416 = memref.load %arg10[%get3A_415] : memref<16xf32, #tpu.memory_space<smem>>
    %reduce_sum3A_417 = vector.shape_cast %get3A_387 : vector<128x512xf32> to vector<1x128x512xf32>
    %reduce_sum3A_418 = arith.constant dense<0.000000e+00> : vector<1xf32>
    %reduce_sum3A_419 = vector.multi_reduction <add>, %reduce_sum3A_417, %reduce_sum3A_418 [1, 2] : vector<1x128x512xf32> to vector<1xf32>
    %reduce_sum3A_420 = vector.shape_cast %reduce_sum3A_419 : vector<1xf32> to vector<1x1x1xf32>
    %reduce_sum3A_421 = vector.extract %reduce_sum3A_420[0, 0, 0] : f32 from vector<1x1x1xf32>
    %add3A_422 = arith.addf %get3A_416, %reduce_sum3A_421 : f32
    %swap3A_423 = arith.constant 6 : index
    %swap3A_424 = memref.load %arg10[%swap3A_423] : memref<16xf32, #tpu.memory_space<smem>>
    memref.store %add3A_422, %arg10[%swap3A_423] : memref<16xf32, #tpu.memory_space<smem>>
    %get3A_425 = arith.constant 6 : index
    %get3A_426 = memref.load %arg11[%get3A_425] : memref<16xf32, #tpu.memory_space<smem>>
    %reduce_sum3A_427 = vector.shape_cast %convert_element_type3A_381 : vector<128x512xf32> to vector<1x128x512xf32>
    %reduce_sum3A_428 = arith.constant dense<0.000000e+00> : vector<1xf32>
    %reduce_sum3A_429 = vector.multi_reduction <add>, %reduce_sum3A_427, %reduce_sum3A_428 [1, 2] : vector<1x128x512xf32> to vector<1xf32>
    %reduce_sum3A_430 = vector.shape_cast %reduce_sum3A_429 : vector<1xf32> to vector<1x1x1xf32>
    %reduce_sum3A_431 = vector.extract %reduce_sum3A_430[0, 0, 0] : f32 from vector<1x1x1xf32>
    %add3A_432 = arith.addf %get3A_426, %reduce_sum3A_431 : f32
    %swap3A_433 = arith.constant 6 : index
    %swap3A_434 = memref.load %arg11[%swap3A_433] : memref<16xf32, #tpu.memory_space<smem>>
    memref.store %add3A_432, %arg11[%swap3A_433] : memref<16xf32, #tpu.memory_space<smem>>
    %convert_element_type3A_435 = arith.extui %eq3A_379 : vector<128x512xi1> to vector<128x512xi32>
    %mul3A_436 = vector.broadcast %get3A_389 : i32 to vector<128x512xi32>
    %mul3A_437 = arith.muli %mul3A_436, %convert_element_type3A_435 : vector<128x512xi32>
    %add3A_438 = arith.addi %add3A_376, %mul3A_437 : vector<128x512xi32>
    %eq3A_439 = arith.constant 7 : i32
    %eq3A_440 = vector.broadcast %eq3A_439 : i32 to vector<128x512xi32>
    %eq3A_441 = arith.cmpi eq, %get3A_7, %eq3A_440 : vector<128x512xi32>
    %convert_element_type3A_442 = arith.extui %eq3A_441 : vector<128x512xi1> to vector<128x512xi32>
    %convert_element_type3A_443 = arith.sitofp %convert_element_type3A_442 : vector<128x512xi32> to vector<128x512xf32>
    %get3A_444 = arith.constant 0 : index
    %get3A_445 = arith.constant 7 : index
    %get3A_446 = arith.constant 0 : index
    %get3A_447 = arith.constant 0 : index
    %get3A_448 = vector.load %arg3[%get3A_444, %get3A_445, %get3A_446, %get3A_447] : memref<1x16x128x512xf32, #tpu.memory_space<vmem>>, vector<1x1x128x512xf32>
    %get3A_449 = vector.shape_cast %get3A_448 : vector<1x1x128x512xf32> to vector<128x512xf32>
    %get3A_450 = arith.constant 7 : index
    %get3A_451 = memref.load %arg4[%get3A_450] : memref<16xi32, #tpu.memory_space<smem>>
    %get3A_452 = arith.constant 0 : index
    %get3A_453 = arith.index_cast %get3A_451 : i32 to index
    %get3A_454 = arith.constant 0 : index
    %get3A_455 = arith.constant 0 : index
    %get3A_456 = vector.load %arg2[%get3A_452, %get3A_453, %get3A_454, %get3A_455] : memref<1x4x128x512xf32, #tpu.memory_space<vmem>>, vector<1x1x128x512xf32>
    %get3A_457 = vector.shape_cast %get3A_456 : vector<1x1x128x512xf32> to vector<128x512xf32>
    %mul3A_458 = arith.mulf %get3A_449, %get3A_457 : vector<128x512xf32>
    %swap3A_459 = arith.constant 0 : index
    %swap3A_460 = arith.constant 7 : index
    %swap3A_461 = arith.constant 0 : index
    %swap3A_462 = arith.constant 0 : index
    %swap3A_463 = vector.load %arg8[%swap3A_459, %swap3A_460, %swap3A_461, %swap3A_462] : memref<1x16x128x512xf32, #tpu.memory_space<vmem>>, vector<1x1x128x512xf32>
    %swap3A_464 = vector.shape_cast %swap3A_463 : vector<1x1x128x512xf32> to vector<128x512xf32>
    %swap3A_465 = vector.shape_cast %mul3A_458 : vector<128x512xf32> to vector<1x1x128x512xf32>
    tpu.vector_store %arg8[%swap3A_459, %swap3A_460, %swap3A_461, %swap3A_462], %swap3A_465 {strides = array<i32>} : memref<1x16x128x512xf32, #tpu.memory_space<vmem>>, vector<1x1x128x512xf32>,
    %get3A_466 = arith.constant 7 : index
    %get3A_467 = memref.load %arg9[%get3A_466] : memref<16xf32, #tpu.memory_space<smem>>
    %mul3A_468 = arith.mulf %get3A_449, %convert_element_type3A_443 : vector<128x512xf32>
    %reduce_sum3A_469 = vector.shape_cast %mul3A_468 : vector<128x512xf32> to vector<1x128x512xf32>
    %reduce_sum3A_470 = arith.constant dense<0.000000e+00> : vector<1xf32>
    %reduce_sum3A_471 = vector.multi_reduction <add>, %reduce_sum3A_469, %reduce_sum3A_470 [1, 2] : vector<1x128x512xf32> to vector<1xf32>
    %reduce_sum3A_472 = vector.shape_cast %reduce_sum3A_471 : vector<1xf32> to vector<1x1x1xf32>
    %reduce_sum3A_473 = vector.extract %reduce_sum3A_472[0, 0, 0] : f32 from vector<1x1x1xf32>
    %add3A_474 = arith.addf %get3A_467, %reduce_sum3A_473 : f32
    %swap3A_475 = arith.constant 7 : index
    %swap3A_476 = memref.load %arg9[%swap3A_475] : memref<16xf32, #tpu.memory_space<smem>>
    memref.store %add3A_474, %arg9[%swap3A_475] : memref<16xf32, #tpu.memory_space<smem>>
    %get3A_477 = arith.constant 7 : index
    %get3A_478 = memref.load %arg10[%get3A_477] : memref<16xf32, #tpu.memory_space<smem>>
    %reduce_sum3A_479 = vector.shape_cast %get3A_449 : vector<128x512xf32> to vector<1x128x512xf32>
    %reduce_sum3A_480 = arith.constant dense<0.000000e+00> : vector<1xf32>
    %reduce_sum3A_481 = vector.multi_reduction <add>, %reduce_sum3A_479, %reduce_sum3A_480 [1, 2] : vector<1x128x512xf32> to vector<1xf32>
    %reduce_sum3A_482 = vector.shape_cast %reduce_sum3A_481 : vector<1xf32> to vector<1x1x1xf32>
    %reduce_sum3A_483 = vector.extract %reduce_sum3A_482[0, 0, 0] : f32 from vector<1x1x1xf32>
    %add3A_484 = arith.addf %get3A_478, %reduce_sum3A_483 : f32
    %swap3A_485 = arith.constant 7 : index
    %swap3A_486 = memref.load %arg10[%swap3A_485] : memref<16xf32, #tpu.memory_space<smem>>
    memref.store %add3A_484, %arg10[%swap3A_485] : memref<16xf32, #tpu.memory_space<smem>>
    %get3A_487 = arith.constant 7 : index
    %get3A_488 = memref.load %arg11[%get3A_487] : memref<16xf32, #tpu.memory_space<smem>>
    %reduce_sum3A_489 = vector.shape_cast %convert_element_type3A_443 : vector<128x512xf32> to vector<1x128x512xf32>
    %reduce_sum3A_490 = arith.constant dense<0.000000e+00> : vector<1xf32>
    %reduce_sum3A_491 = vector.multi_reduction <add>, %reduce_sum3A_489, %reduce_sum3A_490 [1, 2] : vector<1x128x512xf32> to vector<1xf32>
    %reduce_sum3A_492 = vector.shape_cast %reduce_sum3A_491 : vector<1xf32> to vector<1x1x1xf32>
    %reduce_sum3A_493 = vector.extract %reduce_sum3A_492[0, 0, 0] : f32 from vector<1x1x1xf32>
    %add3A_494 = arith.addf %get3A_488, %reduce_sum3A_493 : f32
    %swap3A_495 = arith.constant 7 : index
    %swap3A_496 = memref.load %arg11[%swap3A_495] : memref<16xf32, #tpu.memory_space<smem>>
    memref.store %add3A_494, %arg11[%swap3A_495] : memref<16xf32, #tpu.memory_space<smem>>
    %convert_element_type3A_497 = arith.extui %eq3A_441 : vector<128x512xi1> to vector<128x512xi32>
    %mul3A_498 = vector.broadcast %get3A_451 : i32 to vector<128x512xi32>
    %mul3A_499 = arith.muli %mul3A_498, %convert_element_type3A_497 : vector<128x512xi32>
    %add3A_500 = arith.addi %add3A_438, %mul3A_499 : vector<128x512xi32>
    %eq3A_501 = arith.constant 8 : i32
    %eq3A_502 = vector.broadcast %eq3A_501 : i32 to vector<128x512xi32>
    %eq3A_503 = arith.cmpi eq, %get3A_7, %eq3A_502 : vector<128x512xi32>
    %convert_element_type3A_504 = arith.extui %eq3A_503 : vector<128x512xi1> to vector<128x512xi32>
    %convert_element_type3A_505 = arith.sitofp %convert_element_type3A_504 : vector<128x512xi32> to vector<128x512xf32>
    %get3A_506 = arith.constant 0 : index
    %get3A_507 = arith.constant 8 : index
    %get3A_508 = arith.constant 0 : index
    %get3A_509 = arith.constant 0 : index
    %get3A_510 = vector.load %arg3[%get3A_506, %get3A_507, %get3A_508, %get3A_509] : memref<1x16x128x512xf32, #tpu.memory_space<vmem>>, vector<1x1x128x512xf32>
    %get3A_511 = vector.shape_cast %get3A_510 : vector<1x1x128x512xf32> to vector<128x512xf32>
    %get3A_512 = arith.constant 8 : index
    %get3A_513 = memref.load %arg4[%get3A_512] : memref<16xi32, #tpu.memory_space<smem>>
    %get3A_514 = arith.constant 0 : index
    %get3A_515 = arith.index_cast %get3A_513 : i32 to index
    %get3A_516 = arith.constant 0 : index
    %get3A_517 = arith.constant 0 : index
    %get3A_518 = vector.load %arg2[%get3A_514, %get3A_515, %get3A_516, %get3A_517] : memref<1x4x128x512xf32, #tpu.memory_space<vmem>>, vector<1x1x128x512xf32>
    %get3A_519 = vector.shape_cast %get3A_518 : vector<1x1x128x512xf32> to vector<128x512xf32>
    %mul3A_520 = arith.mulf %get3A_511, %get3A_519 : vector<128x512xf32>
    %swap3A_521 = arith.constant 0 : index
    %swap3A_522 = arith.constant 8 : index
    %swap3A_523 = arith.constant 0 : index
    %swap3A_524 = arith.constant 0 : index
    %swap3A_525 = vector.load %arg8[%swap3A_521, %swap3A_522, %swap3A_523, %swap3A_524] : memref<1x16x128x512xf32, #tpu.memory_space<vmem>>, vector<1x1x128x512xf32>
    %swap3A_526 = vector.shape_cast %swap3A_525 : vector<1x1x128x512xf32> to vector<128x512xf32>
    %swap3A_527 = vector.shape_cast %mul3A_520 : vector<128x512xf32> to vector<1x1x128x512xf32>
    tpu.vector_store %arg8[%swap3A_521, %swap3A_522, %swap3A_523, %swap3A_524], %swap3A_527 {strides = array<i32>} : memref<1x16x128x512xf32, #tpu.memory_space<vmem>>, vector<1x1x128x512xf32>,
    %get3A_528 = arith.constant 8 : index
    %get3A_529 = memref.load %arg9[%get3A_528] : memref<16xf32, #tpu.memory_space<smem>>
    %mul3A_530 = arith.mulf %get3A_511, %convert_element_type3A_505 : vector<128x512xf32>
    %reduce_sum3A_531 = vector.shape_cast %mul3A_530 : vector<128x512xf32> to vector<1x128x512xf32>
    %reduce_sum3A_532 = arith.constant dense<0.000000e+00> : vector<1xf32>
    %reduce_sum3A_533 = vector.multi_reduction <add>, %reduce_sum3A_531, %reduce_sum3A_532 [1, 2] : vector<1x128x512xf32> to vector<1xf32>
    %reduce_sum3A_534 = vector.shape_cast %reduce_sum3A_533 : vector<1xf32> to vector<1x1x1xf32>
    %reduce_sum3A_535 = vector.extract %reduce_sum3A_534[0, 0, 0] : f32 from vector<1x1x1xf32>
    %add3A_536 = arith.addf %get3A_529, %reduce_sum3A_535 : f32
    %swap3A_537 = arith.constant 8 : index
    %swap3A_538 = memref.load %arg9[%swap3A_537] : memref<16xf32, #tpu.memory_space<smem>>
    memref.store %add3A_536, %arg9[%swap3A_537] : memref<16xf32, #tpu.memory_space<smem>>
    %get3A_539 = arith.constant 8 : index
    %get3A_540 = memref.load %arg10[%get3A_539] : memref<16xf32, #tpu.memory_space<smem>>
    %reduce_sum3A_541 = vector.shape_cast %get3A_511 : vector<128x512xf32> to vector<1x128x512xf32>
    %reduce_sum3A_542 = arith.constant dense<0.000000e+00> : vector<1xf32>
    %reduce_sum3A_543 = vector.multi_reduction <add>, %reduce_sum3A_541, %reduce_sum3A_542 [1, 2] : vector<1x128x512xf32> to vector<1xf32>
    %reduce_sum3A_544 = vector.shape_cast %reduce_sum3A_543 : vector<1xf32> to vector<1x1x1xf32>
    %reduce_sum3A_545 = vector.extract %reduce_sum3A_544[0, 0, 0] : f32 from vector<1x1x1xf32>
    %add3A_546 = arith.addf %get3A_540, %reduce_sum3A_545 : f32
    %swap3A_547 = arith.constant 8 : index
    %swap3A_548 = memref.load %arg10[%swap3A_547] : memref<16xf32, #tpu.memory_space<smem>>
    memref.store %add3A_546, %arg10[%swap3A_547] : memref<16xf32, #tpu.memory_space<smem>>
    %get3A_549 = arith.constant 8 : index
    %get3A_550 = memref.load %arg11[%get3A_549] : memref<16xf32, #tpu.memory_space<smem>>
    %reduce_sum3A_551 = vector.shape_cast %convert_element_type3A_505 : vector<128x512xf32> to vector<1x128x512xf32>
    %reduce_sum3A_552 = arith.constant dense<0.000000e+00> : vector<1xf32>
    %reduce_sum3A_553 = vector.multi_reduction <add>, %reduce_sum3A_551, %reduce_sum3A_552 [1, 2] : vector<1x128x512xf32> to vector<1xf32>
    %reduce_sum3A_554 = vector.shape_cast %reduce_sum3A_553 : vector<1xf32> to vector<1x1x1xf32>
    %reduce_sum3A_555 = vector.extract %reduce_sum3A_554[0, 0, 0] : f32 from vector<1x1x1xf32>
    %add3A_556 = arith.addf %get3A_550, %reduce_sum3A_555 : f32
    %swap3A_557 = arith.constant 8 : index
    %swap3A_558 = memref.load %arg11[%swap3A_557] : memref<16xf32, #tpu.memory_space<smem>>
    memref.store %add3A_556, %arg11[%swap3A_557] : memref<16xf32, #tpu.memory_space<smem>>
    %convert_element_type3A_559 = arith.extui %eq3A_503 : vector<128x512xi1> to vector<128x512xi32>
    %mul3A_560 = vector.broadcast %get3A_513 : i32 to vector<128x512xi32>
    %mul3A_561 = arith.muli %mul3A_560, %convert_element_type3A_559 : vector<128x512xi32>
    %add3A_562 = arith.addi %add3A_500, %mul3A_561 : vector<128x512xi32>
    %eq3A_563 = arith.constant 9 : i32
    %eq3A_564 = vector.broadcast %eq3A_563 : i32 to vector<128x512xi32>
    %eq3A_565 = arith.cmpi eq, %get3A_7, %eq3A_564 : vector<128x512xi32>
    %convert_element_type3A_566 = arith.extui %eq3A_565 : vector<128x512xi1> to vector<128x512xi32>
    %convert_element_type3A_567 = arith.sitofp %convert_element_type3A_566 : vector<128x512xi32> to vector<128x512xf32>
    %get3A_568 = arith.constant 0 : index
    %get3A_569 = arith.constant 9 : index
    %get3A_570 = arith.constant 0 : index
    %get3A_571 = arith.constant 0 : index
    %get3A_572 = vector.load %arg3[%get3A_568, %get3A_569, %get3A_570, %get3A_571] : memref<1x16x128x512xf32, #tpu.memory_space<vmem>>, vector<1x1x128x512xf32>
    %get3A_573 = vector.shape_cast %get3A_572 : vector<1x1x128x512xf32> to vector<128x512xf32>
    %get3A_574 = arith.constant 9 : index
    %get3A_575 = memref.load %arg4[%get3A_574] : memref<16xi32, #tpu.memory_space<smem>>
    %get3A_576 = arith.constant 0 : index
    %get3A_577 = arith.index_cast %get3A_575 : i32 to index
    %get3A_578 = arith.constant 0 : index
    %get3A_579 = arith.constant 0 : index
    %get3A_580 = vector.load %arg2[%get3A_576, %get3A_577, %get3A_578, %get3A_579] : memref<1x4x128x512xf32, #tpu.memory_space<vmem>>, vector<1x1x128x512xf32>
    %get3A_581 = vector.shape_cast %get3A_580 : vector<1x1x128x512xf32> to vector<128x512xf32>
    %mul3A_582 = arith.mulf %get3A_573, %get3A_581 : vector<128x512xf32>
    %swap3A_583 = arith.constant 0 : index
    %swap3A_584 = arith.constant 9 : index
    %swap3A_585 = arith.constant 0 : index
    %swap3A_586 = arith.constant 0 : index
    %swap3A_587 = vector.load %arg8[%swap3A_583, %swap3A_584, %swap3A_585, %swap3A_586] : memref<1x16x128x512xf32, #tpu.memory_space<vmem>>, vector<1x1x128x512xf32>
    %swap3A_588 = vector.shape_cast %swap3A_587 : vector<1x1x128x512xf32> to vector<128x512xf32>
    %swap3A_589 = vector.shape_cast %mul3A_582 : vector<128x512xf32> to vector<1x1x128x512xf32>
    tpu.vector_store %arg8[%swap3A_583, %swap3A_584, %swap3A_585, %swap3A_586], %swap3A_589 {strides = array<i32>} : memref<1x16x128x512xf32, #tpu.memory_space<vmem>>, vector<1x1x128x512xf32>,
    %get3A_590 = arith.constant 9 : index
    %get3A_591 = memref.load %arg9[%get3A_590] : memref<16xf32, #tpu.memory_space<smem>>
    %mul3A_592 = arith.mulf %get3A_573, %convert_element_type3A_567 : vector<128x512xf32>
    %reduce_sum3A_593 = vector.shape_cast %mul3A_592 : vector<128x512xf32> to vector<1x128x512xf32>
    %reduce_sum3A_594 = arith.constant dense<0.000000e+00> : vector<1xf32>
    %reduce_sum3A_595 = vector.multi_reduction <add>, %reduce_sum3A_593, %reduce_sum3A_594 [1, 2] : vector<1x128x512xf32> to vector<1xf32>
    %reduce_sum3A_596 = vector.shape_cast %reduce_sum3A_595 : vector<1xf32> to vector<1x1x1xf32>
    %reduce_sum3A_597 = vector.extract %reduce_sum3A_596[0, 0, 0] : f32 from vector<1x1x1xf32>
    %add3A_598 = arith.addf %get3A_591, %reduce_sum3A_597 : f32
    %swap3A_599 = arith.constant 9 : index
    %swap3A_600 = memref.load %arg9[%swap3A_599] : memref<16xf32, #tpu.memory_space<smem>>
    memref.store %add3A_598, %arg9[%swap3A_599] : memref<16xf32, #tpu.memory_space<smem>>
    %get3A_601 = arith.constant 9 : index
    %get3A_602 = memref.load %arg10[%get3A_601] : memref<16xf32, #tpu.memory_space<smem>>
    %reduce_sum3A_603 = vector.shape_cast %get3A_573 : vector<128x512xf32> to vector<1x128x512xf32>
    %reduce_sum3A_604 = arith.constant dense<0.000000e+00> : vector<1xf32>
    %reduce_sum3A_605 = vector.multi_reduction <add>, %reduce_sum3A_603, %reduce_sum3A_604 [1, 2] : vector<1x128x512xf32> to vector<1xf32>
    %reduce_sum3A_606 = vector.shape_cast %reduce_sum3A_605 : vector<1xf32> to vector<1x1x1xf32>
    %reduce_sum3A_607 = vector.extract %reduce_sum3A_606[0, 0, 0] : f32 from vector<1x1x1xf32>
    %add3A_608 = arith.addf %get3A_602, %reduce_sum3A_607 : f32
    %swap3A_609 = arith.constant 9 : index
    %swap3A_610 = memref.load %arg10[%swap3A_609] : memref<16xf32, #tpu.memory_space<smem>>
    memref.store %add3A_608, %arg10[%swap3A_609] : memref<16xf32, #tpu.memory_space<smem>>
    %get3A_611 = arith.constant 9 : index
    %get3A_612 = memref.load %arg11[%get3A_611] : memref<16xf32, #tpu.memory_space<smem>>
    %reduce_sum3A_613 = vector.shape_cast %convert_element_type3A_567 : vector<128x512xf32> to vector<1x128x512xf32>
    %reduce_sum3A_614 = arith.constant dense<0.000000e+00> : vector<1xf32>
    %reduce_sum3A_615 = vector.multi_reduction <add>, %reduce_sum3A_613, %reduce_sum3A_614 [1, 2] : vector<1x128x512xf32> to vector<1xf32>
    %reduce_sum3A_616 = vector.shape_cast %reduce_sum3A_615 : vector<1xf32> to vector<1x1x1xf32>
    %reduce_sum3A_617 = vector.extract %reduce_sum3A_616[0, 0, 0] : f32 from vector<1x1x1xf32>
    %add3A_618 = arith.addf %get3A_612, %reduce_sum3A_617 : f32
    %swap3A_619 = arith.constant 9 : index
    %swap3A_620 = memref.load %arg11[%swap3A_619] : memref<16xf32, #tpu.memory_space<smem>>
    memref.store %add3A_618, %arg11[%swap3A_619] : memref<16xf32, #tpu.memory_space<smem>>
    %convert_element_type3A_621 = arith.extui %eq3A_565 : vector<128x512xi1> to vector<128x512xi32>
    %mul3A_622 = vector.broadcast %get3A_575 : i32 to vector<128x512xi32>
    %mul3A_623 = arith.muli %mul3A_622, %convert_element_type3A_621 : vector<128x512xi32>
    %add3A_624 = arith.addi %add3A_562, %mul3A_623 : vector<128x512xi32>
    %eq3A_625 = arith.constant 10 : i32
    %eq3A_626 = vector.broadcast %eq3A_625 : i32 to vector<128x512xi32>
    %eq3A_627 = arith.cmpi eq, %get3A_7, %eq3A_626 : vector<128x512xi32>
    %convert_element_type3A_628 = arith.extui %eq3A_627 : vector<128x512xi1> to vector<128x512xi32>
    %convert_element_type3A_629 = arith.sitofp %convert_element_type3A_628 : vector<128x512xi32> to vector<128x512xf32>
    %get3A_630 = arith.constant 0 : index
    %get3A_631 = arith.constant 10 : index
    %get3A_632 = arith.constant 0 : index
    %get3A_633 = arith.constant 0 : index
    %get3A_634 = vector.load %arg3[%get3A_630, %get3A_631, %get3A_632, %get3A_633] : memref<1x16x128x512xf32, #tpu.memory_space<vmem>>, vector<1x1x128x512xf32>
    %get3A_635 = vector.shape_cast %get3A_634 : vector<1x1x128x512xf32> to vector<128x512xf32>
    %get3A_636 = arith.constant 10 : index
    %get3A_637 = memref.load %arg4[%get3A_636] : memref<16xi32, #tpu.memory_space<smem>>
    %get3A_638 = arith.constant 0 : index
    %get3A_639 = arith.index_cast %get3A_637 : i32 to index
    %get3A_640 = arith.constant 0 : index
    %get3A_641 = arith.constant 0 : index
    %get3A_642 = vector.load %arg2[%get3A_638, %get3A_639, %get3A_640, %get3A_641] : memref<1x4x128x512xf32, #tpu.memory_space<vmem>>, vector<1x1x128x512xf32>
    %get3A_643 = vector.shape_cast %get3A_642 : vector<1x1x128x512xf32> to vector<128x512xf32>
    %mul3A_644 = arith.mulf %get3A_635, %get3A_643 : vector<128x512xf32>
    %swap3A_645 = arith.constant 0 : index
    %swap3A_646 = arith.constant 10 : index
    %swap3A_647 = arith.constant 0 : index
    %swap3A_648 = arith.constant 0 : index
    %swap3A_649 = vector.load %arg8[%swap3A_645, %swap3A_646, %swap3A_647, %swap3A_648] : memref<1x16x128x512xf32, #tpu.memory_space<vmem>>, vector<1x1x128x512xf32>
    %swap3A_650 = vector.shape_cast %swap3A_649 : vector<1x1x128x512xf32> to vector<128x512xf32>
    %swap3A_651 = vector.shape_cast %mul3A_644 : vector<128x512xf32> to vector<1x1x128x512xf32>
    tpu.vector_store %arg8[%swap3A_645, %swap3A_646, %swap3A_647, %swap3A_648], %swap3A_651 {strides = array<i32>} : memref<1x16x128x512xf32, #tpu.memory_space<vmem>>, vector<1x1x128x512xf32>,
    %get3A_652 = arith.constant 10 : index
    %get3A_653 = memref.load %arg9[%get3A_652] : memref<16xf32, #tpu.memory_space<smem>>
    %mul3A_654 = arith.mulf %get3A_635, %convert_element_type3A_629 : vector<128x512xf32>
    %reduce_sum3A_655 = vector.shape_cast %mul3A_654 : vector<128x512xf32> to vector<1x128x512xf32>
    %reduce_sum3A_656 = arith.constant dense<0.000000e+00> : vector<1xf32>
    %reduce_sum3A_657 = vector.multi_reduction <add>, %reduce_sum3A_655, %reduce_sum3A_656 [1, 2] : vector<1x128x512xf32> to vector<1xf32>
    %reduce_sum3A_658 = vector.shape_cast %reduce_sum3A_657 : vector<1xf32> to vector<1x1x1xf32>
    %reduce_sum3A_659 = vector.extract %reduce_sum3A_658[0, 0, 0] : f32 from vector<1x1x1xf32>
    %add3A_660 = arith.addf %get3A_653, %reduce_sum3A_659 : f32
    %swap3A_661 = arith.constant 10 : index
    %swap3A_662 = memref.load %arg9[%swap3A_661] : memref<16xf32, #tpu.memory_space<smem>>
    memref.store %add3A_660, %arg9[%swap3A_661] : memref<16xf32, #tpu.memory_space<smem>>
    %get3A_663 = arith.constant 10 : index
    %get3A_664 = memref.load %arg10[%get3A_663] : memref<16xf32, #tpu.memory_space<smem>>
    %reduce_sum3A_665 = vector.shape_cast %get3A_635 : vector<128x512xf32> to vector<1x128x512xf32>
    %reduce_sum3A_666 = arith.constant dense<0.000000e+00> : vector<1xf32>
    %reduce_sum3A_667 = vector.multi_reduction <add>, %reduce_sum3A_665, %reduce_sum3A_666 [1, 2] : vector<1x128x512xf32> to vector<1xf32>
    %reduce_sum3A_668 = vector.shape_cast %reduce_sum3A_667 : vector<1xf32> to vector<1x1x1xf32>
    %reduce_sum3A_669 = vector.extract %reduce_sum3A_668[0, 0, 0] : f32 from vector<1x1x1xf32>
    %add3A_670 = arith.addf %get3A_664, %reduce_sum3A_669 : f32
    %swap3A_671 = arith.constant 10 : index
    %swap3A_672 = memref.load %arg10[%swap3A_671] : memref<16xf32, #tpu.memory_space<smem>>
    memref.store %add3A_670, %arg10[%swap3A_671] : memref<16xf32, #tpu.memory_space<smem>>
    %get3A_673 = arith.constant 10 : index
    %get3A_674 = memref.load %arg11[%get3A_673] : memref<16xf32, #tpu.memory_space<smem>>
    %reduce_sum3A_675 = vector.shape_cast %convert_element_type3A_629 : vector<128x512xf32> to vector<1x128x512xf32>
    %reduce_sum3A_676 = arith.constant dense<0.000000e+00> : vector<1xf32>
    %reduce_sum3A_677 = vector.multi_reduction <add>, %reduce_sum3A_675, %reduce_sum3A_676 [1, 2] : vector<1x128x512xf32> to vector<1xf32>
    %reduce_sum3A_678 = vector.shape_cast %reduce_sum3A_677 : vector<1xf32> to vector<1x1x1xf32>
    %reduce_sum3A_679 = vector.extract %reduce_sum3A_678[0, 0, 0] : f32 from vector<1x1x1xf32>
    %add3A_680 = arith.addf %get3A_674, %reduce_sum3A_679 : f32
    %swap3A_681 = arith.constant 10 : index
    %swap3A_682 = memref.load %arg11[%swap3A_681] : memref<16xf32, #tpu.memory_space<smem>>
    memref.store %add3A_680, %arg11[%swap3A_681] : memref<16xf32, #tpu.memory_space<smem>>
    %convert_element_type3A_683 = arith.extui %eq3A_627 : vector<128x512xi1> to vector<128x512xi32>
    %mul3A_684 = vector.broadcast %get3A_637 : i32 to vector<128x512xi32>
    %mul3A_685 = arith.muli %mul3A_684, %convert_element_type3A_683 : vector<128x512xi32>
    %add3A_686 = arith.addi %add3A_624, %mul3A_685 : vector<128x512xi32>
    %eq3A_687 = arith.constant 11 : i32
    %eq3A_688 = vector.broadcast %eq3A_687 : i32 to vector<128x512xi32>
    %eq3A_689 = arith.cmpi eq, %get3A_7, %eq3A_688 : vector<128x512xi32>
    %convert_element_type3A_690 = arith.extui %eq3A_689 : vector<128x512xi1> to vector<128x512xi32>
    %convert_element_type3A_691 = arith.sitofp %convert_element_type3A_690 : vector<128x512xi32> to vector<128x512xf32>
    %get3A_692 = arith.constant 0 : index
    %get3A_693 = arith.constant 11 : index
    %get3A_694 = arith.constant 0 : index
    %get3A_695 = arith.constant 0 : index
    %get3A_696 = vector.load %arg3[%get3A_692, %get3A_693, %get3A_694, %get3A_695] : memref<1x16x128x512xf32, #tpu.memory_space<vmem>>, vector<1x1x128x512xf32>
    %get3A_697 = vector.shape_cast %get3A_696 : vector<1x1x128x512xf32> to vector<128x512xf32>
    %get3A_698 = arith.constant 11 : index
    %get3A_699 = memref.load %arg4[%get3A_698] : memref<16xi32, #tpu.memory_space<smem>>
    %get3A_700 = arith.constant 0 : index
    %get3A_701 = arith.index_cast %get3A_699 : i32 to index
    %get3A_702 = arith.constant 0 : index
    %get3A_703 = arith.constant 0 : index
    %get3A_704 = vector.load %arg2[%get3A_700, %get3A_701, %get3A_702, %get3A_703] : memref<1x4x128x512xf32, #tpu.memory_space<vmem>>, vector<1x1x128x512xf32>
    %get3A_705 = vector.shape_cast %get3A_704 : vector<1x1x128x512xf32> to vector<128x512xf32>
    %mul3A_706 = arith.mulf %get3A_697, %get3A_705 : vector<128x512xf32>
    %swap3A_707 = arith.constant 0 : index
    %swap3A_708 = arith.constant 11 : index
    %swap3A_709 = arith.constant 0 : index
    %swap3A_710 = arith.constant 0 : index
    %swap3A_711 = vector.load %arg8[%swap3A_707, %swap3A_708, %swap3A_709, %swap3A_710] : memref<1x16x128x512xf32, #tpu.memory_space<vmem>>, vector<1x1x128x512xf32>
    %swap3A_712 = vector.shape_cast %swap3A_711 : vector<1x1x128x512xf32> to vector<128x512xf32>
    %swap3A_713 = vector.shape_cast %mul3A_706 : vector<128x512xf32> to vector<1x1x128x512xf32>
    tpu.vector_store %arg8[%swap3A_707, %swap3A_708, %swap3A_709, %swap3A_710], %swap3A_713 {strides = array<i32>} : memref<1x16x128x512xf32, #tpu.memory_space<vmem>>, vector<1x1x128x512xf32>,
    %get3A_714 = arith.constant 11 : index
    %get3A_715 = memref.load %arg9[%get3A_714] : memref<16xf32, #tpu.memory_space<smem>>
    %mul3A_716 = arith.mulf %get3A_697, %convert_element_type3A_691 : vector<128x512xf32>
    %reduce_sum3A_717 = vector.shape_cast %mul3A_716 : vector<128x512xf32> to vector<1x128x512xf32>
    %reduce_sum3A_718 = arith.constant dense<0.000000e+00> : vector<1xf32>
    %reduce_sum3A_719 = vector.multi_reduction <add>, %reduce_sum3A_717, %reduce_sum3A_718 [1, 2] : vector<1x128x512xf32> to vector<1xf32>
    %reduce_sum3A_720 = vector.shape_cast %reduce_sum3A_719 : vector<1xf32> to vector<1x1x1xf32>
    %reduce_sum3A_721 = vector.extract %reduce_sum3A_720[0, 0, 0] : f32 from vector<1x1x1xf32>
    %add3A_722 = arith.addf %get3A_715, %reduce_sum3A_721 : f32
    %swap3A_723 = arith.constant 11 : index
    %swap3A_724 = memref.load %arg9[%swap3A_723] : memref<16xf32, #tpu.memory_space<smem>>
    memref.store %add3A_722, %arg9[%swap3A_723] : memref<16xf32, #tpu.memory_space<smem>>
    %get3A_725 = arith.constant 11 : index
    %get3A_726 = memref.load %arg10[%get3A_725] : memref<16xf32, #tpu.memory_space<smem>>
    %reduce_sum3A_727 = vector.shape_cast %get3A_697 : vector<128x512xf32> to vector<1x128x512xf32>
    %reduce_sum3A_728 = arith.constant dense<0.000000e+00> : vector<1xf32>
    %reduce_sum3A_729 = vector.multi_reduction <add>, %reduce_sum3A_727, %reduce_sum3A_728 [1, 2] : vector<1x128x512xf32> to vector<1xf32>
    %reduce_sum3A_730 = vector.shape_cast %reduce_sum3A_729 : vector<1xf32> to vector<1x1x1xf32>
    %reduce_sum3A_731 = vector.extract %reduce_sum3A_730[0, 0, 0] : f32 from vector<1x1x1xf32>
    %add3A_732 = arith.addf %get3A_726, %reduce_sum3A_731 : f32
    %swap3A_733 = arith.constant 11 : index
    %swap3A_734 = memref.load %arg10[%swap3A_733] : memref<16xf32, #tpu.memory_space<smem>>
    memref.store %add3A_732, %arg10[%swap3A_733] : memref<16xf32, #tpu.memory_space<smem>>
    %get3A_735 = arith.constant 11 : index
    %get3A_736 = memref.load %arg11[%get3A_735] : memref<16xf32, #tpu.memory_space<smem>>
    %reduce_sum3A_737 = vector.shape_cast %convert_element_type3A_691 : vector<128x512xf32> to vector<1x128x512xf32>
    %reduce_sum3A_738 = arith.constant dense<0.000000e+00> : vector<1xf32>
    %reduce_sum3A_739 = vector.multi_reduction <add>, %reduce_sum3A_737, %reduce_sum3A_738 [1, 2] : vector<1x128x512xf32> to vector<1xf32>
    %reduce_sum3A_740 = vector.shape_cast %reduce_sum3A_739 : vector<1xf32> to vector<1x1x1xf32>
    %reduce_sum3A_741 = vector.extract %reduce_sum3A_740[0, 0, 0] : f32 from vector<1x1x1xf32>
    %add3A_742 = arith.addf %get3A_736, %reduce_sum3A_741 : f32
    %swap3A_743 = arith.constant 11 : index
    %swap3A_744 = memref.load %arg11[%swap3A_743] : memref<16xf32, #tpu.memory_space<smem>>
    memref.store %add3A_742, %arg11[%swap3A_743] : memref<16xf32, #tpu.memory_space<smem>>
    %convert_element_type3A_745 = arith.extui %eq3A_689 : vector<128x512xi1> to vector<128x512xi32>
    %mul3A_746 = vector.broadcast %get3A_699 : i32 to vector<128x512xi32>
    %mul3A_747 = arith.muli %mul3A_746, %convert_element_type3A_745 : vector<128x512xi32>
    %add3A_748 = arith.addi %add3A_686, %mul3A_747 : vector<128x512xi32>
    %eq3A_749 = arith.constant 12 : i32
    %eq3A_750 = vector.broadcast %eq3A_749 : i32 to vector<128x512xi32>
    %eq3A_751 = arith.cmpi eq, %get3A_7, %eq3A_750 : vector<128x512xi32>
    %convert_element_type3A_752 = arith.extui %eq3A_751 : vector<128x512xi1> to vector<128x512xi32>
    %convert_element_type3A_753 = arith.sitofp %convert_element_type3A_752 : vector<128x512xi32> to vector<128x512xf32>
    %get3A_754 = arith.constant 0 : index
    %get3A_755 = arith.constant 12 : index
    %get3A_756 = arith.constant 0 : index
    %get3A_757 = arith.constant 0 : index
    %get3A_758 = vector.load %arg3[%get3A_754, %get3A_755, %get3A_756, %get3A_757] : memref<1x16x128x512xf32, #tpu.memory_space<vmem>>, vector<1x1x128x512xf32>
    %get3A_759 = vector.shape_cast %get3A_758 : vector<1x1x128x512xf32> to vector<128x512xf32>
    %get3A_760 = arith.constant 12 : index
    %get3A_761 = memref.load %arg4[%get3A_760] : memref<16xi32, #tpu.memory_space<smem>>
    %get3A_762 = arith.constant 0 : index
    %get3A_763 = arith.index_cast %get3A_761 : i32 to index
    %get3A_764 = arith.constant 0 : index
    %get3A_765 = arith.constant 0 : index
    %get3A_766 = vector.load %arg2[%get3A_762, %get3A_763, %get3A_764, %get3A_765] : memref<1x4x128x512xf32, #tpu.memory_space<vmem>>, vector<1x1x128x512xf32>
    %get3A_767 = vector.shape_cast %get3A_766 : vector<1x1x128x512xf32> to vector<128x512xf32>
    %mul3A_768 = arith.mulf %get3A_759, %get3A_767 : vector<128x512xf32>
    %swap3A_769 = arith.constant 0 : index
    %swap3A_770 = arith.constant 12 : index
    %swap3A_771 = arith.constant 0 : index
    %swap3A_772 = arith.constant 0 : index
    %swap3A_773 = vector.load %arg8[%swap3A_769, %swap3A_770, %swap3A_771, %swap3A_772] : memref<1x16x128x512xf32, #tpu.memory_space<vmem>>, vector<1x1x128x512xf32>
    %swap3A_774 = vector.shape_cast %swap3A_773 : vector<1x1x128x512xf32> to vector<128x512xf32>
    %swap3A_775 = vector.shape_cast %mul3A_768 : vector<128x512xf32> to vector<1x1x128x512xf32>
    tpu.vector_store %arg8[%swap3A_769, %swap3A_770, %swap3A_771, %swap3A_772], %swap3A_775 {strides = array<i32>} : memref<1x16x128x512xf32, #tpu.memory_space<vmem>>, vector<1x1x128x512xf32>,
    %get3A_776 = arith.constant 12 : index
    %get3A_777 = memref.load %arg9[%get3A_776] : memref<16xf32, #tpu.memory_space<smem>>
    %mul3A_778 = arith.mulf %get3A_759, %convert_element_type3A_753 : vector<128x512xf32>
    %reduce_sum3A_779 = vector.shape_cast %mul3A_778 : vector<128x512xf32> to vector<1x128x512xf32>
    %reduce_sum3A_780 = arith.constant dense<0.000000e+00> : vector<1xf32>
    %reduce_sum3A_781 = vector.multi_reduction <add>, %reduce_sum3A_779, %reduce_sum3A_780 [1, 2] : vector<1x128x512xf32> to vector<1xf32>
    %reduce_sum3A_782 = vector.shape_cast %reduce_sum3A_781 : vector<1xf32> to vector<1x1x1xf32>
    %reduce_sum3A_783 = vector.extract %reduce_sum3A_782[0, 0, 0] : f32 from vector<1x1x1xf32>
    %add3A_784 = arith.addf %get3A_777, %reduce_sum3A_783 : f32
    %swap3A_785 = arith.constant 12 : index
    %swap3A_786 = memref.load %arg9[%swap3A_785] : memref<16xf32, #tpu.memory_space<smem>>
    memref.store %add3A_784, %arg9[%swap3A_785] : memref<16xf32, #tpu.memory_space<smem>>
    %get3A_787 = arith.constant 12 : index
    %get3A_788 = memref.load %arg10[%get3A_787] : memref<16xf32, #tpu.memory_space<smem>>
    %reduce_sum3A_789 = vector.shape_cast %get3A_759 : vector<128x512xf32> to vector<1x128x512xf32>
    %reduce_sum3A_790 = arith.constant dense<0.000000e+00> : vector<1xf32>
    %reduce_sum3A_791 = vector.multi_reduction <add>, %reduce_sum3A_789, %reduce_sum3A_790 [1, 2] : vector<1x128x512xf32> to vector<1xf32>
    %reduce_sum3A_792 = vector.shape_cast %reduce_sum3A_791 : vector<1xf32> to vector<1x1x1xf32>
    %reduce_sum3A_793 = vector.extract %reduce_sum3A_792[0, 0, 0] : f32 from vector<1x1x1xf32>
    %add3A_794 = arith.addf %get3A_788, %reduce_sum3A_793 : f32
    %swap3A_795 = arith.constant 12 : index
    %swap3A_796 = memref.load %arg10[%swap3A_795] : memref<16xf32, #tpu.memory_space<smem>>
    memref.store %add3A_794, %arg10[%swap3A_795] : memref<16xf32, #tpu.memory_space<smem>>
    %get3A_797 = arith.constant 12 : index
    %get3A_798 = memref.load %arg11[%get3A_797] : memref<16xf32, #tpu.memory_space<smem>>
    %reduce_sum3A_799 = vector.shape_cast %convert_element_type3A_753 : vector<128x512xf32> to vector<1x128x512xf32>
    %reduce_sum3A_800 = arith.constant dense<0.000000e+00> : vector<1xf32>
    %reduce_sum3A_801 = vector.multi_reduction <add>, %reduce_sum3A_799, %reduce_sum3A_800 [1, 2] : vector<1x128x512xf32> to vector<1xf32>
    %reduce_sum3A_802 = vector.shape_cast %reduce_sum3A_801 : vector<1xf32> to vector<1x1x1xf32>
    %reduce_sum3A_803 = vector.extract %reduce_sum3A_802[0, 0, 0] : f32 from vector<1x1x1xf32>
    %add3A_804 = arith.addf %get3A_798, %reduce_sum3A_803 : f32
    %swap3A_805 = arith.constant 12 : index
    %swap3A_806 = memref.load %arg11[%swap3A_805] : memref<16xf32, #tpu.memory_space<smem>>
    memref.store %add3A_804, %arg11[%swap3A_805] : memref<16xf32, #tpu.memory_space<smem>>
    %convert_element_type3A_807 = arith.extui %eq3A_751 : vector<128x512xi1> to vector<128x512xi32>
    %mul3A_808 = vector.broadcast %get3A_761 : i32 to vector<128x512xi32>
    %mul3A_809 = arith.muli %mul3A_808, %convert_element_type3A_807 : vector<128x512xi32>
    %add3A_810 = arith.addi %add3A_748, %mul3A_809 : vector<128x512xi32>
    %eq3A_811 = arith.constant 13 : i32
    %eq3A_812 = vector.broadcast %eq3A_811 : i32 to vector<128x512xi32>
    %eq3A_813 = arith.cmpi eq, %get3A_7, %eq3A_812 : vector<128x512xi32>
    %convert_element_type3A_814 = arith.extui %eq3A_813 : vector<128x512xi1> to vector<128x512xi32>
    %convert_element_type3A_815 = arith.sitofp %convert_element_type3A_814 : vector<128x512xi32> to vector<128x512xf32>
    %get3A_816 = arith.constant 0 : index
    %get3A_817 = arith.constant 13 : index
    %get3A_818 = arith.constant 0 : index
    %get3A_819 = arith.constant 0 : index
    %get3A_820 = vector.load %arg3[%get3A_816, %get3A_817, %get3A_818, %get3A_819] : memref<1x16x128x512xf32, #tpu.memory_space<vmem>>, vector<1x1x128x512xf32>
    %get3A_821 = vector.shape_cast %get3A_820 : vector<1x1x128x512xf32> to vector<128x512xf32>
    %get3A_822 = arith.constant 13 : index
    %get3A_823 = memref.load %arg4[%get3A_822] : memref<16xi32, #tpu.memory_space<smem>>
    %get3A_824 = arith.constant 0 : index
    %get3A_825 = arith.index_cast %get3A_823 : i32 to index
    %get3A_826 = arith.constant 0 : index
    %get3A_827 = arith.constant 0 : index
    %get3A_828 = vector.load %arg2[%get3A_824, %get3A_825, %get3A_826, %get3A_827] : memref<1x4x128x512xf32, #tpu.memory_space<vmem>>, vector<1x1x128x512xf32>
    %get3A_829 = vector.shape_cast %get3A_828 : vector<1x1x128x512xf32> to vector<128x512xf32>
    %mul3A_830 = arith.mulf %get3A_821, %get3A_829 : vector<128x512xf32>
    %swap3A_831 = arith.constant 0 : index
    %swap3A_832 = arith.constant 13 : index
    %swap3A_833 = arith.constant 0 : index
    %swap3A_834 = arith.constant 0 : index
    %swap3A_835 = vector.load %arg8[%swap3A_831, %swap3A_832, %swap3A_833, %swap3A_834] : memref<1x16x128x512xf32, #tpu.memory_space<vmem>>, vector<1x1x128x512xf32>
    %swap3A_836 = vector.shape_cast %swap3A_835 : vector<1x1x128x512xf32> to vector<128x512xf32>
    %swap3A_837 = vector.shape_cast %mul3A_830 : vector<128x512xf32> to vector<1x1x128x512xf32>
    tpu.vector_store %arg8[%swap3A_831, %swap3A_832, %swap3A_833, %swap3A_834], %swap3A_837 {strides = array<i32>} : memref<1x16x128x512xf32, #tpu.memory_space<vmem>>, vector<1x1x128x512xf32>,
    %get3A_838 = arith.constant 13 : index
    %get3A_839 = memref.load %arg9[%get3A_838] : memref<16xf32, #tpu.memory_space<smem>>
    %mul3A_840 = arith.mulf %get3A_821, %convert_element_type3A_815 : vector<128x512xf32>
    %reduce_sum3A_841 = vector.shape_cast %mul3A_840 : vector<128x512xf32> to vector<1x128x512xf32>
    %reduce_sum3A_842 = arith.constant dense<0.000000e+00> : vector<1xf32>
    %reduce_sum3A_843 = vector.multi_reduction <add>, %reduce_sum3A_841, %reduce_sum3A_842 [1, 2] : vector<1x128x512xf32> to vector<1xf32>
    %reduce_sum3A_844 = vector.shape_cast %reduce_sum3A_843 : vector<1xf32> to vector<1x1x1xf32>
    %reduce_sum3A_845 = vector.extract %reduce_sum3A_844[0, 0, 0] : f32 from vector<1x1x1xf32>
    %add3A_846 = arith.addf %get3A_839, %reduce_sum3A_845 : f32
    %swap3A_847 = arith.constant 13 : index
    %swap3A_848 = memref.load %arg9[%swap3A_847] : memref<16xf32, #tpu.memory_space<smem>>
    memref.store %add3A_846, %arg9[%swap3A_847] : memref<16xf32, #tpu.memory_space<smem>>
    %get3A_849 = arith.constant 13 : index
    %get3A_850 = memref.load %arg10[%get3A_849] : memref<16xf32, #tpu.memory_space<smem>>
    %reduce_sum3A_851 = vector.shape_cast %get3A_821 : vector<128x512xf32> to vector<1x128x512xf32>
    %reduce_sum3A_852 = arith.constant dense<0.000000e+00> : vector<1xf32>
    %reduce_sum3A_853 = vector.multi_reduction <add>, %reduce_sum3A_851, %reduce_sum3A_852 [1, 2] : vector<1x128x512xf32> to vector<1xf32>
    %reduce_sum3A_854 = vector.shape_cast %reduce_sum3A_853 : vector<1xf32> to vector<1x1x1xf32>
    %reduce_sum3A_855 = vector.extract %reduce_sum3A_854[0, 0, 0] : f32 from vector<1x1x1xf32>
    %add3A_856 = arith.addf %get3A_850, %reduce_sum3A_855 : f32
    %swap3A_857 = arith.constant 13 : index
    %swap3A_858 = memref.load %arg10[%swap3A_857] : memref<16xf32, #tpu.memory_space<smem>>
    memref.store %add3A_856, %arg10[%swap3A_857] : memref<16xf32, #tpu.memory_space<smem>>
    %get3A_859 = arith.constant 13 : index
    %get3A_860 = memref.load %arg11[%get3A_859] : memref<16xf32, #tpu.memory_space<smem>>
    %reduce_sum3A_861 = vector.shape_cast %convert_element_type3A_815 : vector<128x512xf32> to vector<1x128x512xf32>
    %reduce_sum3A_862 = arith.constant dense<0.000000e+00> : vector<1xf32>
    %reduce_sum3A_863 = vector.multi_reduction <add>, %reduce_sum3A_861, %reduce_sum3A_862 [1, 2] : vector<1x128x512xf32> to vector<1xf32>
    %reduce_sum3A_864 = vector.shape_cast %reduce_sum3A_863 : vector<1xf32> to vector<1x1x1xf32>
    %reduce_sum3A_865 = vector.extract %reduce_sum3A_864[0, 0, 0] : f32 from vector<1x1x1xf32>
    %add3A_866 = arith.addf %get3A_860, %reduce_sum3A_865 : f32
    %swap3A_867 = arith.constant 13 : index
    %swap3A_868 = memref.load %arg11[%swap3A_867] : memref<16xf32, #tpu.memory_space<smem>>
    memref.store %add3A_866, %arg11[%swap3A_867] : memref<16xf32, #tpu.memory_space<smem>>
    %convert_element_type3A_869 = arith.extui %eq3A_813 : vector<128x512xi1> to vector<128x512xi32>
    %mul3A_870 = vector.broadcast %get3A_823 : i32 to vector<128x512xi32>
    %mul3A_871 = arith.muli %mul3A_870, %convert_element_type3A_869 : vector<128x512xi32>
    %add3A_872 = arith.addi %add3A_810, %mul3A_871 : vector<128x512xi32>
    %eq3A_873 = arith.constant 14 : i32
    %eq3A_874 = vector.broadcast %eq3A_873 : i32 to vector<128x512xi32>
    %eq3A_875 = arith.cmpi eq, %get3A_7, %eq3A_874 : vector<128x512xi32>
    %convert_element_type3A_876 = arith.extui %eq3A_875 : vector<128x512xi1> to vector<128x512xi32>
    %convert_element_type3A_877 = arith.sitofp %convert_element_type3A_876 : vector<128x512xi32> to vector<128x512xf32>
    %get3A_878 = arith.constant 0 : index
    %get3A_879 = arith.constant 14 : index
    %get3A_880 = arith.constant 0 : index
    %get3A_881 = arith.constant 0 : index
    %get3A_882 = vector.load %arg3[%get3A_878, %get3A_879, %get3A_880, %get3A_881] : memref<1x16x128x512xf32, #tpu.memory_space<vmem>>, vector<1x1x128x512xf32>
    %get3A_883 = vector.shape_cast %get3A_882 : vector<1x1x128x512xf32> to vector<128x512xf32>
    %get3A_884 = arith.constant 14 : index
    %get3A_885 = memref.load %arg4[%get3A_884] : memref<16xi32, #tpu.memory_space<smem>>
    %get3A_886 = arith.constant 0 : index
    %get3A_887 = arith.index_cast %get3A_885 : i32 to index
    %get3A_888 = arith.constant 0 : index
    %get3A_889 = arith.constant 0 : index
    %get3A_890 = vector.load %arg2[%get3A_886, %get3A_887, %get3A_888, %get3A_889] : memref<1x4x128x512xf32, #tpu.memory_space<vmem>>, vector<1x1x128x512xf32>
    %get3A_891 = vector.shape_cast %get3A_890 : vector<1x1x128x512xf32> to vector<128x512xf32>
    %mul3A_892 = arith.mulf %get3A_883, %get3A_891 : vector<128x512xf32>
    %swap3A_893 = arith.constant 0 : index
    %swap3A_894 = arith.constant 14 : index
    %swap3A_895 = arith.constant 0 : index
    %swap3A_896 = arith.constant 0 : index
    %swap3A_897 = vector.load %arg8[%swap3A_893, %swap3A_894, %swap3A_895, %swap3A_896] : memref<1x16x128x512xf32, #tpu.memory_space<vmem>>, vector<1x1x128x512xf32>
    %swap3A_898 = vector.shape_cast %swap3A_897 : vector<1x1x128x512xf32> to vector<128x512xf32>
    %swap3A_899 = vector.shape_cast %mul3A_892 : vector<128x512xf32> to vector<1x1x128x512xf32>
    tpu.vector_store %arg8[%swap3A_893, %swap3A_894, %swap3A_895, %swap3A_896], %swap3A_899 {strides = array<i32>} : memref<1x16x128x512xf32, #tpu.memory_space<vmem>>, vector<1x1x128x512xf32>,
    %get3A_900 = arith.constant 14 : index
    %get3A_901 = memref.load %arg9[%get3A_900] : memref<16xf32, #tpu.memory_space<smem>>
    %mul3A_902 = arith.mulf %get3A_883, %convert_element_type3A_877 : vector<128x512xf32>
    %reduce_sum3A_903 = vector.shape_cast %mul3A_902 : vector<128x512xf32> to vector<1x128x512xf32>
    %reduce_sum3A_904 = arith.constant dense<0.000000e+00> : vector<1xf32>
    %reduce_sum3A_905 = vector.multi_reduction <add>, %reduce_sum3A_903, %reduce_sum3A_904 [1, 2] : vector<1x128x512xf32> to vector<1xf32>
    %reduce_sum3A_906 = vector.shape_cast %reduce_sum3A_905 : vector<1xf32> to vector<1x1x1xf32>
    %reduce_sum3A_907 = vector.extract %reduce_sum3A_906[0, 0, 0] : f32 from vector<1x1x1xf32>
    %add3A_908 = arith.addf %get3A_901, %reduce_sum3A_907 : f32
    %swap3A_909 = arith.constant 14 : index
    %swap3A_910 = memref.load %arg9[%swap3A_909] : memref<16xf32, #tpu.memory_space<smem>>
    memref.store %add3A_908, %arg9[%swap3A_909] : memref<16xf32, #tpu.memory_space<smem>>
    %get3A_911 = arith.constant 14 : index
    %get3A_912 = memref.load %arg10[%get3A_911] : memref<16xf32, #tpu.memory_space<smem>>
    %reduce_sum3A_913 = vector.shape_cast %get3A_883 : vector<128x512xf32> to vector<1x128x512xf32>
    %reduce_sum3A_914 = arith.constant dense<0.000000e+00> : vector<1xf32>
    %reduce_sum3A_915 = vector.multi_reduction <add>, %reduce_sum3A_913, %reduce_sum3A_914 [1, 2] : vector<1x128x512xf32> to vector<1xf32>
    %reduce_sum3A_916 = vector.shape_cast %reduce_sum3A_915 : vector<1xf32> to vector<1x1x1xf32>
    %reduce_sum3A_917 = vector.extract %reduce_sum3A_916[0, 0, 0] : f32 from vector<1x1x1xf32>
    %add3A_918 = arith.addf %get3A_912, %reduce_sum3A_917 : f32
    %swap3A_919 = arith.constant 14 : index
    %swap3A_920 = memref.load %arg10[%swap3A_919] : memref<16xf32, #tpu.memory_space<smem>>
    memref.store %add3A_918, %arg10[%swap3A_919] : memref<16xf32, #tpu.memory_space<smem>>
    %get3A_921 = arith.constant 14 : index
    %get3A_922 = memref.load %arg11[%get3A_921] : memref<16xf32, #tpu.memory_space<smem>>
    %reduce_sum3A_923 = vector.shape_cast %convert_element_type3A_877 : vector<128x512xf32> to vector<1x128x512xf32>
    %reduce_sum3A_924 = arith.constant dense<0.000000e+00> : vector<1xf32>
    %reduce_sum3A_925 = vector.multi_reduction <add>, %reduce_sum3A_923, %reduce_sum3A_924 [1, 2] : vector<1x128x512xf32> to vector<1xf32>
    %reduce_sum3A_926 = vector.shape_cast %reduce_sum3A_925 : vector<1xf32> to vector<1x1x1xf32>
    %reduce_sum3A_927 = vector.extract %reduce_sum3A_926[0, 0, 0] : f32 from vector<1x1x1xf32>
    %add3A_928 = arith.addf %get3A_922, %reduce_sum3A_927 : f32
    %swap3A_929 = arith.constant 14 : index
    %swap3A_930 = memref.load %arg11[%swap3A_929] : memref<16xf32, #tpu.memory_space<smem>>
    memref.store %add3A_928, %arg11[%swap3A_929] : memref<16xf32, #tpu.memory_space<smem>>
    %convert_element_type3A_931 = arith.extui %eq3A_875 : vector<128x512xi1> to vector<128x512xi32>
    %mul3A_932 = vector.broadcast %get3A_885 : i32 to vector<128x512xi32>
    %mul3A_933 = arith.muli %mul3A_932, %convert_element_type3A_931 : vector<128x512xi32>
    %add3A_934 = arith.addi %add3A_872, %mul3A_933 : vector<128x512xi32>
    %eq3A_935 = arith.constant 15 : i32
    %eq3A_936 = vector.broadcast %eq3A_935 : i32 to vector<128x512xi32>
    %eq3A_937 = arith.cmpi eq, %get3A_7, %eq3A_936 : vector<128x512xi32>
    %convert_element_type3A_938 = arith.extui %eq3A_937 : vector<128x512xi1> to vector<128x512xi32>
    %convert_element_type3A_939 = arith.sitofp %convert_element_type3A_938 : vector<128x512xi32> to vector<128x512xf32>
    %get3A_940 = arith.constant 0 : index
    %get3A_941 = arith.constant 15 : index
    %get3A_942 = arith.constant 0 : index
    %get3A_943 = arith.constant 0 : index
    %get3A_944 = vector.load %arg3[%get3A_940, %get3A_941, %get3A_942, %get3A_943] : memref<1x16x128x512xf32, #tpu.memory_space<vmem>>, vector<1x1x128x512xf32>
    %get3A_945 = vector.shape_cast %get3A_944 : vector<1x1x128x512xf32> to vector<128x512xf32>
    %get3A_946 = arith.constant 15 : index
    %get3A_947 = memref.load %arg4[%get3A_946] : memref<16xi32, #tpu.memory_space<smem>>
    %get3A_948 = arith.constant 0 : index
    %get3A_949 = arith.index_cast %get3A_947 : i32 to index
    %get3A_950 = arith.constant 0 : index
    %get3A_951 = arith.constant 0 : index
    %get3A_952 = vector.load %arg2[%get3A_948, %get3A_949, %get3A_950, %get3A_951] : memref<1x4x128x512xf32, #tpu.memory_space<vmem>>, vector<1x1x128x512xf32>
    %get3A_953 = vector.shape_cast %get3A_952 : vector<1x1x128x512xf32> to vector<128x512xf32>
    %mul3A_954 = arith.mulf %get3A_945, %get3A_953 : vector<128x512xf32>
    %swap3A_955 = arith.constant 0 : index
    %swap3A_956 = arith.constant 15 : index
    %swap3A_957 = arith.constant 0 : index
    %swap3A_958 = arith.constant 0 : index
    %swap3A_959 = vector.load %arg8[%swap3A_955, %swap3A_956, %swap3A_957, %swap3A_958] : memref<1x16x128x512xf32, #tpu.memory_space<vmem>>, vector<1x1x128x512xf32>
    %swap3A_960 = vector.shape_cast %swap3A_959 : vector<1x1x128x512xf32> to vector<128x512xf32>
    %swap3A_961 = vector.shape_cast %mul3A_954 : vector<128x512xf32> to vector<1x1x128x512xf32>
    tpu.vector_store %arg8[%swap3A_955, %swap3A_956, %swap3A_957, %swap3A_958], %swap3A_961 {strides = array<i32>} : memref<1x16x128x512xf32, #tpu.memory_space<vmem>>, vector<1x1x128x512xf32>,
    %get3A_962 = arith.constant 15 : index
    %get3A_963 = memref.load %arg9[%get3A_962] : memref<16xf32, #tpu.memory_space<smem>>
    %mul3A_964 = arith.mulf %get3A_945, %convert_element_type3A_939 : vector<128x512xf32>
    %reduce_sum3A_965 = vector.shape_cast %mul3A_964 : vector<128x512xf32> to vector<1x128x512xf32>
    %reduce_sum3A_966 = arith.constant dense<0.000000e+00> : vector<1xf32>
    %reduce_sum3A_967 = vector.multi_reduction <add>, %reduce_sum3A_965, %reduce_sum3A_966 [1, 2] : vector<1x128x512xf32> to vector<1xf32>
    %reduce_sum3A_968 = vector.shape_cast %reduce_sum3A_967 : vector<1xf32> to vector<1x1x1xf32>
    %reduce_sum3A_969 = vector.extract %reduce_sum3A_968[0, 0, 0] : f32 from vector<1x1x1xf32>
    %add3A_970 = arith.addf %get3A_963, %reduce_sum3A_969 : f32
    %swap3A_971 = arith.constant 15 : index
    %swap3A_972 = memref.load %arg9[%swap3A_971] : memref<16xf32, #tpu.memory_space<smem>>
    memref.store %add3A_970, %arg9[%swap3A_971] : memref<16xf32, #tpu.memory_space<smem>>
    %get3A_973 = arith.constant 15 : index
    %get3A_974 = memref.load %arg10[%get3A_973] : memref<16xf32, #tpu.memory_space<smem>>
    %reduce_sum3A_975 = vector.shape_cast %get3A_945 : vector<128x512xf32> to vector<1x128x512xf32>
    %reduce_sum3A_976 = arith.constant dense<0.000000e+00> : vector<1xf32>
    %reduce_sum3A_977 = vector.multi_reduction <add>, %reduce_sum3A_975, %reduce_sum3A_976 [1, 2] : vector<1x128x512xf32> to vector<1xf32>
    %reduce_sum3A_978 = vector.shape_cast %reduce_sum3A_977 : vector<1xf32> to vector<1x1x1xf32>
    %reduce_sum3A_979 = vector.extract %reduce_sum3A_978[0, 0, 0] : f32 from vector<1x1x1xf32>
    %add3A_980 = arith.addf %get3A_974, %reduce_sum3A_979 : f32
    %swap3A_981 = arith.constant 15 : index
    %swap3A_982 = memref.load %arg10[%swap3A_981] : memref<16xf32, #tpu.memory_space<smem>>
    memref.store %add3A_980, %arg10[%swap3A_981] : memref<16xf32, #tpu.memory_space<smem>>
    %get3A_983 = arith.constant 15 : index
    %get3A_984 = memref.load %arg11[%get3A_983] : memref<16xf32, #tpu.memory_space<smem>>
    %reduce_sum3A_985 = vector.shape_cast %convert_element_type3A_939 : vector<128x512xf32> to vector<1x128x512xf32>
    %reduce_sum3A_986 = arith.constant dense<0.000000e+00> : vector<1xf32>
    %reduce_sum3A_987 = vector.multi_reduction <add>, %reduce_sum3A_985, %reduce_sum3A_986 [1, 2] : vector<1x128x512xf32> to vector<1xf32>
    %reduce_sum3A_988 = vector.shape_cast %reduce_sum3A_987 : vector<1xf32> to vector<1x1x1xf32>
    %reduce_sum3A_989 = vector.extract %reduce_sum3A_988[0, 0, 0] : f32 from vector<1x1x1xf32>
    %add3A_990 = arith.addf %get3A_984, %reduce_sum3A_989 : f32
    %swap3A_991 = arith.constant 15 : index
    %swap3A_992 = memref.load %arg11[%swap3A_991] : memref<16xf32, #tpu.memory_space<smem>>
    memref.store %add3A_990, %arg11[%swap3A_991] : memref<16xf32, #tpu.memory_space<smem>>
    %convert_element_type3A_993 = arith.extui %eq3A_937 : vector<128x512xi1> to vector<128x512xi32>
    %mul3A_994 = vector.broadcast %get3A_947 : i32 to vector<128x512xi32>
    %mul3A_995 = arith.muli %mul3A_994, %convert_element_type3A_993 : vector<128x512xi32>
    %add3A_996 = arith.addi %add3A_934, %mul3A_995 : vector<128x512xi32>
    %get3A_997 = arith.constant 0 : index
    %get3A_998 = arith.constant 0 : index
    %get3A_999 = arith.constant 0 : index
    %get3A_1000 = arith.constant 0 : index
    %get3A_1001 = vector.load %arg2[%get3A_997, %get3A_998, %get3A_999, %get3A_1000] : memref<1x4x128x512xf32, #tpu.memory_space<vmem>>, vector<1x1x128x512xf32>
    %get3A_1002 = vector.shape_cast %get3A_1001 : vector<1x1x128x512xf32> to vector<128x512xf32>
    %eq3A_1003 = arith.constant 0 : i32
    %eq3A_1004 = vector.broadcast %eq3A_1003 : i32 to vector<128x512xi32>
    %eq3A_1005 = arith.cmpi eq, %add3A_996, %eq3A_1004 : vector<128x512xi32>
    %convert_element_type3A_1006 = arith.extui %eq3A_1005 : vector<128x512xi1> to vector<128x512xi32>
    %convert_element_type3A_1007 = arith.sitofp %convert_element_type3A_1006 : vector<128x512xi32> to vector<128x512xf32>
    %get3A_1008 = arith.constant 0 : index
    %get3A_1009 = memref.load %arg12[%get3A_1008] : memref<4xf32, #tpu.memory_space<smem>>
    %reduce_sum3A_1010 = vector.shape_cast %get3A_1002 : vector<128x512xf32> to vector<1x128x512xf32>
    %reduce_sum3A_1011 = arith.constant dense<0.000000e+00> : vector<1xf32>
    %reduce_sum3A_1012 = vector.multi_reduction <add>, %reduce_sum3A_1010, %reduce_sum3A_1011 [1, 2] : vector<1x128x512xf32> to vector<1xf32>
    %reduce_sum3A_1013 = vector.shape_cast %reduce_sum3A_1012 : vector<1xf32> to vector<1x1x1xf32>
    %reduce_sum3A_1014 = vector.extract %reduce_sum3A_1013[0, 0, 0] : f32 from vector<1x1x1xf32>
    %add3A_1015 = arith.addf %get3A_1009, %reduce_sum3A_1014 : f32
    %swap3A_1016 = arith.constant 0 : index
    %swap3A_1017 = memref.load %arg12[%swap3A_1016] : memref<4xf32, #tpu.memory_space<smem>>
    memref.store %add3A_1015, %arg12[%swap3A_1016] : memref<4xf32, #tpu.memory_space<smem>>
    %get3A_1018 = arith.constant 0 : index
    %get3A_1019 = memref.load %arg13[%get3A_1018] : memref<4xf32, #tpu.memory_space<smem>>
    %reduce_sum3A_1020 = vector.shape_cast %convert_element_type3A_1007 : vector<128x512xf32> to vector<1x128x512xf32>
    %reduce_sum3A_1021 = arith.constant dense<0.000000e+00> : vector<1xf32>
    %reduce_sum3A_1022 = vector.multi_reduction <add>, %reduce_sum3A_1020, %reduce_sum3A_1021 [1, 2] : vector<1x128x512xf32> to vector<1xf32>
    %reduce_sum3A_1023 = vector.shape_cast %reduce_sum3A_1022 : vector<1xf32> to vector<1x1x1xf32>
    %reduce_sum3A_1024 = vector.extract %reduce_sum3A_1023[0, 0, 0] : f32 from vector<1x1x1xf32>
    %add3A_1025 = arith.addf %get3A_1019, %reduce_sum3A_1024 : f32
    %swap3A_1026 = arith.constant 0 : index
    %swap3A_1027 = memref.load %arg13[%swap3A_1026] : memref<4xf32, #tpu.memory_space<smem>>
    memref.store %add3A_1025, %arg13[%swap3A_1026] : memref<4xf32, #tpu.memory_space<smem>>
    %get3A_1028 = arith.constant 0 : index
    %get3A_1029 = memref.load %arg14[%get3A_1028] : memref<4xf32, #tpu.memory_space<smem>>
    %mul3A_1030 = arith.mulf %get3A_1002, %convert_element_type3A_1007 : vector<128x512xf32>
    %reduce_sum3A_1031 = vector.shape_cast %mul3A_1030 : vector<128x512xf32> to vector<1x128x512xf32>
    %reduce_sum3A_1032 = arith.constant dense<0.000000e+00> : vector<1xf32>
    %reduce_sum3A_1033 = vector.multi_reduction <add>, %reduce_sum3A_1031, %reduce_sum3A_1032 [1, 2] : vector<1x128x512xf32> to vector<1xf32>
    %reduce_sum3A_1034 = vector.shape_cast %reduce_sum3A_1033 : vector<1xf32> to vector<1x1x1xf32>
    %reduce_sum3A_1035 = vector.extract %reduce_sum3A_1034[0, 0, 0] : f32 from vector<1x1x1xf32>
    %add3A_1036 = arith.addf %get3A_1029, %reduce_sum3A_1035 : f32
    %swap3A_1037 = arith.constant 0 : index
    %swap3A_1038 = memref.load %arg14[%swap3A_1037] : memref<4xf32, #tpu.memory_space<smem>>
    memref.store %add3A_1036, %arg14[%swap3A_1037] : memref<4xf32, #tpu.memory_space<smem>>
    %get3A_1039 = arith.constant 0 : index
    %get3A_1040 = arith.constant 1 : index
    %get3A_1041 = arith.constant 0 : index
    %get3A_1042 = arith.constant 0 : index
    %get3A_1043 = vector.load %arg2[%get3A_1039, %get3A_1040, %get3A_1041, %get3A_1042] : memref<1x4x128x512xf32, #tpu.memory_space<vmem>>, vector<1x1x128x512xf32>
    %get3A_1044 = vector.shape_cast %get3A_1043 : vector<1x1x128x512xf32> to vector<128x512xf32>
    %eq3A_1045 = arith.constant 1 : i32
    %eq3A_1046 = vector.broadcast %eq3A_1045 : i32 to vector<128x512xi32>
    %eq3A_1047 = arith.cmpi eq, %add3A_996, %eq3A_1046 : vector<128x512xi32>
    %convert_element_type3A_1048 = arith.extui %eq3A_1047 : vector<128x512xi1> to vector<128x512xi32>
    %convert_element_type3A_1049 = arith.sitofp %convert_element_type3A_1048 : vector<128x512xi32> to vector<128x512xf32>
    %get3A_1050 = arith.constant 1 : index
    %get3A_1051 = memref.load %arg12[%get3A_1050] : memref<4xf32, #tpu.memory_space<smem>>
    %reduce_sum3A_1052 = vector.shape_cast %get3A_1044 : vector<128x512xf32> to vector<1x128x512xf32>
    %reduce_sum3A_1053 = arith.constant dense<0.000000e+00> : vector<1xf32>
    %reduce_sum3A_1054 = vector.multi_reduction <add>, %reduce_sum3A_1052, %reduce_sum3A_1053 [1, 2] : vector<1x128x512xf32> to vector<1xf32>
    %reduce_sum3A_1055 = vector.shape_cast %reduce_sum3A_1054 : vector<1xf32> to vector<1x1x1xf32>
    %reduce_sum3A_1056 = vector.extract %reduce_sum3A_1055[0, 0, 0] : f32 from vector<1x1x1xf32>
    %add3A_1057 = arith.addf %get3A_1051, %reduce_sum3A_1056 : f32
    %swap3A_1058 = arith.constant 1 : index
    %swap3A_1059 = memref.load %arg12[%swap3A_1058] : memref<4xf32, #tpu.memory_space<smem>>
    memref.store %add3A_1057, %arg12[%swap3A_1058] : memref<4xf32, #tpu.memory_space<smem>>
    %get3A_1060 = arith.constant 1 : index
    %get3A_1061 = memref.load %arg13[%get3A_1060] : memref<4xf32, #tpu.memory_space<smem>>
    %reduce_sum3A_1062 = vector.shape_cast %convert_element_type3A_1049 : vector<128x512xf32> to vector<1x128x512xf32>
    %reduce_sum3A_1063 = arith.constant dense<0.000000e+00> : vector<1xf32>
    %reduce_sum3A_1064 = vector.multi_reduction <add>, %reduce_sum3A_1062, %reduce_sum3A_1063 [1, 2] : vector<1x128x512xf32> to vector<1xf32>
    %reduce_sum3A_1065 = vector.shape_cast %reduce_sum3A_1064 : vector<1xf32> to vector<1x1x1xf32>
    %reduce_sum3A_1066 = vector.extract %reduce_sum3A_1065[0, 0, 0] : f32 from vector<1x1x1xf32>
    %add3A_1067 = arith.addf %get3A_1061, %reduce_sum3A_1066 : f32
    %swap3A_1068 = arith.constant 1 : index
    %swap3A_1069 = memref.load %arg13[%swap3A_1068] : memref<4xf32, #tpu.memory_space<smem>>
    memref.store %add3A_1067, %arg13[%swap3A_1068] : memref<4xf32, #tpu.memory_space<smem>>
    %get3A_1070 = arith.constant 1 : index
    %get3A_1071 = memref.load %arg14[%get3A_1070] : memref<4xf32, #tpu.memory_space<smem>>
    %mul3A_1072 = arith.mulf %get3A_1044, %convert_element_type3A_1049 : vector<128x512xf32>
    %reduce_sum3A_1073 = vector.shape_cast %mul3A_1072 : vector<128x512xf32> to vector<1x128x512xf32>
    %reduce_sum3A_1074 = arith.constant dense<0.000000e+00> : vector<1xf32>
    %reduce_sum3A_1075 = vector.multi_reduction <add>, %reduce_sum3A_1073, %reduce_sum3A_1074 [1, 2] : vector<1x128x512xf32> to vector<1xf32>
    %reduce_sum3A_1076 = vector.shape_cast %reduce_sum3A_1075 : vector<1xf32> to vector<1x1x1xf32>
    %reduce_sum3A_1077 = vector.extract %reduce_sum3A_1076[0, 0, 0] : f32 from vector<1x1x1xf32>
    %add3A_1078 = arith.addf %get3A_1071, %reduce_sum3A_1077 : f32
    %swap3A_1079 = arith.constant 1 : index
    %swap3A_1080 = memref.load %arg14[%swap3A_1079] : memref<4xf32, #tpu.memory_space<smem>>
    memref.store %add3A_1078, %arg14[%swap3A_1079] : memref<4xf32, #tpu.memory_space<smem>>
    %get3A_1081 = arith.constant 0 : index
    %get3A_1082 = arith.constant 2 : index
    %get3A_1083 = arith.constant 0 : index
    %get3A_1084 = arith.constant 0 : index
    %get3A_1085 = vector.load %arg2[%get3A_1081, %get3A_1082, %get3A_1083, %get3A_1084] : memref<1x4x128x512xf32, #tpu.memory_space<vmem>>, vector<1x1x128x512xf32>
    %get3A_1086 = vector.shape_cast %get3A_1085 : vector<1x1x128x512xf32> to vector<128x512xf32>
    %eq3A_1087 = arith.constant 2 : i32
    %eq3A_1088 = vector.broadcast %eq3A_1087 : i32 to vector<128x512xi32>
    %eq3A_1089 = arith.cmpi eq, %add3A_996, %eq3A_1088 : vector<128x512xi32>
    %convert_element_type3A_1090 = arith.extui %eq3A_1089 : vector<128x512xi1> to vector<128x512xi32>
    %convert_element_type3A_1091 = arith.sitofp %convert_element_type3A_1090 : vector<128x512xi32> to vector<128x512xf32>
    %get3A_1092 = arith.constant 2 : index
    %get3A_1093 = memref.load %arg12[%get3A_1092] : memref<4xf32, #tpu.memory_space<smem>>
    %reduce_sum3A_1094 = vector.shape_cast %get3A_1086 : vector<128x512xf32> to vector<1x128x512xf32>
    %reduce_sum3A_1095 = arith.constant dense<0.000000e+00> : vector<1xf32>
    %reduce_sum3A_1096 = vector.multi_reduction <add>, %reduce_sum3A_1094, %reduce_sum3A_1095 [1, 2] : vector<1x128x512xf32> to vector<1xf32>
    %reduce_sum3A_1097 = vector.shape_cast %reduce_sum3A_1096 : vector<1xf32> to vector<1x1x1xf32>
    %reduce_sum3A_1098 = vector.extract %reduce_sum3A_1097[0, 0, 0] : f32 from vector<1x1x1xf32>
    %add3A_1099 = arith.addf %get3A_1093, %reduce_sum3A_1098 : f32
    %swap3A_1100 = arith.constant 2 : index
    %swap3A_1101 = memref.load %arg12[%swap3A_1100] : memref<4xf32, #tpu.memory_space<smem>>
    memref.store %add3A_1099, %arg12[%swap3A_1100] : memref<4xf32, #tpu.memory_space<smem>>
    %get3A_1102 = arith.constant 2 : index
    %get3A_1103 = memref.load %arg13[%get3A_1102] : memref<4xf32, #tpu.memory_space<smem>>
    %reduce_sum3A_1104 = vector.shape_cast %convert_element_type3A_1091 : vector<128x512xf32> to vector<1x128x512xf32>
    %reduce_sum3A_1105 = arith.constant dense<0.000000e+00> : vector<1xf32>
    %reduce_sum3A_1106 = vector.multi_reduction <add>, %reduce_sum3A_1104, %reduce_sum3A_1105 [1, 2] : vector<1x128x512xf32> to vector<1xf32>
    %reduce_sum3A_1107 = vector.shape_cast %reduce_sum3A_1106 : vector<1xf32> to vector<1x1x1xf32>
    %reduce_sum3A_1108 = vector.extract %reduce_sum3A_1107[0, 0, 0] : f32 from vector<1x1x1xf32>
    %add3A_1109 = arith.addf %get3A_1103, %reduce_sum3A_1108 : f32
    %swap3A_1110 = arith.constant 2 : index
    %swap3A_1111 = memref.load %arg13[%swap3A_1110] : memref<4xf32, #tpu.memory_space<smem>>
    memref.store %add3A_1109, %arg13[%swap3A_1110] : memref<4xf32, #tpu.memory_space<smem>>
    %get3A_1112 = arith.constant 2 : index
    %get3A_1113 = memref.load %arg14[%get3A_1112] : memref<4xf32, #tpu.memory_space<smem>>
    %mul3A_1114 = arith.mulf %get3A_1086, %convert_element_type3A_1091 : vector<128x512xf32>
    %reduce_sum3A_1115 = vector.shape_cast %mul3A_1114 : vector<128x512xf32> to vector<1x128x512xf32>
    %reduce_sum3A_1116 = arith.constant dense<0.000000e+00> : vector<1xf32>
    %reduce_sum3A_1117 = vector.multi_reduction <add>, %reduce_sum3A_1115, %reduce_sum3A_1116 [1, 2] : vector<1x128x512xf32> to vector<1xf32>
    %reduce_sum3A_1118 = vector.shape_cast %reduce_sum3A_1117 : vector<1xf32> to vector<1x1x1xf32>
    %reduce_sum3A_1119 = vector.extract %reduce_sum3A_1118[0, 0, 0] : f32 from vector<1x1x1xf32>
    %add3A_1120 = arith.addf %get3A_1113, %reduce_sum3A_1119 : f32
    %swap3A_1121 = arith.constant 2 : index
    %swap3A_1122 = memref.load %arg14[%swap3A_1121] : memref<4xf32, #tpu.memory_space<smem>>
    memref.store %add3A_1120, %arg14[%swap3A_1121] : memref<4xf32, #tpu.memory_space<smem>>
    %get3A_1123 = arith.constant 0 : index
    %get3A_1124 = arith.constant 3 : index
    %get3A_1125 = arith.constant 0 : index
    %get3A_1126 = arith.constant 0 : index
    %get3A_1127 = vector.load %arg2[%get3A_1123, %get3A_1124, %get3A_1125, %get3A_1126] : memref<1x4x128x512xf32, #tpu.memory_space<vmem>>, vector<1x1x128x512xf32>
    %get3A_1128 = vector.shape_cast %get3A_1127 : vector<1x1x128x512xf32> to vector<128x512xf32>
    %eq3A_1129 = arith.constant 3 : i32
    %eq3A_1130 = vector.broadcast %eq3A_1129 : i32 to vector<128x512xi32>
    %eq3A_1131 = arith.cmpi eq, %add3A_996, %eq3A_1130 : vector<128x512xi32>
    %convert_element_type3A_1132 = arith.extui %eq3A_1131 : vector<128x512xi1> to vector<128x512xi32>
    %convert_element_type3A_1133 = arith.sitofp %convert_element_type3A_1132 : vector<128x512xi32> to vector<128x512xf32>
    %get3A_1134 = arith.constant 3 : index
    %get3A_1135 = memref.load %arg12[%get3A_1134] : memref<4xf32, #tpu.memory_space<smem>>
    %reduce_sum3A_1136 = vector.shape_cast %get3A_1128 : vector<128x512xf32> to vector<1x128x512xf32>
    %reduce_sum3A_1137 = arith.constant dense<0.000000e+00> : vector<1xf32>
    %reduce_sum3A_1138 = vector.multi_reduction <add>, %reduce_sum3A_1136, %reduce_sum3A_1137 [1, 2] : vector<1x128x512xf32> to vector<1xf32>
    %reduce_sum3A_1139 = vector.shape_cast %reduce_sum3A_1138 : vector<1xf32> to vector<1x1x1xf32>
    %reduce_sum3A_1140 = vector.extract %reduce_sum3A_1139[0, 0, 0] : f32 from vector<1x1x1xf32>
    %add3A_1141 = arith.addf %get3A_1135, %reduce_sum3A_1140 : f32
    %swap3A_1142 = arith.constant 3 : index
    %swap3A_1143 = memref.load %arg12[%swap3A_1142] : memref<4xf32, #tpu.memory_space<smem>>
    memref.store %add3A_1141, %arg12[%swap3A_1142] : memref<4xf32, #tpu.memory_space<smem>>
    %get3A_1144 = arith.constant 3 : index
    %get3A_1145 = memref.load %arg13[%get3A_1144] : memref<4xf32, #tpu.memory_space<smem>>
    %reduce_sum3A_1146 = vector.shape_cast %convert_element_type3A_1133 : vector<128x512xf32> to vector<1x128x512xf32>
    %reduce_sum3A_1147 = arith.constant dense<0.000000e+00> : vector<1xf32>
    %reduce_sum3A_1148 = vector.multi_reduction <add>, %reduce_sum3A_1146, %reduce_sum3A_1147 [1, 2] : vector<1x128x512xf32> to vector<1xf32>
    %reduce_sum3A_1149 = vector.shape_cast %reduce_sum3A_1148 : vector<1xf32> to vector<1x1x1xf32>
    %reduce_sum3A_1150 = vector.extract %reduce_sum3A_1149[0, 0, 0] : f32 from vector<1x1x1xf32>
    %add3A_1151 = arith.addf %get3A_1145, %reduce_sum3A_1150 : f32
    %swap3A_1152 = arith.constant 3 : index
    %swap3A_1153 = memref.load %arg13[%swap3A_1152] : memref<4xf32, #tpu.memory_space<smem>>
    memref.store %add3A_1151, %arg13[%swap3A_1152] : memref<4xf32, #tpu.memory_space<smem>>
    %get3A_1154 = arith.constant 3 : index
    %get3A_1155 = memref.load %arg14[%get3A_1154] : memref<4xf32, #tpu.memory_space<smem>>
    %mul3A_1156 = arith.mulf %get3A_1128, %convert_element_type3A_1133 : vector<128x512xf32>
    %reduce_sum3A_1157 = vector.shape_cast %mul3A_1156 : vector<128x512xf32> to vector<1x128x512xf32>
    %reduce_sum3A_1158 = arith.constant dense<0.000000e+00> : vector<1xf32>
    %reduce_sum3A_1159 = vector.multi_reduction <add>, %reduce_sum3A_1157, %reduce_sum3A_1158 [1, 2] : vector<1x128x512xf32> to vector<1xf32>
    %reduce_sum3A_1160 = vector.shape_cast %reduce_sum3A_1159 : vector<1xf32> to vector<1x1x1xf32>
    %reduce_sum3A_1161 = vector.extract %reduce_sum3A_1160[0, 0, 0] : f32 from vector<1x1x1xf32>
    %add3A_1162 = arith.addf %get3A_1155, %reduce_sum3A_1161 : f32
    %swap3A_1163 = arith.constant 3 : index
    %swap3A_1164 = memref.load %arg14[%swap3A_1163] : memref<4xf32, #tpu.memory_space<smem>>
    memref.store %add3A_1162, %arg14[%swap3A_1163] : memref<4xf32, #tpu.memory_space<smem>>
    %eq3A_1165 = arith.constant 7 : i32
    %eq3A_1166 = arith.cmpi eq, %arg0, %eq3A_1165 : i32
    %eq3A_1167 = arith.constant 3 : i32
    %eq3A_1168 = arith.cmpi eq, %arg1, %eq3A_1167 : i32
    %and3A_1169 = arith.andi %eq3A_1166, %eq3A_1168 : i1
    %convert_element_type3A_1170 = arith.extui %and3A_1169 : i1 to i32
    %cond3A_1171 = arith.constant 0 : i32
    %cond3A_1172 = arith.cmpi ne, %convert_element_type3A_1170, %cond3A_1171 : i32
    scf.if %cond3A_1172 {
      %get3A_1173 = arith.constant 0 : index
      %get3A_1174 = memref.load %arg14[%get3A_1173] : memref<4xf32, #tpu.memory_space<smem>>
      %mul3A_1175 = arith.constant 2.000000e+00 : f32
      %mul3A_1176 = arith.mulf %mul3A_1175, %get3A_1174 : f32
      %add3A_1177 = arith.constant 1.000000e-07 : f32
      %add3A_1178 = arith.addf %mul3A_1176, %add3A_1177 : f32
      %get3A_1179 = arith.constant 0 : index
      %get3A_1180 = memref.load %arg12[%get3A_1179] : memref<4xf32, #tpu.memory_space<smem>>
      %get3A_1181 = arith.constant 0 : index
      %get3A_1182 = memref.load %arg13[%get3A_1181] : memref<4xf32, #tpu.memory_space<smem>>
      %add3A_1183 = arith.addf %get3A_1180, %get3A_1182 : f32
      %add3A_1184 = arith.constant 1.000000e-07 : f32
      %add3A_1185 = arith.addf %add3A_1183, %add3A_1184 : f32
      %div3A = arith.divf %add3A_1178, %add3A_1185 : f32
      %sub3A = arith.constant 1.000000e+00 : f32
      %sub3A_1186 = arith.subf %sub3A, %div3A : f32
      %add3A_1187 = arith.constant 0.000000e+00 : f32
      %add3A_1188 = arith.addf %add3A_1187, %sub3A_1186 : f32
      %get3A_1189 = arith.constant 1 : index
      %get3A_1190 = memref.load %arg14[%get3A_1189] : memref<4xf32, #tpu.memory_space<smem>>
      %mul3A_1191 = arith.constant 2.000000e+00 : f32
      %mul3A_1192 = arith.mulf %mul3A_1191, %get3A_1190 : f32
      %add3A_1193 = arith.constant 1.000000e-07 : f32
      %add3A_1194 = arith.addf %mul3A_1192, %add3A_1193 : f32
      %get3A_1195 = arith.constant 1 : index
      %get3A_1196 = memref.load %arg12[%get3A_1195] : memref<4xf32, #tpu.memory_space<smem>>
      %get3A_1197 = arith.constant 1 : index
      %get3A_1198 = memref.load %arg13[%get3A_1197] : memref<4xf32, #tpu.memory_space<smem>>
      %add3A_1199 = arith.addf %get3A_1196, %get3A_1198 : f32
      %add3A_1200 = arith.constant 1.000000e-07 : f32
      %add3A_1201 = arith.addf %add3A_1199, %add3A_1200 : f32
      %div3A_1202 = arith.divf %add3A_1194, %add3A_1201 : f32
      %sub3A_1203 = arith.constant 1.000000e+00 : f32
      %sub3A_1204 = arith.subf %sub3A_1203, %div3A_1202 : f32
      %add3A_1205 = arith.addf %add3A_1188, %sub3A_1204 : f32
      %get3A_1206 = arith.constant 2 : index
      %get3A_1207 = memref.load %arg14[%get3A_1206] : memref<4xf32, #tpu.memory_space<smem>>
      %mul3A_1208 = arith.constant 2.000000e+00 : f32
      %mul3A_1209 = arith.mulf %mul3A_1208, %get3A_1207 : f32
      %add3A_1210 = arith.constant 1.000000e-07 : f32
      %add3A_1211 = arith.addf %mul3A_1209, %add3A_1210 : f32
      %get3A_1212 = arith.constant 2 : index
      %get3A_1213 = memref.load %arg12[%get3A_1212] : memref<4xf32, #tpu.memory_space<smem>>
      %get3A_1214 = arith.constant 2 : index
      %get3A_1215 = memref.load %arg13[%get3A_1214] : memref<4xf32, #tpu.memory_space<smem>>
      %add3A_1216 = arith.addf %get3A_1213, %get3A_1215 : f32
      %add3A_1217 = arith.constant 1.000000e-07 : f32
      %add3A_1218 = arith.addf %add3A_1216, %add3A_1217 : f32
      %div3A_1219 = arith.divf %add3A_1211, %add3A_1218 : f32
      %sub3A_1220 = arith.constant 1.000000e+00 : f32
      %sub3A_1221 = arith.subf %sub3A_1220, %div3A_1219 : f32
      %add3A_1222 = arith.addf %add3A_1205, %sub3A_1221 : f32
      %get3A_1223 = arith.constant 3 : index
      %get3A_1224 = memref.load %arg14[%get3A_1223] : memref<4xf32, #tpu.memory_space<smem>>
      %mul3A_1225 = arith.constant 2.000000e+00 : f32
      %mul3A_1226 = arith.mulf %mul3A_1225, %get3A_1224 : f32
      %add3A_1227 = arith.constant 1.000000e-07 : f32
      %add3A_1228 = arith.addf %mul3A_1226, %add3A_1227 : f32
      %get3A_1229 = arith.constant 3 : index
      %get3A_1230 = memref.load %arg12[%get3A_1229] : memref<4xf32, #tpu.memory_space<smem>>
      %get3A_1231 = arith.constant 3 : index
      %get3A_1232 = memref.load %arg13[%get3A_1231] : memref<4xf32, #tpu.memory_space<smem>>
      %add3A_1233 = arith.addf %get3A_1230, %get3A_1232 : f32
      %add3A_1234 = arith.constant 1.000000e-07 : f32
      %add3A_1235 = arith.addf %add3A_1233, %add3A_1234 : f32
      %div3A_1236 = arith.divf %add3A_1228, %add3A_1235 : f32
      %sub3A_1237 = arith.constant 1.000000e+00 : f32
      %sub3A_1238 = arith.subf %sub3A_1237, %div3A_1236 : f32
      %add3A_1239 = arith.addf %add3A_1222, %sub3A_1238 : f32
      %get3A_1240 = arith.constant 0 : index
      %get3A_1241 = memref.load %arg9[%get3A_1240] : memref<16xf32, #tpu.memory_space<smem>>
      %mul3A_1242 = arith.constant 2.000000e+00 : f32
      %mul3A_1243 = arith.mulf %mul3A_1242, %get3A_1241 : f32
      %add3A_1244 = arith.constant 1.000000e-07 : f32
      %add3A_1245 = arith.addf %mul3A_1243, %add3A_1244 : f32
      %get3A_1246 = arith.constant 0 : index
      %get3A_1247 = memref.load %arg10[%get3A_1246] : memref<16xf32, #tpu.memory_space<smem>>
      %get3A_1248 = arith.constant 0 : index
      %get3A_1249 = memref.load %arg11[%get3A_1248] : memref<16xf32, #tpu.memory_space<smem>>
      %add3A_1250 = arith.addf %get3A_1247, %get3A_1249 : f32
      %add3A_1251 = arith.constant 1.000000e-07 : f32
      %add3A_1252 = arith.addf %add3A_1250, %add3A_1251 : f32
      %div3A_1253 = arith.divf %add3A_1245, %add3A_1252 : f32
      %sub3A_1254 = arith.constant 1.000000e+00 : f32
      %sub3A_1255 = arith.subf %sub3A_1254, %div3A_1253 : f32
      %get3A_1256 = arith.constant 0 : index
      %get3A_1257 = memref.load %arg6[%get3A_1256] : memref<16xf32, #tpu.memory_space<smem>>
      %mul3A_1258 = arith.mulf %sub3A_1255, %get3A_1257 : f32
      %add3A_1259 = arith.constant 0.000000e+00 : f32
      %add3A_1260 = arith.addf %add3A_1259, %mul3A_1258 : f32
      %get3A_1261 = arith.constant 0 : index
      %get3A_1262 = memref.load %arg6[%get3A_1261] : memref<16xf32, #tpu.memory_space<smem>>
      %add3A_1263 = arith.constant 0.000000e+00 : f32
      %add3A_1264 = arith.addf %add3A_1263, %get3A_1262 : f32
      %get3A_1265 = arith.constant 1 : index
      %get3A_1266 = memref.load %arg9[%get3A_1265] : memref<16xf32, #tpu.memory_space<smem>>
      %mul3A_1267 = arith.constant 2.000000e+00 : f32
      %mul3A_1268 = arith.mulf %mul3A_1267, %get3A_1266 : f32
      %add3A_1269 = arith.constant 1.000000e-07 : f32
      %add3A_1270 = arith.addf %mul3A_1268, %add3A_1269 : f32
      %get3A_1271 = arith.constant 1 : index
      %get3A_1272 = memref.load %arg10[%get3A_1271] : memref<16xf32, #tpu.memory_space<smem>>
      %get3A_1273 = arith.constant 1 : index
      %get3A_1274 = memref.load %arg11[%get3A_1273] : memref<16xf32, #tpu.memory_space<smem>>
      %add3A_1275 = arith.addf %get3A_1272, %get3A_1274 : f32
      %add3A_1276 = arith.constant 1.000000e-07 : f32
      %add3A_1277 = arith.addf %add3A_1275, %add3A_1276 : f32
      %div3A_1278 = arith.divf %add3A_1270, %add3A_1277 : f32
      %sub3A_1279 = arith.constant 1.000000e+00 : f32
      %sub3A_1280 = arith.subf %sub3A_1279, %div3A_1278 : f32
      %get3A_1281 = arith.constant 1 : index
      %get3A_1282 = memref.load %arg6[%get3A_1281] : memref<16xf32, #tpu.memory_space<smem>>
      %mul3A_1283 = arith.mulf %sub3A_1280, %get3A_1282 : f32
      %add3A_1284 = arith.addf %add3A_1260, %mul3A_1283 : f32
      %get3A_1285 = arith.constant 1 : index
      %get3A_1286 = memref.load %arg6[%get3A_1285] : memref<16xf32, #tpu.memory_space<smem>>
      %add3A_1287 = arith.addf %add3A_1264, %get3A_1286 : f32
      %get3A_1288 = arith.constant 2 : index
      %get3A_1289 = memref.load %arg9[%get3A_1288] : memref<16xf32, #tpu.memory_space<smem>>
      %mul3A_1290 = arith.constant 2.000000e+00 : f32
      %mul3A_1291 = arith.mulf %mul3A_1290, %get3A_1289 : f32
      %add3A_1292 = arith.constant 1.000000e-07 : f32
      %add3A_1293 = arith.addf %mul3A_1291, %add3A_1292 : f32
      %get3A_1294 = arith.constant 2 : index
      %get3A_1295 = memref.load %arg10[%get3A_1294] : memref<16xf32, #tpu.memory_space<smem>>
      %get3A_1296 = arith.constant 2 : index
      %get3A_1297 = memref.load %arg11[%get3A_1296] : memref<16xf32, #tpu.memory_space<smem>>
      %add3A_1298 = arith.addf %get3A_1295, %get3A_1297 : f32
      %add3A_1299 = arith.constant 1.000000e-07 : f32
      %add3A_1300 = arith.addf %add3A_1298, %add3A_1299 : f32
      %div3A_1301 = arith.divf %add3A_1293, %add3A_1300 : f32
      %sub3A_1302 = arith.constant 1.000000e+00 : f32
      %sub3A_1303 = arith.subf %sub3A_1302, %div3A_1301 : f32
      %get3A_1304 = arith.constant 2 : index
      %get3A_1305 = memref.load %arg6[%get3A_1304] : memref<16xf32, #tpu.memory_space<smem>>
      %mul3A_1306 = arith.mulf %sub3A_1303, %get3A_1305 : f32
      %add3A_1307 = arith.addf %add3A_1284, %mul3A_1306 : f32
      %get3A_1308 = arith.constant 2 : index
      %get3A_1309 = memref.load %arg6[%get3A_1308] : memref<16xf32, #tpu.memory_space<smem>>
      %add3A_1310 = arith.addf %add3A_1287, %get3A_1309 : f32
      %get3A_1311 = arith.constant 3 : index
      %get3A_1312 = memref.load %arg9[%get3A_1311] : memref<16xf32, #tpu.memory_space<smem>>
      %mul3A_1313 = arith.constant 2.000000e+00 : f32
      %mul3A_1314 = arith.mulf %mul3A_1313, %get3A_1312 : f32
      %add3A_1315 = arith.constant 1.000000e-07 : f32
      %add3A_1316 = arith.addf %mul3A_1314, %add3A_1315 : f32
      %get3A_1317 = arith.constant 3 : index
      %get3A_1318 = memref.load %arg10[%get3A_1317] : memref<16xf32, #tpu.memory_space<smem>>
      %get3A_1319 = arith.constant 3 : index
      %get3A_1320 = memref.load %arg11[%get3A_1319] : memref<16xf32, #tpu.memory_space<smem>>
      %add3A_1321 = arith.addf %get3A_1318, %get3A_1320 : f32
      %add3A_1322 = arith.constant 1.000000e-07 : f32
      %add3A_1323 = arith.addf %add3A_1321, %add3A_1322 : f32
      %div3A_1324 = arith.divf %add3A_1316, %add3A_1323 : f32
      %sub3A_1325 = arith.constant 1.000000e+00 : f32
      %sub3A_1326 = arith.subf %sub3A_1325, %div3A_1324 : f32
      %get3A_1327 = arith.constant 3 : index
      %get3A_1328 = memref.load %arg6[%get3A_1327] : memref<16xf32, #tpu.memory_space<smem>>
      %mul3A_1329 = arith.mulf %sub3A_1326, %get3A_1328 : f32
      %add3A_1330 = arith.addf %add3A_1307, %mul3A_1329 : f32
      %get3A_1331 = arith.constant 3 : index
      %get3A_1332 = memref.load %arg6[%get3A_1331] : memref<16xf32, #tpu.memory_space<smem>>
      %add3A_1333 = arith.addf %add3A_1310, %get3A_1332 : f32
      %get3A_1334 = arith.constant 4 : index
      %get3A_1335 = memref.load %arg9[%get3A_1334] : memref<16xf32, #tpu.memory_space<smem>>
      %mul3A_1336 = arith.constant 2.000000e+00 : f32
      %mul3A_1337 = arith.mulf %mul3A_1336, %get3A_1335 : f32
      %add3A_1338 = arith.constant 1.000000e-07 : f32
      %add3A_1339 = arith.addf %mul3A_1337, %add3A_1338 : f32
      %get3A_1340 = arith.constant 4 : index
      %get3A_1341 = memref.load %arg10[%get3A_1340] : memref<16xf32, #tpu.memory_space<smem>>
      %get3A_1342 = arith.constant 4 : index
      %get3A_1343 = memref.load %arg11[%get3A_1342] : memref<16xf32, #tpu.memory_space<smem>>
      %add3A_1344 = arith.addf %get3A_1341, %get3A_1343 : f32
      %add3A_1345 = arith.constant 1.000000e-07 : f32
      %add3A_1346 = arith.addf %add3A_1344, %add3A_1345 : f32
      %div3A_1347 = arith.divf %add3A_1339, %add3A_1346 : f32
      %sub3A_1348 = arith.constant 1.000000e+00 : f32
      %sub3A_1349 = arith.subf %sub3A_1348, %div3A_1347 : f32
      %get3A_1350 = arith.constant 4 : index
      %get3A_1351 = memref.load %arg6[%get3A_1350] : memref<16xf32, #tpu.memory_space<smem>>
      %mul3A_1352 = arith.mulf %sub3A_1349, %get3A_1351 : f32
      %add3A_1353 = arith.addf %add3A_1330, %mul3A_1352 : f32
      %get3A_1354 = arith.constant 4 : index
      %get3A_1355 = memref.load %arg6[%get3A_1354] : memref<16xf32, #tpu.memory_space<smem>>
      %add3A_1356 = arith.addf %add3A_1333, %get3A_1355 : f32
      %get3A_1357 = arith.constant 5 : index
      %get3A_1358 = memref.load %arg9[%get3A_1357] : memref<16xf32, #tpu.memory_space<smem>>
      %mul3A_1359 = arith.constant 2.000000e+00 : f32
      %mul3A_1360 = arith.mulf %mul3A_1359, %get3A_1358 : f32
      %add3A_1361 = arith.constant 1.000000e-07 : f32
      %add3A_1362 = arith.addf %mul3A_1360, %add3A_1361 : f32
      %get3A_1363 = arith.constant 5 : index
      %get3A_1364 = memref.load %arg10[%get3A_1363] : memref<16xf32, #tpu.memory_space<smem>>
      %get3A_1365 = arith.constant 5 : index
      %get3A_1366 = memref.load %arg11[%get3A_1365] : memref<16xf32, #tpu.memory_space<smem>>
      %add3A_1367 = arith.addf %get3A_1364, %get3A_1366 : f32
      %add3A_1368 = arith.constant 1.000000e-07 : f32
      %add3A_1369 = arith.addf %add3A_1367, %add3A_1368 : f32
      %div3A_1370 = arith.divf %add3A_1362, %add3A_1369 : f32
      %sub3A_1371 = arith.constant 1.000000e+00 : f32
      %sub3A_1372 = arith.subf %sub3A_1371, %div3A_1370 : f32
      %get3A_1373 = arith.constant 5 : index
      %get3A_1374 = memref.load %arg6[%get3A_1373] : memref<16xf32, #tpu.memory_space<smem>>
      %mul3A_1375 = arith.mulf %sub3A_1372, %get3A_1374 : f32
      %add3A_1376 = arith.addf %add3A_1353, %mul3A_1375 : f32
      %get3A_1377 = arith.constant 5 : index
      %get3A_1378 = memref.load %arg6[%get3A_1377] : memref<16xf32, #tpu.memory_space<smem>>
      %add3A_1379 = arith.addf %add3A_1356, %get3A_1378 : f32
      %get3A_1380 = arith.constant 6 : index
      %get3A_1381 = memref.load %arg9[%get3A_1380] : memref<16xf32, #tpu.memory_space<smem>>
      %mul3A_1382 = arith.constant 2.000000e+00 : f32
      %mul3A_1383 = arith.mulf %mul3A_1382, %get3A_1381 : f32
      %add3A_1384 = arith.constant 1.000000e-07 : f32
      %add3A_1385 = arith.addf %mul3A_1383, %add3A_1384 : f32
      %get3A_1386 = arith.constant 6 : index
      %get3A_1387 = memref.load %arg10[%get3A_1386] : memref<16xf32, #tpu.memory_space<smem>>
      %get3A_1388 = arith.constant 6 : index
      %get3A_1389 = memref.load %arg11[%get3A_1388] : memref<16xf32, #tpu.memory_space<smem>>
      %add3A_1390 = arith.addf %get3A_1387, %get3A_1389 : f32
      %add3A_1391 = arith.constant 1.000000e-07 : f32
      %add3A_1392 = arith.addf %add3A_1390, %add3A_1391 : f32
      %div3A_1393 = arith.divf %add3A_1385, %add3A_1392 : f32
      %sub3A_1394 = arith.constant 1.000000e+00 : f32
      %sub3A_1395 = arith.subf %sub3A_1394, %div3A_1393 : f32
      %get3A_1396 = arith.constant 6 : index
      %get3A_1397 = memref.load %arg6[%get3A_1396] : memref<16xf32, #tpu.memory_space<smem>>
      %mul3A_1398 = arith.mulf %sub3A_1395, %get3A_1397 : f32
      %add3A_1399 = arith.addf %add3A_1376, %mul3A_1398 : f32
      %get3A_1400 = arith.constant 6 : index
      %get3A_1401 = memref.load %arg6[%get3A_1400] : memref<16xf32, #tpu.memory_space<smem>>
      %add3A_1402 = arith.addf %add3A_1379, %get3A_1401 : f32
      %get3A_1403 = arith.constant 7 : index
      %get3A_1404 = memref.load %arg9[%get3A_1403] : memref<16xf32, #tpu.memory_space<smem>>
      %mul3A_1405 = arith.constant 2.000000e+00 : f32
      %mul3A_1406 = arith.mulf %mul3A_1405, %get3A_1404 : f32
      %add3A_1407 = arith.constant 1.000000e-07 : f32
      %add3A_1408 = arith.addf %mul3A_1406, %add3A_1407 : f32
      %get3A_1409 = arith.constant 7 : index
      %get3A_1410 = memref.load %arg10[%get3A_1409] : memref<16xf32, #tpu.memory_space<smem>>
      %get3A_1411 = arith.constant 7 : index
      %get3A_1412 = memref.load %arg11[%get3A_1411] : memref<16xf32, #tpu.memory_space<smem>>
      %add3A_1413 = arith.addf %get3A_1410, %get3A_1412 : f32
      %add3A_1414 = arith.constant 1.000000e-07 : f32
      %add3A_1415 = arith.addf %add3A_1413, %add3A_1414 : f32
      %div3A_1416 = arith.divf %add3A_1408, %add3A_1415 : f32
      %sub3A_1417 = arith.constant 1.000000e+00 : f32
      %sub3A_1418 = arith.subf %sub3A_1417, %div3A_1416 : f32
      %get3A_1419 = arith.constant 7 : index
      %get3A_1420 = memref.load %arg6[%get3A_1419] : memref<16xf32, #tpu.memory_space<smem>>
      %mul3A_1421 = arith.mulf %sub3A_1418, %get3A_1420 : f32
      %add3A_1422 = arith.addf %add3A_1399, %mul3A_1421 : f32
      %get3A_1423 = arith.constant 7 : index
      %get3A_1424 = memref.load %arg6[%get3A_1423] : memref<16xf32, #tpu.memory_space<smem>>
      %add3A_1425 = arith.addf %add3A_1402, %get3A_1424 : f32
      %get3A_1426 = arith.constant 8 : index
      %get3A_1427 = memref.load %arg9[%get3A_1426] : memref<16xf32, #tpu.memory_space<smem>>
      %mul3A_1428 = arith.constant 2.000000e+00 : f32
      %mul3A_1429 = arith.mulf %mul3A_1428, %get3A_1427 : f32
      %add3A_1430 = arith.constant 1.000000e-07 : f32
      %add3A_1431 = arith.addf %mul3A_1429, %add3A_1430 : f32
      %get3A_1432 = arith.constant 8 : index
      %get3A_1433 = memref.load %arg10[%get3A_1432] : memref<16xf32, #tpu.memory_space<smem>>
      %get3A_1434 = arith.constant 8 : index
      %get3A_1435 = memref.load %arg11[%get3A_1434] : memref<16xf32, #tpu.memory_space<smem>>
      %add3A_1436 = arith.addf %get3A_1433, %get3A_1435 : f32
      %add3A_1437 = arith.constant 1.000000e-07 : f32
      %add3A_1438 = arith.addf %add3A_1436, %add3A_1437 : f32
      %div3A_1439 = arith.divf %add3A_1431, %add3A_1438 : f32
      %sub3A_1440 = arith.constant 1.000000e+00 : f32
      %sub3A_1441 = arith.subf %sub3A_1440, %div3A_1439 : f32
      %get3A_1442 = arith.constant 8 : index
      %get3A_1443 = memref.load %arg6[%get3A_1442] : memref<16xf32, #tpu.memory_space<smem>>
      %mul3A_1444 = arith.mulf %sub3A_1441, %get3A_1443 : f32
      %add3A_1445 = arith.addf %add3A_1422, %mul3A_1444 : f32
      %get3A_1446 = arith.constant 8 : index
      %get3A_1447 = memref.load %arg6[%get3A_1446] : memref<16xf32, #tpu.memory_space<smem>>
      %add3A_1448 = arith.addf %add3A_1425, %get3A_1447 : f32
      %get3A_1449 = arith.constant 9 : index
      %get3A_1450 = memref.load %arg9[%get3A_1449] : memref<16xf32, #tpu.memory_space<smem>>
      %mul3A_1451 = arith.constant 2.000000e+00 : f32
      %mul3A_1452 = arith.mulf %mul3A_1451, %get3A_1450 : f32
      %add3A_1453 = arith.constant 1.000000e-07 : f32
      %add3A_1454 = arith.addf %mul3A_1452, %add3A_1453 : f32
      %get3A_1455 = arith.constant 9 : index
      %get3A_1456 = memref.load %arg10[%get3A_1455] : memref<16xf32, #tpu.memory_space<smem>>
      %get3A_1457 = arith.constant 9 : index
      %get3A_1458 = memref.load %arg11[%get3A_1457] : memref<16xf32, #tpu.memory_space<smem>>
      %add3A_1459 = arith.addf %get3A_1456, %get3A_1458 : f32
      %add3A_1460 = arith.constant 1.000000e-07 : f32
      %add3A_1461 = arith.addf %add3A_1459, %add3A_1460 : f32
      %div3A_1462 = arith.divf %add3A_1454, %add3A_1461 : f32
      %sub3A_1463 = arith.constant 1.000000e+00 : f32
      %sub3A_1464 = arith.subf %sub3A_1463, %div3A_1462 : f32
      %get3A_1465 = arith.constant 9 : index
      %get3A_1466 = memref.load %arg6[%get3A_1465] : memref<16xf32, #tpu.memory_space<smem>>
      %mul3A_1467 = arith.mulf %sub3A_1464, %get3A_1466 : f32
      %add3A_1468 = arith.addf %add3A_1445, %mul3A_1467 : f32
      %get3A_1469 = arith.constant 9 : index
      %get3A_1470 = memref.load %arg6[%get3A_1469] : memref<16xf32, #tpu.memory_space<smem>>
      %add3A_1471 = arith.addf %add3A_1448, %get3A_1470 : f32
      %get3A_1472 = arith.constant 10 : index
      %get3A_1473 = memref.load %arg9[%get3A_1472] : memref<16xf32, #tpu.memory_space<smem>>
      %mul3A_1474 = arith.constant 2.000000e+00 : f32
      %mul3A_1475 = arith.mulf %mul3A_1474, %get3A_1473 : f32
      %add3A_1476 = arith.constant 1.000000e-07 : f32
      %add3A_1477 = arith.addf %mul3A_1475, %add3A_1476 : f32
      %get3A_1478 = arith.constant 10 : index
      %get3A_1479 = memref.load %arg10[%get3A_1478] : memref<16xf32, #tpu.memory_space<smem>>
      %get3A_1480 = arith.constant 10 : index
      %get3A_1481 = memref.load %arg11[%get3A_1480] : memref<16xf32, #tpu.memory_space<smem>>
      %add3A_1482 = arith.addf %get3A_1479, %get3A_1481 : f32
      %add3A_1483 = arith.constant 1.000000e-07 : f32
      %add3A_1484 = arith.addf %add3A_1482, %add3A_1483 : f32
      %div3A_1485 = arith.divf %add3A_1477, %add3A_1484 : f32
      %sub3A_1486 = arith.constant 1.000000e+00 : f32
      %sub3A_1487 = arith.subf %sub3A_1486, %div3A_1485 : f32
      %get3A_1488 = arith.constant 10 : index
      %get3A_1489 = memref.load %arg6[%get3A_1488] : memref<16xf32, #tpu.memory_space<smem>>
      %mul3A_1490 = arith.mulf %sub3A_1487, %get3A_1489 : f32
      %add3A_1491 = arith.addf %add3A_1468, %mul3A_1490 : f32
      %get3A_1492 = arith.constant 10 : index
      %get3A_1493 = memref.load %arg6[%get3A_1492] : memref<16xf32, #tpu.memory_space<smem>>
      %add3A_1494 = arith.addf %add3A_1471, %get3A_1493 : f32
      %get3A_1495 = arith.constant 11 : index
      %get3A_1496 = memref.load %arg9[%get3A_1495] : memref<16xf32, #tpu.memory_space<smem>>
      %mul3A_1497 = arith.constant 2.000000e+00 : f32
      %mul3A_1498 = arith.mulf %mul3A_1497, %get3A_1496 : f32
      %add3A_1499 = arith.constant 1.000000e-07 : f32
      %add3A_1500 = arith.addf %mul3A_1498, %add3A_1499 : f32
      %get3A_1501 = arith.constant 11 : index
      %get3A_1502 = memref.load %arg10[%get3A_1501] : memref<16xf32, #tpu.memory_space<smem>>
      %get3A_1503 = arith.constant 11 : index
      %get3A_1504 = memref.load %arg11[%get3A_1503] : memref<16xf32, #tpu.memory_space<smem>>
      %add3A_1505 = arith.addf %get3A_1502, %get3A_1504 : f32
      %add3A_1506 = arith.constant 1.000000e-07 : f32
      %add3A_1507 = arith.addf %add3A_1505, %add3A_1506 : f32
      %div3A_1508 = arith.divf %add3A_1500, %add3A_1507 : f32
      %sub3A_1509 = arith.constant 1.000000e+00 : f32
      %sub3A_1510 = arith.subf %sub3A_1509, %div3A_1508 : f32
      %get3A_1511 = arith.constant 11 : index
      %get3A_1512 = memref.load %arg6[%get3A_1511] : memref<16xf32, #tpu.memory_space<smem>>
      %mul3A_1513 = arith.mulf %sub3A_1510, %get3A_1512 : f32
      %add3A_1514 = arith.addf %add3A_1491, %mul3A_1513 : f32
      %get3A_1515 = arith.constant 11 : index
      %get3A_1516 = memref.load %arg6[%get3A_1515] : memref<16xf32, #tpu.memory_space<smem>>
      %add3A_1517 = arith.addf %add3A_1494, %get3A_1516 : f32
      %get3A_1518 = arith.constant 12 : index
      %get3A_1519 = memref.load %arg9[%get3A_1518] : memref<16xf32, #tpu.memory_space<smem>>
      %mul3A_1520 = arith.constant 2.000000e+00 : f32
      %mul3A_1521 = arith.mulf %mul3A_1520, %get3A_1519 : f32
      %add3A_1522 = arith.constant 1.000000e-07 : f32
      %add3A_1523 = arith.addf %mul3A_1521, %add3A_1522 : f32
      %get3A_1524 = arith.constant 12 : index
      %get3A_1525 = memref.load %arg10[%get3A_1524] : memref<16xf32, #tpu.memory_space<smem>>
      %get3A_1526 = arith.constant 12 : index
      %get3A_1527 = memref.load %arg11[%get3A_1526] : memref<16xf32, #tpu.memory_space<smem>>
      %add3A_1528 = arith.addf %get3A_1525, %get3A_1527 : f32
      %add3A_1529 = arith.constant 1.000000e-07 : f32
      %add3A_1530 = arith.addf %add3A_1528, %add3A_1529 : f32
      %div3A_1531 = arith.divf %add3A_1523, %add3A_1530 : f32
      %sub3A_1532 = arith.constant 1.000000e+00 : f32
      %sub3A_1533 = arith.subf %sub3A_1532, %div3A_1531 : f32
      %get3A_1534 = arith.constant 12 : index
      %get3A_1535 = memref.load %arg6[%get3A_1534] : memref<16xf32, #tpu.memory_space<smem>>
      %mul3A_1536 = arith.mulf %sub3A_1533, %get3A_1535 : f32
      %add3A_1537 = arith.addf %add3A_1514, %mul3A_1536 : f32
      %get3A_1538 = arith.constant 12 : index
      %get3A_1539 = memref.load %arg6[%get3A_1538] : memref<16xf32, #tpu.memory_space<smem>>
      %add3A_1540 = arith.addf %add3A_1517, %get3A_1539 : f32
      %get3A_1541 = arith.constant 13 : index
      %get3A_1542 = memref.load %arg9[%get3A_1541] : memref<16xf32, #tpu.memory_space<smem>>
      %mul3A_1543 = arith.constant 2.000000e+00 : f32
      %mul3A_1544 = arith.mulf %mul3A_1543, %get3A_1542 : f32
      %add3A_1545 = arith.constant 1.000000e-07 : f32
      %add3A_1546 = arith.addf %mul3A_1544, %add3A_1545 : f32
      %get3A_1547 = arith.constant 13 : index
      %get3A_1548 = memref.load %arg10[%get3A_1547] : memref<16xf32, #tpu.memory_space<smem>>
      %get3A_1549 = arith.constant 13 : index
      %get3A_1550 = memref.load %arg11[%get3A_1549] : memref<16xf32, #tpu.memory_space<smem>>
      %add3A_1551 = arith.addf %get3A_1548, %get3A_1550 : f32
      %add3A_1552 = arith.constant 1.000000e-07 : f32
      %add3A_1553 = arith.addf %add3A_1551, %add3A_1552 : f32
      %div3A_1554 = arith.divf %add3A_1546, %add3A_1553 : f32
      %sub3A_1555 = arith.constant 1.000000e+00 : f32
      %sub3A_1556 = arith.subf %sub3A_1555, %div3A_1554 : f32
      %get3A_1557 = arith.constant 13 : index
      %get3A_1558 = memref.load %arg6[%get3A_1557] : memref<16xf32, #tpu.memory_space<smem>>
      %mul3A_1559 = arith.mulf %sub3A_1556, %get3A_1558 : f32
      %add3A_1560 = arith.addf %add3A_1537, %mul3A_1559 : f32
      %get3A_1561 = arith.constant 13 : index
      %get3A_1562 = memref.load %arg6[%get3A_1561] : memref<16xf32, #tpu.memory_space<smem>>
      %add3A_1563 = arith.addf %add3A_1540, %get3A_1562 : f32
      %get3A_1564 = arith.constant 14 : index
      %get3A_1565 = memref.load %arg9[%get3A_1564] : memref<16xf32, #tpu.memory_space<smem>>
      %mul3A_1566 = arith.constant 2.000000e+00 : f32
      %mul3A_1567 = arith.mulf %mul3A_1566, %get3A_1565 : f32
      %add3A_1568 = arith.constant 1.000000e-07 : f32
      %add3A_1569 = arith.addf %mul3A_1567, %add3A_1568 : f32
      %get3A_1570 = arith.constant 14 : index
      %get3A_1571 = memref.load %arg10[%get3A_1570] : memref<16xf32, #tpu.memory_space<smem>>
      %get3A_1572 = arith.constant 14 : index
      %get3A_1573 = memref.load %arg11[%get3A_1572] : memref<16xf32, #tpu.memory_space<smem>>
      %add3A_1574 = arith.addf %get3A_1571, %get3A_1573 : f32
      %add3A_1575 = arith.constant 1.000000e-07 : f32
      %add3A_1576 = arith.addf %add3A_1574, %add3A_1575 : f32
      %div3A_1577 = arith.divf %add3A_1569, %add3A_1576 : f32
      %sub3A_1578 = arith.constant 1.000000e+00 : f32
      %sub3A_1579 = arith.subf %sub3A_1578, %div3A_1577 : f32
      %get3A_1580 = arith.constant 14 : index
      %get3A_1581 = memref.load %arg6[%get3A_1580] : memref<16xf32, #tpu.memory_space<smem>>
      %mul3A_1582 = arith.mulf %sub3A_1579, %get3A_1581 : f32
      %add3A_1583 = arith.addf %add3A_1560, %mul3A_1582 : f32
      %get3A_1584 = arith.constant 14 : index
      %get3A_1585 = memref.load %arg6[%get3A_1584] : memref<16xf32, #tpu.memory_space<smem>>
      %add3A_1586 = arith.addf %add3A_1563, %get3A_1585 : f32
      %get3A_1587 = arith.constant 15 : index
      %get3A_1588 = memref.load %arg9[%get3A_1587] : memref<16xf32, #tpu.memory_space<smem>>
      %mul3A_1589 = arith.constant 2.000000e+00 : f32
      %mul3A_1590 = arith.mulf %mul3A_1589, %get3A_1588 : f32
      %add3A_1591 = arith.constant 1.000000e-07 : f32
      %add3A_1592 = arith.addf %mul3A_1590, %add3A_1591 : f32
      %get3A_1593 = arith.constant 15 : index
      %get3A_1594 = memref.load %arg10[%get3A_1593] : memref<16xf32, #tpu.memory_space<smem>>
      %get3A_1595 = arith.constant 15 : index
      %get3A_1596 = memref.load %arg11[%get3A_1595] : memref<16xf32, #tpu.memory_space<smem>>
      %add3A_1597 = arith.addf %get3A_1594, %get3A_1596 : f32
      %add3A_1598 = arith.constant 1.000000e-07 : f32
      %add3A_1599 = arith.addf %add3A_1597, %add3A_1598 : f32
      %div3A_1600 = arith.divf %add3A_1592, %add3A_1599 : f32
      %sub3A_1601 = arith.constant 1.000000e+00 : f32
      %sub3A_1602 = arith.subf %sub3A_1601, %div3A_1600 : f32
      %get3A_1603 = arith.constant 15 : index
      %get3A_1604 = memref.load %arg6[%get3A_1603] : memref<16xf32, #tpu.memory_space<smem>>
      %mul3A_1605 = arith.mulf %sub3A_1602, %get3A_1604 : f32
      %add3A_1606 = arith.addf %add3A_1583, %mul3A_1605 : f32
      %get3A_1607 = arith.constant 15 : index
      %get3A_1608 = memref.load %arg6[%get3A_1607] : memref<16xf32, #tpu.memory_space<smem>>
      %add3A_1609 = arith.addf %add3A_1586, %get3A_1608 : f32
      %mul3A_1610 = arith.constant 1.000000e-01 : f32
      %mul3A_1611 = arith.mulf %mul3A_1610, %add3A_1239 : f32
      %div3A_1612 = arith.constant 4.000000e+00 : f32
      %div3A_1613 = arith.divf %mul3A_1611, %div3A_1612 : f32
      %div3A_1614 = arith.divf %add3A_1606, %add3A_1609 : f32
      %add3A_1615 = arith.addf %div3A_1613, %div3A_1614 : f32
      %swap3A_1616 = arith.constant 0 : index
      %swap3A_1617 = arith.constant 0 : index
      %swap3A_1618 = memref.load %arg7[%swap3A_1616, %swap3A_1617] : memref<1x1xf32, #tpu.memory_space<smem>>
      memref.store %add3A_1615, %arg7[%swap3A_1616, %swap3A_1617] : memref<1x1xf32, #tpu.memory_space<smem>>
    } else {
    }
    return
  }
  func.func @transform_0(%arg0: i32, %arg1: i32) -> (i32, i32, i32, i32) {
    %c0_i32 = arith.constant 0 : i32
    %c0_i32_0 = arith.constant 0 : i32
    %c0_i32_1 = arith.constant 0 : i32
    return %arg0, %c0_i32, %arg1, %c0_i32_0 : i32, i32, i32, i32
  }
  func.func @transform_1(%arg0: i32, %arg1: i32) -> (i32, i32, i32, i32) {
    %c0_i32 = arith.constant 0 : i32
    %c0_i32_0 = arith.constant 0 : i32
    %c0_i32_1 = arith.constant 0 : i32
    return %arg0, %c0_i32, %arg1, %c0_i32_0 : i32, i32, i32, i32
  }
  func.func @transform_2(%arg0: i32, %arg1: i32) -> i32 {
    %c0_i32 = arith.constant 0 : i32
    %c0_i32_0 = arith.constant 0 : i32
    return %c0_i32 : i32
  }
  func.func @transform_3(%arg0: i32, %arg1: i32) -> (i32, i32, i32) {
    %c0_i32 = arith.constant 0 : i32
    %c0_i32_0 = arith.constant 0 : i32
    return %arg0, %arg1, %c0_i32 : i32, i32, i32
  }
  func.func @transform_4(%arg0: i32, %arg1: i32) -> i32 {
    %c0_i32 = arith.constant 0 : i32
    %c0_i32_0 = arith.constant 0 : i32
    return %c0_i32 : i32
  }
  func.func @transform_5(%arg0: i32, %arg1: i32) -> (i32, i32) {
    %c0_i32 = arith.constant 0 : i32
    %c0_i32_0 = arith.constant 0 : i32
    %c0_i32_1 = arith.constant 0 : i32
    return %c0_i32, %c0_i32_0 : i32, i32
  }
  func.func @transform_6(%arg0: i32, %arg1: i32) -> (i32, i32, i32, i32) {
    %c0_i32 = arith.constant 0 : i32
    %c0_i32_0 = arith.constant 0 : i32
    %c0_i32_1 = arith.constant 0 : i32
    return %arg0, %c0_i32, %arg1, %c0_i32_0 : i32, i32, i32, i32
  }
}

</mosaic_0001>

<sc_bundles>
// kernel: kernel.4.cloned.1.call-start
scs
__scs_entry_jumppad:
0x0: {  	(pc) =	sbr.rel $0x88, $3  }
0x1: {  	(tag) =	ssettag $0x0;
	lr =	simm.s32 $0x1  }
0x2: {  	[smem:$0x3F9C] =	sst lr;
	_ =	strace $0xD0000000  }
0x3: {  	_ = 	snop  }
0x4: {  	_ = 	snop  }
0x5: {  	_ = 	snop  }
0x6: {  	_ = 	snop  }
0x7: {  	_ = 	snop  }
__scs_overlays_trampoline_lowered:
0x8: {  	[smem:$0x3FAB] =	sst s0  }
0x9: {  	[smem:$0x3FAC] =	sst s1  }
0xa: {  	[smem:$0x3FAD] =	sst s2  }
0xb: {  	[smem:$0x3FAE] =	sst s3  }
0xc: {  	[smem:$0x3FAF] =	sst s4  }
0xd: {  	[smem:$0x3FB0] =	sst s5  }
0xe: {  	[smem:$0x3FB1] =	sst s6  }
0xf: {  	[smem:$0x3FB2] =	sst s7  }
0x10: {  	[smem:$0x3FB3] =	sst s8  }
0x11: {  	[smem:$0x3FB4] =	sst s9;
	s0 =	simm.s32 @!p0 $0x0  }
0x12: {  	s1 =	sld [smem:$0x3F9A];
	s0 =	simm.s32 @p0 $0x1  }
0x13: {  	[smem:$0x3FB5] =	sst s0;
	s0 =	simm.s32 @!p1 $0x0  }
0x14: {  	s2 =	sld [smem:$0x3F99];
	s0 =	simm.s32 @p1 $0x1  }
0x15: {  	[smem:$0x3FB6] =	sst s0;
	s0 =	simm.s32 @!p2 $0x0  }
0x16: {  	s3 =	sld [smem:$0x3FDB];
	s0 =	simm.s32 @p2 $0x1  }
0x17: {  	s4 =	simm.s32 $0x1BF5;
	[smem:$0x3FB8] =	sst s0  }
0x18: {  	s0 =	sld [smem:$0x3F9B];
	_ =	swait.ge [sflag:s4], $0x0  }
0x19: {  	s7 =	sld [smem:$0x3F9C]  }
0x1a: {  	s8 =	sadd.s32 $0xFFFFE003, lr  }
0x1b: {  	s9 =	sadd.s32 $0xFFFFFEF7, lr;
	s5 =	simm.s32 $0xFFFFFFFF;
	p2 =	slt.u32 s8, $0xFFFFF086  }
0x1c: {  	p1 =	slt.u32 s9, $0xF7A;
	s5 =	simm.s32 @!p2 $0x0  }
0x1d: {  	s5 =	simm.s32 @p1 $0x1;
	p0 =	seq.s32 s7, s2  }
0x1e: {  	s7 =	smul.u32 @!p0 $0xF7A, s2;
	p2 =	seq.s32 @!p0 s5, $0x0  }
0x1f: {  	s9 =	smul.u32 $0xF7A, s1;
	s8 =	simm.s32 @!p0 $0x1BF5;
	p2 =	por !p2, p0  }
0x20: {  	[sflag:s8] =	ssyncset.s32 @!p0 $0xFFFFF086;
	s6 =	sadd.s32 @!p0 s3, s7;
	s7 =	simm.s32 @!p0 $0x108  }
0x21: {  	s3 =	sadd.s32 s3, s9;
	s6 =	sadd.s32 @!p0 $0x88, s6;
	s7 =	simm.s32 @p2 $0x1082  }
0x22: {  	[simem:s7], [sflag:s8] =	dma.local @!p0 [hbm:s6], $0xF7A  }
0x23: {  	s9 =	sor.u32 $0xD0000000, s2;
	s6 =	simm.s32 $0x108;
	_ =	swait.ge @!p0 [sflag:s8], $0x0  }
0x24: {  	s3 =	sadd.s32 $0x88, s3;
	s6 =	simm.s32 @!p1 $0x1082;
	[sflag:s4] =	ssyncset.s32 $0xFFFFF086  }
0x25: {  	[simem:s6], [sflag:s4] =	dma.local [hbm:s3], $0xF7A  }
0x26: {  	[smem:$0x3F9C] =	sst s1;
	(tag) =	ssettag s2;
	_ =	strace s9  }
0x27: {  	s1 =	sld [smem:$0x3FAC]  }
0x28: {  	s2 =	sld [smem:$0x3FAD]  }
0x29: {  	s4 =	sld [smem:$0x3FAF]  }
0x2a: {  	p0 =	seq.s32 s5, $0x0;
	s5 =	sld [smem:$0x3FB0]  }
0x2b: {  	s6 =	sld [smem:$0x3FB1]  }
0x2c: {  	s7 =	sld [smem:$0x3FB2]  }
0x2d: {  	s3 =	simm.s32 $0x108;
	s8 =	sld [smem:$0x3FB3]  }
0x2e: {  	s3 =	simm.s32 @!p0 $0x1082;
	s9 =	sld [smem:$0x3FB4]  }
0x2f: {  	lr =	sadd.s32 s0, s3;
	s0 =	sld [smem:$0x3FAB]  }
0x30: {  	s3 =	sld [smem:$0x3FAE]  }
0x31: {  	[smem:$0x3FB7] =	sst s10  }
0x32: {  	s10 =	sld [smem:$0x3FB5];
	_ =	sdelay $0x3  }
0x33: {  	p0 =	seq.s32 s10, $0x1;
	s10 =	sld [smem:$0x3FB7];
	_ =	sdelay $0x3  }
0x34: {  	[smem:$0x3FB7] =	sst s10  }
0x35: {  	s10 =	sld [smem:$0x3FB6];
	_ =	sdelay $0x3  }
0x36: {  	p1 =	seq.s32 s10, $0x1;
	s10 =	sld [smem:$0x3FB7];
	_ =	sdelay $0x3  }
0x37: {  	[smem:$0x3FB7] =	sst s10  }
0x38: {  	s10 =	sld [smem:$0x3FB8]  }
0x39: {  	_ = 	snop;
	(pc) =	sbr.ind lr, $3  }
0x3a: {  	_ = 	snop  }
0x3b: {  	_ = 	snop  }
0x3c: {  	p2 =	seq.s32 s10, $0x1;
	s10 =	sld [smem:$0x3FB7]  }
0x3d: {  	_ =	shalt  }
0x3e: {  	_ =	shalt  }
0x3f: {  	_ =	shalt  }
0x40: {  	_ =	shalt  }
0x41: {  	_ =	shalt  }
0x42: {  	_ =	shalt  }
0x43: {  	_ =	shalt  }
0x44: {  	_ =	shalt  }
0x45: {  	_ =	shalt  }
0x46: {  	_ =	shalt  }
0x47: {  	_ =	shalt  }
0x48: {  	_ =	shalt  }
0x49: {  	_ =	shalt  }
0x4a: {  	_ =	shalt  }
0x4b: {  	_ =	shalt  }
0x4c: {  	_ =	shalt  }
0x4d: {  	_ =	shalt  }
0x4e: {  	_ =	shalt  }
0x4f: {  	_ =	shalt  }
0x50: {  	_ =	shalt  }
0x51: {  	_ =	shalt  }
0x52: {  	_ =	shalt  }
0x53: {  	_ =	shalt  }
0x54: {  	_ =	shalt  }
0x55: {  	_ =	shalt  }
0x56: {  	_ =	shalt  }
0x57: {  	_ =	shalt  }
0x58: {  	_ =	shalt  }
0x59: {  	_ =	shalt  }
0x5a: {  	_ =	shalt  }
0x5b: {  	_ =	shalt  }
0x5c: {  	_ =	shalt  }
0x5d: {  	_ =	shalt  }
0x5e: {  	_ =	shalt  }
0x5f: {  	_ =	shalt  }
0x60: {  	_ =	shalt  }
0x61: {  	_ =	shalt  }
0x62: {  	_ =	shalt  }
0x63: {  	_ =	shalt  }
0x64: {  	_ =	shalt  }
0x65: {  	_ =	shalt  }
0x66: {  	_ =	shalt  }
0x67: {  	_ =	shalt  }
0x68: {  	_ =	shalt  }
0x69: {  	_ =	shalt  }
0x6a: {  	_ =	shalt  }
0x6b: {  	_ =	shalt  }
0x6c: {  	_ =	shalt  }
0x6d: {  	_ =	shalt  }
0x6e: {  	_ =	shalt  }
0x6f: {  	_ =	shalt  }
0x70: {  	_ =	shalt  }
0x71: {  	_ =	shalt  }
0x72: {  	_ =	shalt  }
0x73: {  	_ =	shalt  }
0x74: {  	_ =	shalt  }
0x75: {  	_ =	shalt  }
0x76: {  	_ =	shalt  }
0x77: {  	_ =	shalt  }
0x78: {  	_ =	shalt  }
0x79: {  	_ =	shalt  }
0x7a: {  	_ =	shalt  }
0x7b: {  	_ =	shalt  }
0x7c: {  	_ =	shalt  }
0x7d: {  	_ =	shalt  }
0x7e: {  	_ =	shalt  }
0x7f: {  	_ =	shalt  }
0x80: {  	_ =	shalt  }
0x81: {  	_ =	shalt  }
0x82: {  	_ =	shalt  }
0x83: {  	_ =	shalt  }
0x84: {  	_ =	shalt  }
0x85: {  	_ =	shalt  }
0x86: {  	_ =	shalt  }
0x87: {  	_ =	shalt  }
.Lfunc_end0:
.L_simem_size_0:
called_computation_lowered:
.L_overlay_start_0:
0x88: {  	s2 =	sld [smem:$0x3FD9]  }
0x89: {  	s3 =	sld [smem:$0x3FFE];
	_ =	sdelay $0x1  }
0x8a: {  	s1 =	srdreg.scid  }
0x8b: {  	s0 =	sand.u32 $0x1, s1  }
0x8c: {  	s14 =	sshll.u32 s0, $0xA;
	s2 =	sadd.s32 s3, s2  }
0x8d: {  	s2 =	sadd.s32 s2, s14  }
0x8e: {  	[smem:$0x3FC3] =	sst s2  }
0x8f: {  	_ = 	snop  }
0x90: {  	s2 =	sld [smem:$0x3FD0];
	_ =	sdelay $0x2  }
0x91: {  	s15 =	simm.s32 $0xA;
	s4 =	simm.s32 $0x10  }
0x92: {  	[smem:s4], [sflag:s15] =	dma.local [hbm:s2], $0x1  }
0x93: {  	_ =	swait.eq [sflag:s15], $0x1  }
0x94: {  	[sflag:s15] =	ssyncset.done $0x0  }
0x95: {  	[sflag:s15] =	ssyncadd.s32 $0xFFFFFFFF  }
0x96: {  	s16 =	sld [smem:$0x12];
	(tm) =	ssettm $0x1  }
0x97: {  	s17 =	sld [smem:$0x3FFB];
	_ =	sdelay $0x3  }
0x98: {  	_ =	strace s17  }
0x99: {  	s3 =	sld [smem:$0x3FFC];
	_ =	sdelay $0x3  }
0x9a: {  	_ =	strace s3  }
0x9b: {  	s3 =	sld [smem:$0x3FFD];
	_ =	sdelay $0x3  }
0x9c: {  	_ =	strace s3  }
0x9d: {  	_ =	strace $0x8FFFFFFF  }
0x9e: {  	s18 =	sld [smem:$0x3FDB];
	_ =	sdelay $0x1  }
0x9f: {  	s19 =	simm.s32 $_scs_section_size  }
0xa0: {  	s5 =	simm.s32 $_size__tile_overlayer_lowered;
	s6 =	simm.s32 $_tile_overlayer_lowered  }
0xa1: {  	s22 =	simm.s32 $0x1BFF;
	s21 =	sshll.u32 s6, $0x1;
	s3 =	sadd.s32 s19, s18  }
0xa2: {  	s7 =	simm.s32 $0x0;
	s20 =	sshll.u32 s5, $0x1;
	s5 =	sadd.s32 s21, s3  }
0xa3: {  	[timem:s7], [sflag:s22] =	dma.local [hbm:s5], s20  }
0xa4: {  	_ =	swait.ge [sflag:s22], s20  }
0xa5: {  	s4 =	ssub.s32 $0x0, s20;
	[sflag:s22] =	ssyncset.done $0x0  }
0xa6: {  	[sflag:s22] =	ssyncadd.s32 s4;
	_ =	sdelay $0x1  }
0xa7: {  	s23 =	simm.s32 $0x1B8B  }
0xa8: {  	_ =	swait.ge [sflag:s23], $0x1  }
0xa9: {  	[sflag:s23] =	ssyncset.done $0x0  }
0xaa: {  	s25 =	simm.s32 $0x1B8E;
	s24 =	sld [smem:$0x3FFE];
	[sflag:s23] =	ssyncadd.s32 $0xFFFFFFFF  }
0xab: {  	s26 =	simm.s32 $execute0_lowered;
	[smem:$0x3FD2] =	sst s25  }
0xac: {  	s5 =	sshll.u32 s26, $0x1;
	_ =	strace $0x80000046;
	[dreg:$0x1] =	wrdreg $0xFFFFFFFF  }
0xad: {  	s28 =	simm.s32 $_size_execute0_lowered;
	s3 =	sadd.s32 s3, s5;
	[dreg:$0x0] =	wrdreg $0x0  }
0xae: {  	s5 =	sshll.u32 s28, $0x1;
	[dreg:$0x2] =	wrdreg s3  }
0xaf: {  	[dreg:$0x3] =	wrdreg s5  }
0xb0: {  	[dreg:$0x4] =	wrdreg $0xC0  }
0xb1: {  	_ =	task [dreg:s7], $0x5FFFF  }
0xb2: {  	[dreg:$0x1] =	wrdreg $0xFFFFFFFF  }
0xb3: {  	[dreg:$0x0] =	wrdreg $0x60  }
0xb4: {  	[dreg:$0x2] =	wrdreg s16  }
0xb5: {  	[dreg:$0x3] =	wrdreg s24  }
0xb6: {  	[dreg:$0x4] =	wrdreg $0x9  }
0xb7: {  	_ =	task.clear_ibuf [dreg:s7], $0x5FFFF;
	_ =	strace $0x90000046  }
0xb8: {  	s29 =	simm.s32 $0x9;
	_ =	strace $0x80000048  }
0xb9: {  	_ =	swait.ge [sflag:s29], $0x1  }
0xba: {  	[sflag:s29] =	ssyncadd.s32 $0xFFFFFFFF  }
0xbb: {  	_ =	strace $0x90000048  }
0xbc: {  	_ =	sfence  }
0xbd: {  	s30 =	sld [smem:$0x0];
	_ =	sdelay $0x2  }
0xbe: {  	s31 =	sshll.u32 s1, $0xD;
	s1 =	sshrl.u32 s1, $0x2  }
0xbf: {  	s3 =	sand.u32 $0x4000, s31;
	s1 =	sadd.s32 s1, s30  }
0xc0: {  	s0 =	sor.u32 s3, s0;
	s1 =	sshll.u32 s1, $0x11  }
0xc1: {  	s0 =	sor.u32 s1, s0  }
0xc2: {  	s0 =	sadd.s32 $0x8F2B, s0  }
0xc3: {  	[sflag:s0] =	ssyncadd.remote.s32 $0x1  }
0xc4: {  	_ =	sfence.sel $0xFFFF  }
0xc5: {  	[dreg:$0x0] =	wrdreg $0xFFFFFFFF;
	(pc) =	sbr.abs _section_cstart, $3  }
0xc6: {  	[dreg:$0x1] =	wrdreg $0xFFFFFFFF  }
0xc7: {  	_ =	task.clear_ibuf [dreg:s7], $0x2FFFF;
	_ =	strace $0x9FFFFFFF  }
0xc8: {  	(tm) =	ssettm $0x7FFFFFFF  }
0xc9: {  	_ =	shalt  }
tec
execute0_lowered:
.L_overlay_start_1:
0x0: {  	(tag) =	ssettag $0x1  }
0x1: {  	s0 =	rddreg [dreg:$0x1];
	s3 =	simm.s32 $0x0;
	s1 =	srdreg.scid  }
0x2: {  	s6 =	stileid.u32;
	s8 =	simm.s32 $0x1;
	s16 =	simm.s32 $0x4F80  }
0x3: {  	s17 =	simm.s32 $0x5380;
	s18 =	simm.s32 $0x5780;
	s19 =	simm.s32 $0x5B80  }
0x4: {  	s20 =	simm.s32 $0x5F80;
	s21 =	simm.s32 $0x6380;
	s22 =	simm.s32 $0x6780  }
0x5: {  	s23 =	simm.s32 $0x6B80;
	s28 =	simm.s32 $0x7B80;
	s29 =	simm.s32 $0x7F80  }
0x6: {  	s30 =	simm.s32 $0x8380;
	s31 =	simm.s32 $0x8780;
	[smem:$0x7FF] =	sst s3  }
0x7: {  	s1 =	sand.u32 $0x1, s1;
	s5 =	sshll.u32 s6, $0x1;
	s4 =	sadd.s32 $0x200, s0  }
0x8: {  	s25 =	sshrl.u32 s6, $0x1;
	s2 =	ssub.s32 $0x2, s1;
	s5 =	sand.u32 $0x2, s5  }
0x9: {  	_ =	strace $0x80000047;
	s24 =	sshrl.u32 s2, $0x1;
	s1 =	sor.u32 s1, s5  }
0xa: {  	s26 =	sshll.u32 s25, $0x12;
	s0 =	ssub.s32 s2, s24;
	s1 =	sshll.u32 s1, $0x10  }
0xb: {  	s2 =	sshll.u32 s25, $0x16;
	s24 =	simm.s32 $0x6F80;
	s25 =	simm.s32 $0x7380  }
0xc: {  	s5 =	sor.u32 s26, s1;
	s6 =	sor.u32 s2, s1;
	s0 =	smax.u32 s0, $0x1  }
0xd: {  	v0 =	vimm.f32 $0.0e+00;
	s26 =	simm.s32 $0x7780;
	s1 =	simm.s32 $0x0;
	[dreg:$0x3] =	wrdreg s0  }
.LBB2_1:
0xe: {  	[dreg:$0x4] =	wrdreg s1;
	s0 =	simm.s32 $0x0  }
.LBB2_2:
0xf: {  	s2 =	sshll.u32 s0, $0xB  }
0x10: {  	s1 =	sadd.s32 s5, s2  }
0x11: {  	s7 =	rddreg [dreg:$0x0];
	s1 =	sshrl.u32 s1, $0x3  }
0x12: {  	s7 =	sadd.s32 s7, s1;
	s1 =	simm.s32 $0x0  }
0x13: {  	[tilespmem:s1], [sflag:$0x1] =	stream.linear.gather [hbm4b:s7+s1], $0x800, $0x38;
	[tilespmem:$0x8800] =	vst v63  }
0x14: {  	_ =	swait.ge [sflag:s8], $0x800  }
0x15: {  	[sflag:s8] =	ssyncset.done $0x0  }
0x16: {  	[sflag:s8] =	ssyncadd.s32 $0xFFFFF800  }
0x17: {  	v1 =	vld [tilespmem:s1+$0x0];
	_ =	sdelay $0x4  }
0x18: {  	s14 =	sand.u32 $0x70, s1;
	s9 =	sand.u32 $0x3C00, s1;
	vm0 =	veq.s32 v1, $0x0;
	vm1 =	veq.s32 v1, $0x1;
	vm2 =	veq.s32 v1, $0x6  }
0x19: {  	s11 =	sand.u32 $0x7, s1;
	s7 =	sor.u32 s14, s9;
	v2 =	vsel vm0, $0x3F800000, v0;
	v3 =	vsel vm1, $0x3F800000, v0;
	vm0 =	veq.s32 v1, $0x3  }
0x1a: {  	s10 =	simm.s32 $0x10;
	s15 =	sshll.u32 s11, $0x4;
	vm1 =	veq.s32 v1, $0x2;
	[tilespmem:s7+$0x800] =	vst v2;
	v4 =	vsel vm0, $0x3F800000, v0;
	v2 =	vsel vm2, $0x3F800000, v0  }
0x1b: {  	s12 =	simm.s32 $0x0;
	s11 =	simm.s32 $0x0;
	s9 =	sadd.s32 $0x0, s15;
	[tilespmem:s7+$0x880] =	vst v3;
	v3 =	vsel vm1, $0x3F800000, v0;
	vm1 =	veq.s32 v1, $0x4;
	vm0 =	veq.s32 v1, $0x5  }
.LBB2_3:
0x1c: {  	s1 =	sadd.s32 $0x80, s1  }
0x1d: {  	[tilespmem:s7+$0x980] =	vst v4;
	v4 =	vsel vm1, $0x3F800000, v0;
	v5 =	vsel vm0, $0x3F800000, v0;
	vm0 =	veq.s32 v1, $0x7;
	s11 =	sadd.s32 $0x1, s11;
	s12 =	sadd.s32 $0x10, s12;
	s13 =	smov.u32 s10  }
0x1e: {  	p0 =	sne.s32 s10, $0x7F0;
	s10 =	sadd.s32 $0x10, s10;
	vm1 =	veq.s32 v1, $0x8;
	vm2 =	veq.s32 v1, $0xA;
	vm3 =	veq.s32 v1, $0xF;
	s14 =	sand.u32 $0x7, s11;
	[tilespmem:s7+$0x900] =	vst v3  }
0x1f: {  	vm4 =	veq.s32 v1, $0x9;
	vm5 =	veq.s32 v1, $0xC;
	vm6 =	veq.s32 v1, $0xE;
	s14 =	sshll.u32 s14, $0x4;
	[tilespmem:s7+$0xB00] =	vst v2  }
0x20: {  	vm7 =	veq.s32 v1, $0xB;
	vm8 =	veq.s32 v1, $0xD;
	s14 =	sadd.s32 s14, s1;
	[tilespmem:s7+$0xA00] =	vst v4  }
0x21: {  	s15 =	sor.u32 $0x380, s9;
	v1 =	vsel vm0, $0x3F800000, v0;
	[tilespmem:s7+$0xA80] =	vst v5;
	s9 =	smov.u32 s14  }
0x22: {  	[tilespmem:s15+$0x800] =	vst v1;
	v1 =	vsel vm1, $0x3F800000, v0  }
0x23: {  	[tilespmem:s7+$0x4800] =	vst v1;
	v1 =	vsel vm3, $0x3F800000, v0  }
0x24: {  	v2 =	vsel vm2, $0x3F800000, v0;
	[tilespmem:s7+$0x4B80] =	vst v1  }
0x25: {  	v1 =	vsel vm6, $0x3F800000, v0;
	[tilespmem:s7+$0x4900] =	vst v2  }
0x26: {  	v2 =	vsel vm4, $0x3F800000, v0;
	[tilespmem:s7+$0x4B00] =	vst v1  }
0x27: {  	v1 =	vsel vm5, $0x3F800000, v0;
	[tilespmem:s7+$0x4880] =	vst v2;
	v2 =	vsel vm8, $0x3F800000, v0  }
0x28: {  	v3 =	vsel vm7, $0x3F800000, v0;
	[tilespmem:s7+$0x4A00] =	vst v1  }
0x29: {  	[tilespmem:s7+$0x4A80] =	vst v2  }
0x2a: {  	[tilespmem:s7+$0x4980] =	vst v3  }
0x2b: {  	v1 =	vld [tilespmem:s12+$0x0];
	_ =	sdelay $0x3  }
.Ltmp0:
0x2c: {  	(pc) =	sbr.rel @p0 .LBB2_3-.Ltmp0, $4  }
0x2d: {  	s7 =	sand.u32 $0x70, s13;
	s13 =	sand.u32 $0x3C00, s1;
	vm0 =	veq.s32 v1, $0x0;
	vm1 =	veq.s32 v1, $0x1;
	vm2 =	veq.s32 v1, $0x6  }
0x2e: {  	s7 =	sor.u32 s7, s13;
	v2 =	vsel vm0, $0x3F800000, v0;
	v3 =	vsel vm1, $0x3F800000, v0;
	vm0 =	veq.s32 v1, $0x3  }
0x2f: {  	vm1 =	veq.s32 v1, $0x2;
	[tilespmem:s7+$0x800] =	vst v2;
	v4 =	vsel vm0, $0x3F800000, v0;
	v2 =	vsel vm2, $0x3F800000, v0  }
0x30: {  	vm0 =	veq.s32 v1, $0x5;
	[tilespmem:s7+$0x880] =	vst v3;
	v3 =	vsel vm1, $0x3F800000, v0;
	vm1 =	veq.s32 v1, $0x4  }
0x31: {  	[tilespmem:s7+$0x980] =	vst v4  }
0x32: {  	[tilespmem:s7+$0x900] =	vst v3  }
0x33: {  	v3 =	vsel vm1, $0x3F800000, v0;
	[tilespmem:s7+$0xB00] =	vst v2  }
0x34: {  	v2 =	vsel vm0, $0x3F800000, v0;
	vm7 =	veq.s32 v1, $0x7;
	[tilespmem:s7+$0xA00] =	vst v3  }
0x35: {  	vm8 =	veq.s32 v1, $0x8;
	s1 =	sor.u32 $0x380, s9;
	vm9 =	veq.s32 v1, $0xF;
	[tilespmem:s7+$0xA80] =	vst v2;
	v2 =	vsel vm7, $0x3F800000, v0  }
0x36: {  	vm10 =	veq.s32 v1, $0xA;
	vm11 =	veq.s32 v1, $0xE;
	[tilespmem:s1+$0x800] =	vst v2;
	v2 =	vsel vm8, $0x3F800000, v0  }
0x37: {  	vm12 =	veq.s32 v1, $0x9;
	vm14 =	veq.s32 v1, $0xD;
	v3 =	vsel vm10, $0x3F800000, v0;
	[tilespmem:s7+$0x4800] =	vst v2  }
0x38: {  	vm13 =	veq.s32 v1, $0xC;
	vm15 =	veq.s32 v1, $0xB;
	v1 =	vsel vm14, $0x3F800000, v0;
	[tilespmem:s7+$0x4900] =	vst v3  }
0x39: {  	v2 =	vsel vm9, $0x3F800000, v0;
	[tilespmem:s7+$0x4A80] =	vst v1  }
0x3a: {  	v3 =	vsel vm12, $0x3F800000, v0;
	[tilespmem:s7+$0x4B80] =	vst v2  }
0x3b: {  	v2 =	vsel vm11, $0x3F800000, v0;
	[tilespmem:s7+$0x4880] =	vst v3  }
0x3c: {  	s10 =	sadd.s32 s6, s2;
	[tilespmem:s7+$0x4B00] =	vst v2;
	v2 =	vsel vm13, $0x3F800000, v0  }
0x3d: {  	s2 =	sshrl.u32 s10, $0x3;
	[tilespmem:s7+$0x4A00] =	vst v2;
	v2 =	vsel vm15, $0x3F800000, v0  }
0x3e: {  	s11 =	simm.s32 $0x800;
	s1 =	sadd.s32 s4, s2;
	[tilespmem:s7+$0x4980] =	vst v2  }
0x3f: {  	[hbm4b:s1+s3] =	stream.linear.scatter [tilespmem:s11], [sflag:$0x1], $0x80, $0x38;
	[tilespmem:$0x8800] =	vst v63  }
0x40: {  	s13 =	simm.s32 $0xC00;
	s12 =	sadd.s32 $0x10, s1  }
0x41: {  	[hbm4b:s12+s3] =	stream.linear.scatter [tilespmem:s13], [sflag:$0x1], $0x80, $0x38;
	[tilespmem:$0x8800] =	vst v63  }
0x42: {  	s15 =	simm.s32 $0x1000;
	s14 =	sadd.s32 $0x20, s1  }
0x43: {  	[hbm4b:s14+s3] =	stream.linear.scatter [tilespmem:s15], [sflag:$0x1], $0x80, $0x38;
	[tilespmem:$0x8800] =	vst v63  }
0x44: {  	s10 =	sadd.s32 $0x30, s1;
	s11 =	simm.s32 $0x1400  }
0x45: {  	[hbm4b:s10+s3] =	stream.linear.scatter [tilespmem:s11], [sflag:$0x1], $0x80, $0x38;
	[tilespmem:$0x8800] =	vst v63  }
0x46: {  	s12 =	sadd.s32 $0x40, s1;
	s13 =	simm.s32 $0x1800  }
0x47: {  	[hbm4b:s12+s3] =	stream.linear.scatter [tilespmem:s13], [sflag:$0x1], $0x80, $0x38;
	[tilespmem:$0x8800] =	vst v63  }
0x48: {  	s14 =	sadd.s32 $0x50, s1;
	s15 =	simm.s32 $0x1C00  }
0x49: {  	[hbm4b:s14+s3] =	stream.linear.scatter [tilespmem:s15], [sflag:$0x1], $0x80, $0x38;
	[tilespmem:$0x8800] =	vst v63  }
0x4a: {  	s10 =	sadd.s32 $0x60, s1;
	s11 =	simm.s32 $0x2000  }
0x4b: {  	[hbm4b:s10+s3] =	stream.linear.scatter [tilespmem:s11], [sflag:$0x1], $0x80, $0x38;
	[tilespmem:$0x8800] =	vst v63  }
0x4c: {  	s12 =	sadd.s32 $0x70, s1;
	s13 =	simm.s32 $0x2400  }
0x4d: {  	[hbm4b:s12+s3] =	stream.linear.scatter [tilespmem:s13], [sflag:$0x1], $0x80, $0x38;
	[tilespmem:$0x8800] =	vst v63  }
0x4e: {  	s14 =	sadd.s32 $0x80, s1;
	s15 =	simm.s32 $0x2800  }
0x4f: {  	[hbm4b:s14+s3] =	stream.linear.scatter [tilespmem:s15], [sflag:$0x1], $0x80, $0x38;
	[tilespmem:$0x8800] =	vst v63  }
0x50: {  	s10 =	sadd.s32 $0x90, s1;
	s11 =	simm.s32 $0x2C00  }
0x51: {  	[hbm4b:s10+s3] =	stream.linear.scatter [tilespmem:s11], [sflag:$0x1], $0x80, $0x38;
	[tilespmem:$0x8800] =	vst v63  }
0x52: {  	s12 =	sadd.s32 $0xA0, s1;
	s13 =	simm.s32 $0x3000  }
0x53: {  	[hbm4b:s12+s3] =	stream.linear.scatter [tilespmem:s13], [sflag:$0x1], $0x80, $0x38;
	[tilespmem:$0x8800] =	vst v63  }
0x54: {  	s14 =	sadd.s32 $0xB0, s1;
	s15 =	simm.s32 $0x3400  }
0x55: {  	[hbm4b:s14+s3] =	stream.linear.scatter [tilespmem:s15], [sflag:$0x1], $0x80, $0x38;
	[tilespmem:$0x8800] =	vst v63  }
0x56: {  	s10 =	sadd.s32 $0xC0, s1;
	s11 =	simm.s32 $0x3800  }
0x57: {  	[hbm4b:s10+s3] =	stream.linear.scatter [tilespmem:s11], [sflag:$0x1], $0x80, $0x38;
	[tilespmem:$0x8800] =	vst v63  }
0x58: {  	s12 =	sadd.s32 $0xD0, s1;
	s13 =	simm.s32 $0x3C00  }
0x59: {  	[hbm4b:s12+s3] =	stream.linear.scatter [tilespmem:s13], [sflag:$0x1], $0x80, $0x38;
	[tilespmem:$0x8800] =	vst v63  }
0x5a: {  	s14 =	sadd.s32 $0xE0, s1;
	s15 =	simm.s32 $0x4000  }
0x5b: {  	[hbm4b:s14+s3] =	stream.linear.scatter [tilespmem:s15], [sflag:$0x1], $0x80, $0x38;
	[tilespmem:$0x8800] =	vst v63  }
0x5c: {  	s9 =	simm.s32 $0x4400;
	s1 =	sadd.s32 $0xF0, s1  }
0x5d: {  	[hbm4b:s1+s3] =	stream.linear.scatter [tilespmem:s9], [sflag:$0x1], $0x80, $0x38;
	[tilespmem:$0x8800] =	vst v63  }
0x5e: {  	_ =	swait.ge [sflag:s8], $0x800  }
0x5f: {  	s10 =	sor.u32 $0x8000, s2;
	[sflag:s8] =	ssyncset.done $0x0  }
0x60: {  	s11 =	simm.s32 $0x880;
	s1 =	sadd.s32 s4, s10;
	[sflag:s8] =	ssyncadd.s32 $0xFFFFF800  }
0x61: {  	[hbm4b:s1+s3] =	stream.linear.scatter [tilespmem:s11], [sflag:$0x1], $0x80, $0x38;
	[tilespmem:$0x8800] =	vst v63  }
0x62: {  	s13 =	simm.s32 $0xC80;
	s12 =	sadd.s32 $0x10, s1  }
0x63: {  	[hbm4b:s12+s3] =	stream.linear.scatter [tilespmem:s13], [sflag:$0x1], $0x80, $0x38;
	[tilespmem:$0x8800] =	vst v63  }
0x64: {  	s15 =	simm.s32 $0x1080;
	s14 =	sadd.s32 $0x20, s1  }
0x65: {  	[hbm4b:s14+s3] =	stream.linear.scatter [tilespmem:s15], [sflag:$0x1], $0x80, $0x38;
	[tilespmem:$0x8800] =	vst v63  }
0x66: {  	s10 =	sadd.s32 $0x30, s1;
	s11 =	simm.s32 $0x1480  }
0x67: {  	[hbm4b:s10+s3] =	stream.linear.scatter [tilespmem:s11], [sflag:$0x1], $0x80, $0x38;
	[tilespmem:$0x8800] =	vst v63  }
0x68: {  	s12 =	sadd.s32 $0x40, s1;
	s13 =	simm.s32 $0x1880  }
0x69: {  	[hbm4b:s12+s3] =	stream.linear.scatter [tilespmem:s13], [sflag:$0x1], $0x80, $0x38;
	[tilespmem:$0x8800] =	vst v63  }
0x6a: {  	s14 =	sadd.s32 $0x50, s1;
	s15 =	simm.s32 $0x1C80  }
0x6b: {  	[hbm4b:s14+s3] =	stream.linear.scatter [tilespmem:s15], [sflag:$0x1], $0x80, $0x38;
	[tilespmem:$0x8800] =	vst v63  }
0x6c: {  	s10 =	sadd.s32 $0x60, s1;
	s11 =	simm.s32 $0x2080  }
0x6d: {  	[hbm4b:s10+s3] =	stream.linear.scatter [tilespmem:s11], [sflag:$0x1], $0x80, $0x38;
	[tilespmem:$0x8800] =	vst v63  }
0x6e: {  	s12 =	sadd.s32 $0x70, s1;
	s13 =	simm.s32 $0x2480  }
0x6f: {  	[hbm4b:s12+s3] =	stream.linear.scatter [tilespmem:s13], [sflag:$0x1], $0x80, $0x38;
	[tilespmem:$0x8800] =	vst v63  }
0x70: {  	s14 =	sadd.s32 $0x80, s1;
	s15 =	simm.s32 $0x2880  }
0x71: {  	[hbm4b:s14+s3] =	stream.linear.scatter [tilespmem:s15], [sflag:$0x1], $0x80, $0x38;
	[tilespmem:$0x8800] =	vst v63  }
0x72: {  	s10 =	sadd.s32 $0x90, s1;
	s11 =	simm.s32 $0x2C80  }
0x73: {  	[hbm4b:s10+s3] =	stream.linear.scatter [tilespmem:s11], [sflag:$0x1], $0x80, $0x38;
	[tilespmem:$0x8800] =	vst v63  }
0x74: {  	s12 =	sadd.s32 $0xA0, s1;
	s13 =	simm.s32 $0x3080  }
0x75: {  	[hbm4b:s12+s3] =	stream.linear.scatter [tilespmem:s13], [sflag:$0x1], $0x80, $0x38;
	[tilespmem:$0x8800] =	vst v63  }
0x76: {  	s14 =	sadd.s32 $0xB0, s1;
	s15 =	simm.s32 $0x3480  }
0x77: {  	[hbm4b:s14+s3] =	stream.linear.scatter [tilespmem:s15], [sflag:$0x1], $0x80, $0x38;
	[tilespmem:$0x8800] =	vst v63  }
0x78: {  	s10 =	sadd.s32 $0xC0, s1;
	s11 =	simm.s32 $0x3880  }
0x79: {  	[hbm4b:s10+s3] =	stream.linear.scatter [tilespmem:s11], [sflag:$0x1], $0x80, $0x38;
	[tilespmem:$0x8800] =	vst v63  }
0x7a: {  	s12 =	sadd.s32 $0xD0, s1;
	s13 =	simm.s32 $0x3C80  }
0x7b: {  	[hbm4b:s12+s3] =	stream.linear.scatter [tilespmem:s13], [sflag:$0x1], $0x80, $0x38;
	[tilespmem:$0x8800] =	vst v63  }
0x7c: {  	s14 =	sadd.s32 $0xE0, s1;
	s15 =	simm.s32 $0x4080  }
0x7d: {  	[hbm4b:s14+s3] =	stream.linear.scatter [tilespmem:s15], [sflag:$0x1], $0x80, $0x38;
	[tilespmem:$0x8800] =	vst v63  }
0x7e: {  	s9 =	simm.s32 $0x4480;
	s1 =	sadd.s32 $0xF0, s1  }
0x7f: {  	[hbm4b:s1+s3] =	stream.linear.scatter [tilespmem:s9], [sflag:$0x1], $0x80, $0x38;
	[tilespmem:$0x8800] =	vst v63  }
0x80: {  	_ =	swait.ge [sflag:s8], $0x800  }
0x81: {  	s10 =	sor.u32 $0x10000, s2;
	[sflag:s8] =	ssyncset.done $0x0  }
0x82: {  	s11 =	simm.s32 $0x900;
	s1 =	sadd.s32 s4, s10;
	[sflag:s8] =	ssyncadd.s32 $0xFFFFF800  }
0x83: {  	[hbm4b:s1+s3] =	stream.linear.scatter [tilespmem:s11], [sflag:$0x1], $0x80, $0x38;
	[tilespmem:$0x8800] =	vst v63  }
0x84: {  	s13 =	simm.s32 $0xD00;
	s12 =	sadd.s32 $0x10, s1  }
0x85: {  	[hbm4b:s12+s3] =	stream.linear.scatter [tilespmem:s13], [sflag:$0x1], $0x80, $0x38;
	[tilespmem:$0x8800] =	vst v63  }
0x86: {  	s15 =	simm.s32 $0x1100;
	s14 =	sadd.s32 $0x20, s1  }
0x87: {  	[hbm4b:s14+s3] =	stream.linear.scatter [tilespmem:s15], [sflag:$0x1], $0x80, $0x38;
	[tilespmem:$0x8800] =	vst v63  }
0x88: {  	s10 =	sadd.s32 $0x30, s1;
	s11 =	simm.s32 $0x1500  }
0x89: {  	[hbm4b:s10+s3] =	stream.linear.scatter [tilespmem:s11], [sflag:$0x1], $0x80, $0x38;
	[tilespmem:$0x8800] =	vst v63  }
0x8a: {  	s12 =	sadd.s32 $0x40, s1;
	s13 =	simm.s32 $0x1900  }
0x8b: {  	[hbm4b:s12+s3] =	stream.linear.scatter [tilespmem:s13], [sflag:$0x1], $0x80, $0x38;
	[tilespmem:$0x8800] =	vst v63  }
0x8c: {  	s14 =	sadd.s32 $0x50, s1;
	s15 =	simm.s32 $0x1D00  }
0x8d: {  	[hbm4b:s14+s3] =	stream.linear.scatter [tilespmem:s15], [sflag:$0x1], $0x80, $0x38;
	[tilespmem:$0x8800] =	vst v63  }
0x8e: {  	s10 =	sadd.s32 $0x60, s1;
	s11 =	simm.s32 $0x2100  }
0x8f: {  	[hbm4b:s10+s3] =	stream.linear.scatter [tilespmem:s11], [sflag:$0x1], $0x80, $0x38;
	[tilespmem:$0x8800] =	vst v63  }
0x90: {  	s12 =	sadd.s32 $0x70, s1;
	s13 =	simm.s32 $0x2500  }
0x91: {  	[hbm4b:s12+s3] =	stream.linear.scatter [tilespmem:s13], [sflag:$0x1], $0x80, $0x38;
	[tilespmem:$0x8800] =	vst v63  }
0x92: {  	s14 =	sadd.s32 $0x80, s1;
	s15 =	simm.s32 $0x2900  }
0x93: {  	[hbm4b:s14+s3] =	stream.linear.scatter [tilespmem:s15], [sflag:$0x1], $0x80, $0x38;
	[tilespmem:$0x8800] =	vst v63  }
0x94: {  	s10 =	sadd.s32 $0x90, s1;
	s11 =	simm.s32 $0x2D00  }
0x95: {  	[hbm4b:s10+s3] =	stream.linear.scatter [tilespmem:s11], [sflag:$0x1], $0x80, $0x38;
	[tilespmem:$0x8800] =	vst v63  }
0x96: {  	s12 =	sadd.s32 $0xA0, s1;
	s13 =	simm.s32 $0x3100  }
0x97: {  	[hbm4b:s12+s3] =	stream.linear.scatter [tilespmem:s13], [sflag:$0x1], $0x80, $0x38;
	[tilespmem:$0x8800] =	vst v63  }
0x98: {  	s14 =	sadd.s32 $0xB0, s1;
	s15 =	simm.s32 $0x3500  }
0x99: {  	[hbm4b:s14+s3] =	stream.linear.scatter [tilespmem:s15], [sflag:$0x1], $0x80, $0x38;
	[tilespmem:$0x8800] =	vst v63  }
0x9a: {  	s10 =	sadd.s32 $0xC0, s1;
	s11 =	simm.s32 $0x3900  }
0x9b: {  	[hbm4b:s10+s3] =	stream.linear.scatter [tilespmem:s11], [sflag:$0x1], $0x80, $0x38;
	[tilespmem:$0x8800] =	vst v63  }
0x9c: {  	s12 =	sadd.s32 $0xD0, s1;
	s13 =	simm.s32 $0x3D00  }
0x9d: {  	[hbm4b:s12+s3] =	stream.linear.scatter [tilespmem:s13], [sflag:$0x1], $0x80, $0x38;
	[tilespmem:$0x8800] =	vst v63  }
0x9e: {  	s14 =	sadd.s32 $0xE0, s1;
	s15 =	simm.s32 $0x4100  }
0x9f: {  	[hbm4b:s14+s3] =	stream.linear.scatter [tilespmem:s15], [sflag:$0x1], $0x80, $0x38;
	[tilespmem:$0x8800] =	vst v63  }
0xa0: {  	s9 =	simm.s32 $0x4500;
	s1 =	sadd.s32 $0xF0, s1  }
0xa1: {  	[hbm4b:s1+s3] =	stream.linear.scatter [tilespmem:s9], [sflag:$0x1], $0x80, $0x38;
	[tilespmem:$0x8800] =	vst v63  }
0xa2: {  	_ =	swait.ge [sflag:s8], $0x800  }
0xa3: {  	s10 =	sor.u32 $0x18000, s2;
	[sflag:s8] =	ssyncset.done $0x0  }
0xa4: {  	s11 =	simm.s32 $0x980;
	s1 =	sadd.s32 s4, s10;
	[sflag:s8] =	ssyncadd.s32 $0xFFFFF800  }
0xa5: {  	[hbm4b:s1+s3] =	stream.linear.scatter [tilespmem:s11], [sflag:$0x1], $0x80, $0x38;
	[tilespmem:$0x8800] =	vst v63  }
0xa6: {  	s13 =	simm.s32 $0xD80;
	s12 =	sadd.s32 $0x10, s1  }
0xa7: {  	[hbm4b:s12+s3] =	stream.linear.scatter [tilespmem:s13], [sflag:$0x1], $0x80, $0x38;
	[tilespmem:$0x8800] =	vst v63  }
0xa8: {  	s15 =	simm.s32 $0x1180;
	s14 =	sadd.s32 $0x20, s1  }
0xa9: {  	[hbm4b:s14+s3] =	stream.linear.scatter [tilespmem:s15], [sflag:$0x1], $0x80, $0x38;
	[tilespmem:$0x8800] =	vst v63  }
0xaa: {  	s10 =	sadd.s32 $0x30, s1;
	s11 =	simm.s32 $0x1580  }
0xab: {  	[hbm4b:s10+s3] =	stream.linear.scatter [tilespmem:s11], [sflag:$0x1], $0x80, $0x38;
	[tilespmem:$0x8800] =	vst v63  }
0xac: {  	s12 =	sadd.s32 $0x40, s1;
	s13 =	simm.s32 $0x1980  }
0xad: {  	[hbm4b:s12+s3] =	stream.linear.scatter [tilespmem:s13], [sflag:$0x1], $0x80, $0x38;
	[tilespmem:$0x8800] =	vst v63  }
0xae: {  	s14 =	sadd.s32 $0x50, s1;
	s15 =	simm.s32 $0x1D80  }
0xaf: {  	[hbm4b:s14+s3] =	stream.linear.scatter [tilespmem:s15], [sflag:$0x1], $0x80, $0x38;
	[tilespmem:$0x8800] =	vst v63  }
0xb0: {  	s10 =	sadd.s32 $0x60, s1;
	s11 =	simm.s32 $0x2180  }
0xb1: {  	[hbm4b:s10+s3] =	stream.linear.scatter [tilespmem:s11], [sflag:$0x1], $0x80, $0x38;
	[tilespmem:$0x8800] =	vst v63  }
0xb2: {  	s12 =	sadd.s32 $0x70, s1;
	s13 =	simm.s32 $0x2580  }
0xb3: {  	[hbm4b:s12+s3] =	stream.linear.scatter [tilespmem:s13], [sflag:$0x1], $0x80, $0x38;
	[tilespmem:$0x8800] =	vst v63  }
0xb4: {  	s14 =	sadd.s32 $0x80, s1;
	s15 =	simm.s32 $0x2980  }
0xb5: {  	[hbm4b:s14+s3] =	stream.linear.scatter [tilespmem:s15], [sflag:$0x1], $0x80, $0x38;
	[tilespmem:$0x8800] =	vst v63  }
0xb6: {  	s10 =	sadd.s32 $0x90, s1;
	s11 =	simm.s32 $0x2D80  }
0xb7: {  	[hbm4b:s10+s3] =	stream.linear.scatter [tilespmem:s11], [sflag:$0x1], $0x80, $0x38;
	[tilespmem:$0x8800] =	vst v63  }
0xb8: {  	s12 =	sadd.s32 $0xA0, s1;
	s13 =	simm.s32 $0x3180  }
0xb9: {  	[hbm4b:s12+s3] =	stream.linear.scatter [tilespmem:s13], [sflag:$0x1], $0x80, $0x38;
	[tilespmem:$0x8800] =	vst v63  }
0xba: {  	s14 =	sadd.s32 $0xB0, s1;
	s15 =	simm.s32 $0x3580  }
0xbb: {  	[hbm4b:s14+s3] =	stream.linear.scatter [tilespmem:s15], [sflag:$0x1], $0x80, $0x38;
	[tilespmem:$0x8800] =	vst v63  }
0xbc: {  	s10 =	sadd.s32 $0xC0, s1;
	s11 =	simm.s32 $0x3980  }
0xbd: {  	[hbm4b:s10+s3] =	stream.linear.scatter [tilespmem:s11], [sflag:$0x1], $0x80, $0x38;
	[tilespmem:$0x8800] =	vst v63  }
0xbe: {  	s12 =	sadd.s32 $0xD0, s1;
	s13 =	simm.s32 $0x3D80  }
0xbf: {  	[hbm4b:s12+s3] =	stream.linear.scatter [tilespmem:s13], [sflag:$0x1], $0x80, $0x38;
	[tilespmem:$0x8800] =	vst v63  }
0xc0: {  	s14 =	sadd.s32 $0xE0, s1;
	s15 =	simm.s32 $0x4180  }
0xc1: {  	[hbm4b:s14+s3] =	stream.linear.scatter [tilespmem:s15], [sflag:$0x1], $0x80, $0x38;
	[tilespmem:$0x8800] =	vst v63  }
0xc2: {  	s9 =	simm.s32 $0x4580;
	s1 =	sadd.s32 $0xF0, s1  }
0xc3: {  	[hbm4b:s1+s3] =	stream.linear.scatter [tilespmem:s9], [sflag:$0x1], $0x80, $0x38;
	[tilespmem:$0x8800] =	vst v63  }
0xc4: {  	_ =	swait.ge [sflag:s8], $0x800  }
0xc5: {  	s10 =	sor.u32 $0x20000, s2;
	[sflag:s8] =	ssyncset.done $0x0  }
0xc6: {  	s11 =	simm.s32 $0xA00;
	s1 =	sadd.s32 s4, s10;
	[sflag:s8] =	ssyncadd.s32 $0xFFFFF800  }
0xc7: {  	[hbm4b:s1+s3] =	stream.linear.scatter [tilespmem:s11], [sflag:$0x1], $0x80, $0x38;
	[tilespmem:$0x8800] =	vst v63  }
0xc8: {  	s13 =	simm.s32 $0xE00;
	s12 =	sadd.s32 $0x10, s1  }
0xc9: {  	[hbm4b:s12+s3] =	stream.linear.scatter [tilespmem:s13], [sflag:$0x1], $0x80, $0x38;
	[tilespmem:$0x8800] =	vst v63  }
0xca: {  	s15 =	simm.s32 $0x1200;
	s14 =	sadd.s32 $0x20, s1  }
0xcb: {  	[hbm4b:s14+s3] =	stream.linear.scatter [tilespmem:s15], [sflag:$0x1], $0x80, $0x38;
	[tilespmem:$0x8800] =	vst v63  }
0xcc: {  	s10 =	sadd.s32 $0x30, s1;
	s11 =	simm.s32 $0x1600  }
0xcd: {  	[hbm4b:s10+s3] =	stream.linear.scatter [tilespmem:s11], [sflag:$0x1], $0x80, $0x38;
	[tilespmem:$0x8800] =	vst v63  }
0xce: {  	s12 =	sadd.s32 $0x40, s1;
	s13 =	simm.s32 $0x1A00  }
0xcf: {  	[hbm4b:s12+s3] =	stream.linear.scatter [tilespmem:s13], [sflag:$0x1], $0x80, $0x38;
	[tilespmem:$0x8800] =	vst v63  }
0xd0: {  	s14 =	sadd.s32 $0x50, s1;
	s15 =	simm.s32 $0x1E00  }
0xd1: {  	[hbm4b:s14+s3] =	stream.linear.scatter [tilespmem:s15], [sflag:$0x1], $0x80, $0x38;
	[tilespmem:$0x8800] =	vst v63  }
0xd2: {  	s10 =	sadd.s32 $0x60, s1;
	s11 =	simm.s32 $0x2200  }
0xd3: {  	[hbm4b:s10+s3] =	stream.linear.scatter [tilespmem:s11], [sflag:$0x1], $0x80, $0x38;
	[tilespmem:$0x8800] =	vst v63  }
0xd4: {  	s12 =	sadd.s32 $0x70, s1;
	s13 =	simm.s32 $0x2600  }
0xd5: {  	[hbm4b:s12+s3] =	stream.linear.scatter [tilespmem:s13], [sflag:$0x1], $0x80, $0x38;
	[tilespmem:$0x8800] =	vst v63  }
0xd6: {  	s14 =	sadd.s32 $0x80, s1;
	s15 =	simm.s32 $0x2A00  }
0xd7: {  	[hbm4b:s14+s3] =	stream.linear.scatter [tilespmem:s15], [sflag:$0x1], $0x80, $0x38;
	[tilespmem:$0x8800] =	vst v63  }
0xd8: {  	s10 =	sadd.s32 $0x90, s1;
	s11 =	simm.s32 $0x2E00  }
0xd9: {  	[hbm4b:s10+s3] =	stream.linear.scatter [tilespmem:s11], [sflag:$0x1], $0x80, $0x38;
	[tilespmem:$0x8800] =	vst v63  }
0xda: {  	s12 =	sadd.s32 $0xA0, s1;
	s13 =	simm.s32 $0x3200  }
0xdb: {  	[hbm4b:s12+s3] =	stream.linear.scatter [tilespmem:s13], [sflag:$0x1], $0x80, $0x38;
	[tilespmem:$0x8800] =	vst v63  }
0xdc: {  	s14 =	sadd.s32 $0xB0, s1;
	s15 =	simm.s32 $0x3600  }
0xdd: {  	[hbm4b:s14+s3] =	stream.linear.scatter [tilespmem:s15], [sflag:$0x1], $0x80, $0x38;
	[tilespmem:$0x8800] =	vst v63  }
0xde: {  	s10 =	sadd.s32 $0xC0, s1;
	s11 =	simm.s32 $0x3A00  }
0xdf: {  	[hbm4b:s10+s3] =	stream.linear.scatter [tilespmem:s11], [sflag:$0x1], $0x80, $0x38;
	[tilespmem:$0x8800] =	vst v63  }
0xe0: {  	s12 =	sadd.s32 $0xD0, s1;
	s13 =	simm.s32 $0x3E00  }
0xe1: {  	[hbm4b:s12+s3] =	stream.linear.scatter [tilespmem:s13], [sflag:$0x1], $0x80, $0x38;
	[tilespmem:$0x8800] =	vst v63  }
0xe2: {  	s14 =	sadd.s32 $0xE0, s1;
	s15 =	simm.s32 $0x4200  }
0xe3: {  	[hbm4b:s14+s3] =	stream.linear.scatter [tilespmem:s15], [sflag:$0x1], $0x80, $0x38;
	[tilespmem:$0x8800] =	vst v63  }
0xe4: {  	s9 =	simm.s32 $0x4600;
	s1 =	sadd.s32 $0xF0, s1  }
0xe5: {  	[hbm4b:s1+s3] =	stream.linear.scatter [tilespmem:s9], [sflag:$0x1], $0x80, $0x38;
	[tilespmem:$0x8800] =	vst v63  }
0xe6: {  	_ =	swait.ge [sflag:s8], $0x800  }
0xe7: {  	s10 =	sor.u32 $0x28000, s2;
	[sflag:s8] =	ssyncset.done $0x0  }
0xe8: {  	s11 =	simm.s32 $0xA80;
	s1 =	sadd.s32 s4, s10;
	[sflag:s8] =	ssyncadd.s32 $0xFFFFF800  }
0xe9: {  	[hbm4b:s1+s3] =	stream.linear.scatter [tilespmem:s11], [sflag:$0x1], $0x80, $0x38;
	[tilespmem:$0x8800] =	vst v63  }
0xea: {  	s13 =	simm.s32 $0xE80;
	s12 =	sadd.s32 $0x10, s1  }
0xeb: {  	[hbm4b:s12+s3] =	stream.linear.scatter [tilespmem:s13], [sflag:$0x1], $0x80, $0x38;
	[tilespmem:$0x8800] =	vst v63  }
0xec: {  	s15 =	simm.s32 $0x1280;
	s14 =	sadd.s32 $0x20, s1  }
0xed: {  	[hbm4b:s14+s3] =	stream.linear.scatter [tilespmem:s15], [sflag:$0x1], $0x80, $0x38;
	[tilespmem:$0x8800] =	vst v63  }
0xee: {  	s10 =	sadd.s32 $0x30, s1;
	s11 =	simm.s32 $0x1680  }
0xef: {  	[hbm4b:s10+s3] =	stream.linear.scatter [tilespmem:s11], [sflag:$0x1], $0x80, $0x38;
	[tilespmem:$0x8800] =	vst v63  }
0xf0: {  	s12 =	sadd.s32 $0x40, s1;
	s13 =	simm.s32 $0x1A80  }
0xf1: {  	[hbm4b:s12+s3] =	stream.linear.scatter [tilespmem:s13], [sflag:$0x1], $0x80, $0x38;
	[tilespmem:$0x8800] =	vst v63  }
0xf2: {  	s14 =	sadd.s32 $0x50, s1;
	s15 =	simm.s32 $0x1E80  }
0xf3: {  	[hbm4b:s14+s3] =	stream.linear.scatter [tilespmem:s15], [sflag:$0x1], $0x80, $0x38;
	[tilespmem:$0x8800] =	vst v63  }
0xf4: {  	s10 =	sadd.s32 $0x60, s1;
	s11 =	simm.s32 $0x2280  }
0xf5: {  	[hbm4b:s10+s3] =	stream.linear.scatter [tilespmem:s11], [sflag:$0x1], $0x80, $0x38;
	[tilespmem:$0x8800] =	vst v63  }
0xf6: {  	s12 =	sadd.s32 $0x70, s1;
	s13 =	simm.s32 $0x2680  }
0xf7: {  	[hbm4b:s12+s3] =	stream.linear.scatter [tilespmem:s13], [sflag:$0x1], $0x80, $0x38;
	[tilespmem:$0x8800] =	vst v63  }
0xf8: {  	s14 =	sadd.s32 $0x80, s1;
	s15 =	simm.s32 $0x2A80  }
0xf9: {  	[hbm4b:s14+s3] =	stream.linear.scatter [tilespmem:s15], [sflag:$0x1], $0x80, $0x38;
	[tilespmem:$0x8800] =	vst v63  }
0xfa: {  	s10 =	sadd.s32 $0x90, s1;
	s11 =	simm.s32 $0x2E80  }
0xfb: {  	[hbm4b:s10+s3] =	stream.linear.scatter [tilespmem:s11], [sflag:$0x1], $0x80, $0x38;
	[tilespmem:$0x8800] =	vst v63  }
0xfc: {  	s12 =	sadd.s32 $0xA0, s1;
	s13 =	simm.s32 $0x3280  }
0xfd: {  	[hbm4b:s12+s3] =	stream.linear.scatter [tilespmem:s13], [sflag:$0x1], $0x80, $0x38;
	[tilespmem:$0x8800] =	vst v63  }
0xfe: {  	s14 =	sadd.s32 $0xB0, s1;
	s15 =	simm.s32 $0x3680  }
0xff: {  	[hbm4b:s14+s3] =	stream.linear.scatter [tilespmem:s15], [sflag:$0x1], $0x80, $0x38;
	[tilespmem:$0x8800] =	vst v63  }
0x100: {  	s10 =	sadd.s32 $0xC0, s1;
	s11 =	simm.s32 $0x3A80  }
0x101: {  	[hbm4b:s10+s3] =	stream.linear.scatter [tilespmem:s11], [sflag:$0x1], $0x80, $0x38;
	[tilespmem:$0x8800] =	vst v63  }
0x102: {  	s12 =	sadd.s32 $0xD0, s1;
	s13 =	simm.s32 $0x3E80  }
0x103: {  	[hbm4b:s12+s3] =	stream.linear.scatter [tilespmem:s13], [sflag:$0x1], $0x80, $0x38;
	[tilespmem:$0x8800] =	vst v63  }
0x104: {  	s14 =	sadd.s32 $0xE0, s1;
	s15 =	simm.s32 $0x4280  }
0x105: {  	[hbm4b:s14+s3] =	stream.linear.scatter [tilespmem:s15], [sflag:$0x1], $0x80, $0x38;
	[tilespmem:$0x8800] =	vst v63  }
0x106: {  	s9 =	simm.s32 $0x4680;
	s1 =	sadd.s32 $0xF0, s1  }
0x107: {  	[hbm4b:s1+s3] =	stream.linear.scatter [tilespmem:s9], [sflag:$0x1], $0x80, $0x38;
	[tilespmem:$0x8800] =	vst v63  }
0x108: {  	_ =	swait.ge [sflag:s8], $0x800  }
0x109: {  	s10 =	sor.u32 $0x30000, s2;
	[sflag:s8] =	ssyncset.done $0x0  }
0x10a: {  	s11 =	simm.s32 $0xB00;
	s1 =	sadd.s32 s4, s10;
	[sflag:s8] =	ssyncadd.s32 $0xFFFFF800  }
0x10b: {  	[hbm4b:s1+s3] =	stream.linear.scatter [tilespmem:s11], [sflag:$0x1], $0x80, $0x38;
	[tilespmem:$0x8800] =	vst v63  }
0x10c: {  	s13 =	simm.s32 $0xF00;
	s12 =	sadd.s32 $0x10, s1  }
0x10d: {  	[hbm4b:s12+s3] =	stream.linear.scatter [tilespmem:s13], [sflag:$0x1], $0x80, $0x38;
	[tilespmem:$0x8800] =	vst v63  }
0x10e: {  	s15 =	simm.s32 $0x1300;
	s14 =	sadd.s32 $0x20, s1  }
0x10f: {  	[hbm4b:s14+s3] =	stream.linear.scatter [tilespmem:s15], [sflag:$0x1], $0x80, $0x38;
	[tilespmem:$0x8800] =	vst v63  }
0x110: {  	s10 =	sadd.s32 $0x30, s1;
	s11 =	simm.s32 $0x1700  }
0x111: {  	[hbm4b:s10+s3] =	stream.linear.scatter [tilespmem:s11], [sflag:$0x1], $0x80, $0x38;
	[tilespmem:$0x8800] =	vst v63  }
0x112: {  	s12 =	sadd.s32 $0x40, s1;
	s13 =	simm.s32 $0x1B00  }
0x113: {  	[hbm4b:s12+s3] =	stream.linear.scatter [tilespmem:s13], [sflag:$0x1], $0x80, $0x38;
	[tilespmem:$0x8800] =	vst v63  }
0x114: {  	s14 =	sadd.s32 $0x50, s1;
	s15 =	simm.s32 $0x1F00  }
0x115: {  	[hbm4b:s14+s3] =	stream.linear.scatter [tilespmem:s15], [sflag:$0x1], $0x80, $0x38;
	[tilespmem:$0x8800] =	vst v63  }
0x116: {  	s10 =	sadd.s32 $0x60, s1;
	s11 =	simm.s32 $0x2300  }
0x117: {  	[hbm4b:s10+s3] =	stream.linear.scatter [tilespmem:s11], [sflag:$0x1], $0x80, $0x38;
	[tilespmem:$0x8800] =	vst v63  }
0x118: {  	s12 =	sadd.s32 $0x70, s1;
	s13 =	simm.s32 $0x2700  }
0x119: {  	[hbm4b:s12+s3] =	stream.linear.scatter [tilespmem:s13], [sflag:$0x1], $0x80, $0x38;
	[tilespmem:$0x8800] =	vst v63  }
0x11a: {  	s14 =	sadd.s32 $0x80, s1;
	s15 =	simm.s32 $0x2B00  }
0x11b: {  	[hbm4b:s14+s3] =	stream.linear.scatter [tilespmem:s15], [sflag:$0x1], $0x80, $0x38;
	[tilespmem:$0x8800] =	vst v63  }
0x11c: {  	s10 =	sadd.s32 $0x90, s1;
	s11 =	simm.s32 $0x2F00  }
0x11d: {  	[hbm4b:s10+s3] =	stream.linear.scatter [tilespmem:s11], [sflag:$0x1], $0x80, $0x38;
	[tilespmem:$0x8800] =	vst v63  }
0x11e: {  	s12 =	sadd.s32 $0xA0, s1;
	s13 =	simm.s32 $0x3300  }
0x11f: {  	[hbm4b:s12+s3] =	stream.linear.scatter [tilespmem:s13], [sflag:$0x1], $0x80, $0x38;
	[tilespmem:$0x8800] =	vst v63  }
0x120: {  	s14 =	sadd.s32 $0xB0, s1;
	s15 =	simm.s32 $0x3700  }
0x121: {  	[hbm4b:s14+s3] =	stream.linear.scatter [tilespmem:s15], [sflag:$0x1], $0x80, $0x38;
	[tilespmem:$0x8800] =	vst v63  }
0x122: {  	s10 =	sadd.s32 $0xC0, s1;
	s11 =	simm.s32 $0x3B00  }
0x123: {  	[hbm4b:s10+s3] =	stream.linear.scatter [tilespmem:s11], [sflag:$0x1], $0x80, $0x38;
	[tilespmem:$0x8800] =	vst v63  }
0x124: {  	s12 =	sadd.s32 $0xD0, s1;
	s13 =	simm.s32 $0x3F00  }
0x125: {  	[hbm4b:s12+s3] =	stream.linear.scatter [tilespmem:s13], [sflag:$0x1], $0x80, $0x38;
	[tilespmem:$0x8800] =	vst v63  }
0x126: {  	s14 =	sadd.s32 $0xE0, s1;
	s15 =	simm.s32 $0x4300  }
0x127: {  	[hbm4b:s14+s3] =	stream.linear.scatter [tilespmem:s15], [sflag:$0x1], $0x80, $0x38;
	[tilespmem:$0x8800] =	vst v63  }
0x128: {  	s9 =	simm.s32 $0x4700;
	s1 =	sadd.s32 $0xF0, s1  }
0x129: {  	[hbm4b:s1+s3] =	stream.linear.scatter [tilespmem:s9], [sflag:$0x1], $0x80, $0x38;
	[tilespmem:$0x8800] =	vst v63  }
0x12a: {  	_ =	swait.ge [sflag:s8], $0x800  }
0x12b: {  	s10 =	sor.u32 $0x38000, s2;
	[sflag:s8] =	ssyncset.done $0x0  }
0x12c: {  	s11 =	simm.s32 $0xB80;
	s1 =	sadd.s32 s4, s10;
	[sflag:s8] =	ssyncadd.s32 $0xFFFFF800  }
0x12d: {  	[hbm4b:s1+s3] =	stream.linear.scatter [tilespmem:s11], [sflag:$0x1], $0x80, $0x38;
	[tilespmem:$0x8800] =	vst v63  }
0x12e: {  	s13 =	simm.s32 $0xF80;
	s12 =	sadd.s32 $0x10, s1  }
0x12f: {  	[hbm4b:s12+s3] =	stream.linear.scatter [tilespmem:s13], [sflag:$0x1], $0x80, $0x38;
	[tilespmem:$0x8800] =	vst v63  }
0x130: {  	s15 =	simm.s32 $0x1380;
	s14 =	sadd.s32 $0x20, s1  }
0x131: {  	[hbm4b:s14+s3] =	stream.linear.scatter [tilespmem:s15], [sflag:$0x1], $0x80, $0x38;
	[tilespmem:$0x8800] =	vst v63  }
0x132: {  	s10 =	sadd.s32 $0x30, s1;
	s11 =	simm.s32 $0x1780  }
0x133: {  	[hbm4b:s10+s3] =	stream.linear.scatter [tilespmem:s11], [sflag:$0x1], $0x80, $0x38;
	[tilespmem:$0x8800] =	vst v63  }
0x134: {  	s12 =	sadd.s32 $0x40, s1;
	s13 =	simm.s32 $0x1B80  }
0x135: {  	[hbm4b:s12+s3] =	stream.linear.scatter [tilespmem:s13], [sflag:$0x1], $0x80, $0x38;
	[tilespmem:$0x8800] =	vst v63  }
0x136: {  	s14 =	sadd.s32 $0x50, s1;
	s15 =	simm.s32 $0x1F80  }
0x137: {  	[hbm4b:s14+s3] =	stream.linear.scatter [tilespmem:s15], [sflag:$0x1], $0x80, $0x38;
	[tilespmem:$0x8800] =	vst v63  }
0x138: {  	s10 =	sadd.s32 $0x60, s1;
	s11 =	simm.s32 $0x2380  }
0x139: {  	[hbm4b:s10+s3] =	stream.linear.scatter [tilespmem:s11], [sflag:$0x1], $0x80, $0x38;
	[tilespmem:$0x8800] =	vst v63  }
0x13a: {  	s12 =	sadd.s32 $0x70, s1;
	s13 =	simm.s32 $0x2780  }
0x13b: {  	[hbm4b:s12+s3] =	stream.linear.scatter [tilespmem:s13], [sflag:$0x1], $0x80, $0x38;
	[tilespmem:$0x8800] =	vst v63  }
0x13c: {  	s14 =	sadd.s32 $0x80, s1;
	s15 =	simm.s32 $0x2B80  }
0x13d: {  	[hbm4b:s14+s3] =	stream.linear.scatter [tilespmem:s15], [sflag:$0x1], $0x80, $0x38;
	[tilespmem:$0x8800] =	vst v63  }
0x13e: {  	s10 =	sadd.s32 $0x90, s1;
	s11 =	simm.s32 $0x2F80  }
0x13f: {  	[hbm4b:s10+s3] =	stream.linear.scatter [tilespmem:s11], [sflag:$0x1], $0x80, $0x38;
	[tilespmem:$0x8800] =	vst v63  }
0x140: {  	s12 =	sadd.s32 $0xA0, s1;
	s13 =	simm.s32 $0x3380  }
0x141: {  	[hbm4b:s12+s3] =	stream.linear.scatter [tilespmem:s13], [sflag:$0x1], $0x80, $0x38;
	[tilespmem:$0x8800] =	vst v63  }
0x142: {  	s14 =	sadd.s32 $0xB0, s1;
	s15 =	simm.s32 $0x3780  }
0x143: {  	[hbm4b:s14+s3] =	stream.linear.scatter [tilespmem:s15], [sflag:$0x1], $0x80, $0x38;
	[tilespmem:$0x8800] =	vst v63  }
0x144: {  	s10 =	sadd.s32 $0xC0, s1;
	s11 =	simm.s32 $0x3B80  }
0x145: {  	[hbm4b:s10+s3] =	stream.linear.scatter [tilespmem:s11], [sflag:$0x1], $0x80, $0x38;
	[tilespmem:$0x8800] =	vst v63  }
0x146: {  	s12 =	sadd.s32 $0xD0, s1;
	s13 =	simm.s32 $0x3F80  }
0x147: {  	[hbm4b:s12+s3] =	stream.linear.scatter [tilespmem:s13], [sflag:$0x1], $0x80, $0x38;
	[tilespmem:$0x8800] =	vst v63  }
0x148: {  	s14 =	sadd.s32 $0xE0, s1;
	s15 =	simm.s32 $0x4380  }
0x149: {  	[hbm4b:s14+s3] =	stream.linear.scatter [tilespmem:s15], [sflag:$0x1], $0x80, $0x38;
	[tilespmem:$0x8800] =	vst v63  }
0x14a: {  	s9 =	simm.s32 $0x4780;
	s1 =	sadd.s32 $0xF0, s1  }
0x14b: {  	[hbm4b:s1+s3] =	stream.linear.scatter [tilespmem:s9], [sflag:$0x1], $0x80, $0x38;
	[tilespmem:$0x8800] =	vst v63  }
0x14c: {  	_ =	swait.ge [sflag:s8], $0x800  }
0x14d: {  	s10 =	sor.u32 $0x40000, s2;
	[sflag:s8] =	ssyncset.done $0x0  }
0x14e: {  	s11 =	simm.s32 $0x4800;
	s1 =	sadd.s32 s4, s10;
	[sflag:s8] =	ssyncadd.s32 $0xFFFFF800  }
0x14f: {  	[hbm4b:s1+s3] =	stream.linear.scatter [tilespmem:s11], [sflag:$0x1], $0x80, $0x38;
	[tilespmem:$0x8800] =	vst v63  }
0x150: {  	s13 =	simm.s32 $0x4C00;
	s12 =	sadd.s32 $0x10, s1  }
0x151: {  	[hbm4b:s12+s3] =	stream.linear.scatter [tilespmem:s13], [sflag:$0x1], $0x80, $0x38;
	[tilespmem:$0x8800] =	vst v63  }
0x152: {  	s15 =	simm.s32 $0x5000;
	s14 =	sadd.s32 $0x20, s1  }
0x153: {  	[hbm4b:s14+s3] =	stream.linear.scatter [tilespmem:s15], [sflag:$0x1], $0x80, $0x38;
	[tilespmem:$0x8800] =	vst v63  }
0x154: {  	s10 =	sadd.s32 $0x30, s1;
	s11 =	simm.s32 $0x5400  }
0x155: {  	[hbm4b:s10+s3] =	stream.linear.scatter [tilespmem:s11], [sflag:$0x1], $0x80, $0x38;
	[tilespmem:$0x8800] =	vst v63  }
0x156: {  	s12 =	sadd.s32 $0x40, s1;
	s13 =	simm.s32 $0x5800  }
0x157: {  	[hbm4b:s12+s3] =	stream.linear.scatter [tilespmem:s13], [sflag:$0x1], $0x80, $0x38;
	[tilespmem:$0x8800] =	vst v63  }
0x158: {  	s14 =	sadd.s32 $0x50, s1;
	s15 =	simm.s32 $0x5C00  }
0x159: {  	[hbm4b:s14+s3] =	stream.linear.scatter [tilespmem:s15], [sflag:$0x1], $0x80, $0x38;
	[tilespmem:$0x8800] =	vst v63  }
0x15a: {  	s10 =	sadd.s32 $0x60, s1;
	s11 =	simm.s32 $0x6000  }
0x15b: {  	[hbm4b:s10+s3] =	stream.linear.scatter [tilespmem:s11], [sflag:$0x1], $0x80, $0x38;
	[tilespmem:$0x8800] =	vst v63  }
0x15c: {  	s12 =	sadd.s32 $0x70, s1;
	s13 =	simm.s32 $0x6400  }
0x15d: {  	[hbm4b:s12+s3] =	stream.linear.scatter [tilespmem:s13], [sflag:$0x1], $0x80, $0x38;
	[tilespmem:$0x8800] =	vst v63  }
0x15e: {  	s14 =	sadd.s32 $0x80, s1;
	s15 =	simm.s32 $0x6800  }
0x15f: {  	[hbm4b:s14+s3] =	stream.linear.scatter [tilespmem:s15], [sflag:$0x1], $0x80, $0x38;
	[tilespmem:$0x8800] =	vst v63  }
0x160: {  	s10 =	sadd.s32 $0x90, s1;
	s11 =	simm.s32 $0x6C00  }
0x161: {  	[hbm4b:s10+s3] =	stream.linear.scatter [tilespmem:s11], [sflag:$0x1], $0x80, $0x38;
	[tilespmem:$0x8800] =	vst v63  }
0x162: {  	s12 =	sadd.s32 $0xA0, s1;
	s13 =	simm.s32 $0x7000  }
0x163: {  	[hbm4b:s12+s3] =	stream.linear.scatter [tilespmem:s13], [sflag:$0x1], $0x80, $0x38;
	[tilespmem:$0x8800] =	vst v63  }
0x164: {  	s14 =	sadd.s32 $0xB0, s1;
	s15 =	simm.s32 $0x7400  }
0x165: {  	[hbm4b:s14+s3] =	stream.linear.scatter [tilespmem:s15], [sflag:$0x1], $0x80, $0x38;
	[tilespmem:$0x8800] =	vst v63  }
0x166: {  	s10 =	sadd.s32 $0xC0, s1;
	s11 =	simm.s32 $0x7800  }
0x167: {  	[hbm4b:s10+s3] =	stream.linear.scatter [tilespmem:s11], [sflag:$0x1], $0x80, $0x38;
	[tilespmem:$0x8800] =	vst v63  }
0x168: {  	s12 =	sadd.s32 $0xD0, s1;
	s13 =	simm.s32 $0x7C00  }
0x169: {  	[hbm4b:s12+s3] =	stream.linear.scatter [tilespmem:s13], [sflag:$0x1], $0x80, $0x38;
	[tilespmem:$0x8800] =	vst v63  }
0x16a: {  	s14 =	sadd.s32 $0xE0, s1;
	s15 =	simm.s32 $0x8000  }
0x16b: {  	[hbm4b:s14+s3] =	stream.linear.scatter [tilespmem:s15], [sflag:$0x1], $0x80, $0x38;
	[tilespmem:$0x8800] =	vst v63  }
0x16c: {  	s9 =	simm.s32 $0x8400;
	s1 =	sadd.s32 $0xF0, s1  }
0x16d: {  	[hbm4b:s1+s3] =	stream.linear.scatter [tilespmem:s9], [sflag:$0x1], $0x80, $0x38;
	[tilespmem:$0x8800] =	vst v63  }
0x16e: {  	_ =	swait.ge [sflag:s8], $0x800  }
0x16f: {  	s10 =	sor.u32 $0x48000, s2;
	[sflag:s8] =	ssyncset.done $0x0  }
0x170: {  	s11 =	simm.s32 $0x4880;
	s1 =	sadd.s32 s4, s10;
	[sflag:s8] =	ssyncadd.s32 $0xFFFFF800  }
0x171: {  	[hbm4b:s1+s3] =	stream.linear.scatter [tilespmem:s11], [sflag:$0x1], $0x80, $0x38;
	[tilespmem:$0x8800] =	vst v63  }
0x172: {  	s13 =	simm.s32 $0x4C80;
	s12 =	sadd.s32 $0x10, s1  }
0x173: {  	[hbm4b:s12+s3] =	stream.linear.scatter [tilespmem:s13], [sflag:$0x1], $0x80, $0x38;
	[tilespmem:$0x8800] =	vst v63  }
0x174: {  	s15 =	simm.s32 $0x5080;
	s14 =	sadd.s32 $0x20, s1  }
0x175: {  	[hbm4b:s14+s3] =	stream.linear.scatter [tilespmem:s15], [sflag:$0x1], $0x80, $0x38;
	[tilespmem:$0x8800] =	vst v63  }
0x176: {  	s10 =	sadd.s32 $0x30, s1;
	s11 =	simm.s32 $0x5480  }
0x177: {  	[hbm4b:s10+s3] =	stream.linear.scatter [tilespmem:s11], [sflag:$0x1], $0x80, $0x38;
	[tilespmem:$0x8800] =	vst v63  }
0x178: {  	s12 =	sadd.s32 $0x40, s1;
	s13 =	simm.s32 $0x5880  }
0x179: {  	[hbm4b:s12+s3] =	stream.linear.scatter [tilespmem:s13], [sflag:$0x1], $0x80, $0x38;
	[tilespmem:$0x8800] =	vst v63  }
0x17a: {  	s14 =	sadd.s32 $0x50, s1;
	s15 =	simm.s32 $0x5C80  }
0x17b: {  	[hbm4b:s14+s3] =	stream.linear.scatter [tilespmem:s15], [sflag:$0x1], $0x80, $0x38;
	[tilespmem:$0x8800] =	vst v63  }
0x17c: {  	s10 =	sadd.s32 $0x60, s1;
	s11 =	simm.s32 $0x6080  }
0x17d: {  	[hbm4b:s10+s3] =	stream.linear.scatter [tilespmem:s11], [sflag:$0x1], $0x80, $0x38;
	[tilespmem:$0x8800] =	vst v63  }
0x17e: {  	s12 =	sadd.s32 $0x70, s1;
	s13 =	simm.s32 $0x6480  }
0x17f: {  	[hbm4b:s12+s3] =	stream.linear.scatter [tilespmem:s13], [sflag:$0x1], $0x80, $0x38;
	[tilespmem:$0x8800] =	vst v63  }
0x180: {  	s14 =	sadd.s32 $0x80, s1;
	s15 =	simm.s32 $0x6880  }
0x181: {  	[hbm4b:s14+s3] =	stream.linear.scatter [tilespmem:s15], [sflag:$0x1], $0x80, $0x38;
	[tilespmem:$0x8800] =	vst v63  }
0x182: {  	s10 =	sadd.s32 $0x90, s1;
	s11 =	simm.s32 $0x6C80  }
0x183: {  	[hbm4b:s10+s3] =	stream.linear.scatter [tilespmem:s11], [sflag:$0x1], $0x80, $0x38;
	[tilespmem:$0x8800] =	vst v63  }
0x184: {  	s12 =	sadd.s32 $0xA0, s1;
	s13 =	simm.s32 $0x7080  }
0x185: {  	[hbm4b:s12+s3] =	stream.linear.scatter [tilespmem:s13], [sflag:$0x1], $0x80, $0x38;
	[tilespmem:$0x8800] =	vst v63  }
0x186: {  	s14 =	sadd.s32 $0xB0, s1;
	s15 =	simm.s32 $0x7480  }
0x187: {  	[hbm4b:s14+s3] =	stream.linear.scatter [tilespmem:s15], [sflag:$0x1], $0x80, $0x38;
	[tilespmem:$0x8800] =	vst v63  }
0x188: {  	s10 =	sadd.s32 $0xC0, s1;
	s11 =	simm.s32 $0x7880  }
0x189: {  	[hbm4b:s10+s3] =	stream.linear.scatter [tilespmem:s11], [sflag:$0x1], $0x80, $0x38;
	[tilespmem:$0x8800] =	vst v63  }
0x18a: {  	s12 =	sadd.s32 $0xD0, s1;
	s13 =	simm.s32 $0x7C80  }
0x18b: {  	[hbm4b:s12+s3] =	stream.linear.scatter [tilespmem:s13], [sflag:$0x1], $0x80, $0x38;
	[tilespmem:$0x8800] =	vst v63  }
0x18c: {  	s14 =	sadd.s32 $0xE0, s1;
	s15 =	simm.s32 $0x8080  }
0x18d: {  	[hbm4b:s14+s3] =	stream.linear.scatter [tilespmem:s15], [sflag:$0x1], $0x80, $0x38;
	[tilespmem:$0x8800] =	vst v63  }
0x18e: {  	s9 =	simm.s32 $0x8480;
	s1 =	sadd.s32 $0xF0, s1  }
0x18f: {  	[hbm4b:s1+s3] =	stream.linear.scatter [tilespmem:s9], [sflag:$0x1], $0x80, $0x38;
	[tilespmem:$0x8800] =	vst v63  }
0x190: {  	_ =	swait.ge [sflag:s8], $0x800  }
0x191: {  	s10 =	sor.u32 $0x50000, s2;
	[sflag:s8] =	ssyncset.done $0x0  }
0x192: {  	s11 =	simm.s32 $0x4900;
	s1 =	sadd.s32 s4, s10;
	[sflag:s8] =	ssyncadd.s32 $0xFFFFF800  }
0x193: {  	[hbm4b:s1+s3] =	stream.linear.scatter [tilespmem:s11], [sflag:$0x1], $0x80, $0x38;
	[tilespmem:$0x8800] =	vst v63  }
0x194: {  	s13 =	simm.s32 $0x4D00;
	s12 =	sadd.s32 $0x10, s1  }
0x195: {  	[hbm4b:s12+s3] =	stream.linear.scatter [tilespmem:s13], [sflag:$0x1], $0x80, $0x38;
	[tilespmem:$0x8800] =	vst v63  }
0x196: {  	s15 =	simm.s32 $0x5100;
	s14 =	sadd.s32 $0x20, s1  }
0x197: {  	[hbm4b:s14+s3] =	stream.linear.scatter [tilespmem:s15], [sflag:$0x1], $0x80, $0x38;
	[tilespmem:$0x8800] =	vst v63  }
0x198: {  	s10 =	sadd.s32 $0x30, s1;
	s11 =	simm.s32 $0x5500  }
0x199: {  	[hbm4b:s10+s3] =	stream.linear.scatter [tilespmem:s11], [sflag:$0x1], $0x80, $0x38;
	[tilespmem:$0x8800] =	vst v63  }
0x19a: {  	s12 =	sadd.s32 $0x40, s1;
	s13 =	simm.s32 $0x5900  }
0x19b: {  	[hbm4b:s12+s3] =	stream.linear.scatter [tilespmem:s13], [sflag:$0x1], $0x80, $0x38;
	[tilespmem:$0x8800] =	vst v63  }
0x19c: {  	s14 =	sadd.s32 $0x50, s1;
	s15 =	simm.s32 $0x5D00  }
0x19d: {  	[hbm4b:s14+s3] =	stream.linear.scatter [tilespmem:s15], [sflag:$0x1], $0x80, $0x38;
	[tilespmem:$0x8800] =	vst v63  }
0x19e: {  	s10 =	sadd.s32 $0x60, s1;
	s11 =	simm.s32 $0x6100  }
0x19f: {  	[hbm4b:s10+s3] =	stream.linear.scatter [tilespmem:s11], [sflag:$0x1], $0x80, $0x38;
	[tilespmem:$0x8800] =	vst v63  }
0x1a0: {  	s12 =	sadd.s32 $0x70, s1;
	s13 =	simm.s32 $0x6500  }
0x1a1: {  	[hbm4b:s12+s3] =	stream.linear.scatter [tilespmem:s13], [sflag:$0x1], $0x80, $0x38;
	[tilespmem:$0x8800] =	vst v63  }
0x1a2: {  	s14 =	sadd.s32 $0x80, s1;
	s15 =	simm.s32 $0x6900  }
0x1a3: {  	[hbm4b:s14+s3] =	stream.linear.scatter [tilespmem:s15], [sflag:$0x1], $0x80, $0x38;
	[tilespmem:$0x8800] =	vst v63  }
0x1a4: {  	s10 =	sadd.s32 $0x90, s1;
	s11 =	simm.s32 $0x6D00  }
0x1a5: {  	[hbm4b:s10+s3] =	stream.linear.scatter [tilespmem:s11], [sflag:$0x1], $0x80, $0x38;
	[tilespmem:$0x8800] =	vst v63  }
0x1a6: {  	s12 =	sadd.s32 $0xA0, s1;
	s13 =	simm.s32 $0x7100  }
0x1a7: {  	[hbm4b:s12+s3] =	stream.linear.scatter [tilespmem:s13], [sflag:$0x1], $0x80, $0x38;
	[tilespmem:$0x8800] =	vst v63  }
0x1a8: {  	s14 =	sadd.s32 $0xB0, s1;
	s15 =	simm.s32 $0x7500  }
0x1a9: {  	[hbm4b:s14+s3] =	stream.linear.scatter [tilespmem:s15], [sflag:$0x1], $0x80, $0x38;
	[tilespmem:$0x8800] =	vst v63  }
0x1aa: {  	s10 =	sadd.s32 $0xC0, s1;
	s11 =	simm.s32 $0x7900  }
0x1ab: {  	[hbm4b:s10+s3] =	stream.linear.scatter [tilespmem:s11], [sflag:$0x1], $0x80, $0x38;
	[tilespmem:$0x8800] =	vst v63  }
0x1ac: {  	s12 =	sadd.s32 $0xD0, s1;
	s13 =	simm.s32 $0x7D00  }
0x1ad: {  	[hbm4b:s12+s3] =	stream.linear.scatter [tilespmem:s13], [sflag:$0x1], $0x80, $0x38;
	[tilespmem:$0x8800] =	vst v63  }
0x1ae: {  	s14 =	sadd.s32 $0xE0, s1;
	s15 =	simm.s32 $0x8100  }
0x1af: {  	[hbm4b:s14+s3] =	stream.linear.scatter [tilespmem:s15], [sflag:$0x1], $0x80, $0x38;
	[tilespmem:$0x8800] =	vst v63  }
0x1b0: {  	s9 =	simm.s32 $0x8500;
	s1 =	sadd.s32 $0xF0, s1  }
0x1b1: {  	[hbm4b:s1+s3] =	stream.linear.scatter [tilespmem:s9], [sflag:$0x1], $0x80, $0x38;
	[tilespmem:$0x8800] =	vst v63  }
0x1b2: {  	_ =	swait.ge [sflag:s8], $0x800  }
0x1b3: {  	s10 =	sor.u32 $0x58000, s2;
	[sflag:s8] =	ssyncset.done $0x0  }
0x1b4: {  	s11 =	simm.s32 $0x4980;
	s1 =	sadd.s32 s4, s10;
	[sflag:s8] =	ssyncadd.s32 $0xFFFFF800  }
0x1b5: {  	[hbm4b:s1+s3] =	stream.linear.scatter [tilespmem:s11], [sflag:$0x1], $0x80, $0x38;
	[tilespmem:$0x8800] =	vst v63  }
0x1b6: {  	s13 =	simm.s32 $0x4D80;
	s12 =	sadd.s32 $0x10, s1  }
0x1b7: {  	[hbm4b:s12+s3] =	stream.linear.scatter [tilespmem:s13], [sflag:$0x1], $0x80, $0x38;
	[tilespmem:$0x8800] =	vst v63  }
0x1b8: {  	s15 =	simm.s32 $0x5180;
	s14 =	sadd.s32 $0x20, s1  }
0x1b9: {  	[hbm4b:s14+s3] =	stream.linear.scatter [tilespmem:s15], [sflag:$0x1], $0x80, $0x38;
	[tilespmem:$0x8800] =	vst v63  }
0x1ba: {  	s10 =	sadd.s32 $0x30, s1;
	s11 =	simm.s32 $0x5580  }
0x1bb: {  	[hbm4b:s10+s3] =	stream.linear.scatter [tilespmem:s11], [sflag:$0x1], $0x80, $0x38;
	[tilespmem:$0x8800] =	vst v63  }
0x1bc: {  	s12 =	sadd.s32 $0x40, s1;
	s13 =	simm.s32 $0x5980  }
0x1bd: {  	[hbm4b:s12+s3] =	stream.linear.scatter [tilespmem:s13], [sflag:$0x1], $0x80, $0x38;
	[tilespmem:$0x8800] =	vst v63  }
0x1be: {  	s14 =	sadd.s32 $0x50, s1;
	s15 =	simm.s32 $0x5D80  }
0x1bf: {  	[hbm4b:s14+s3] =	stream.linear.scatter [tilespmem:s15], [sflag:$0x1], $0x80, $0x38;
	[tilespmem:$0x8800] =	vst v63  }
0x1c0: {  	s10 =	sadd.s32 $0x60, s1;
	s11 =	simm.s32 $0x6180  }
0x1c1: {  	[hbm4b:s10+s3] =	stream.linear.scatter [tilespmem:s11], [sflag:$0x1], $0x80, $0x38;
	[tilespmem:$0x8800] =	vst v63  }
0x1c2: {  	s12 =	sadd.s32 $0x70, s1;
	s13 =	simm.s32 $0x6580  }
0x1c3: {  	[hbm4b:s12+s3] =	stream.linear.scatter [tilespmem:s13], [sflag:$0x1], $0x80, $0x38;
	[tilespmem:$0x8800] =	vst v63  }
0x1c4: {  	s14 =	sadd.s32 $0x80, s1;
	s15 =	simm.s32 $0x6980  }
0x1c5: {  	[hbm4b:s14+s3] =	stream.linear.scatter [tilespmem:s15], [sflag:$0x1], $0x80, $0x38;
	[tilespmem:$0x8800] =	vst v63  }
0x1c6: {  	s10 =	sadd.s32 $0x90, s1;
	s11 =	simm.s32 $0x6D80  }
0x1c7: {  	[hbm4b:s10+s3] =	stream.linear.scatter [tilespmem:s11], [sflag:$0x1], $0x80, $0x38;
	[tilespmem:$0x8800] =	vst v63  }
0x1c8: {  	s12 =	sadd.s32 $0xA0, s1;
	s13 =	simm.s32 $0x7180  }
0x1c9: {  	[hbm4b:s12+s3] =	stream.linear.scatter [tilespmem:s13], [sflag:$0x1], $0x80, $0x38;
	[tilespmem:$0x8800] =	vst v63  }
0x1ca: {  	s14 =	sadd.s32 $0xB0, s1;
	s15 =	simm.s32 $0x7580  }
0x1cb: {  	[hbm4b:s14+s3] =	stream.linear.scatter [tilespmem:s15], [sflag:$0x1], $0x80, $0x38;
	[tilespmem:$0x8800] =	vst v63  }
0x1cc: {  	s10 =	sadd.s32 $0xC0, s1;
	s11 =	simm.s32 $0x7980  }
0x1cd: {  	[hbm4b:s10+s3] =	stream.linear.scatter [tilespmem:s11], [sflag:$0x1], $0x80, $0x38;
	[tilespmem:$0x8800] =	vst v63  }
0x1ce: {  	s12 =	sadd.s32 $0xD0, s1;
	s13 =	simm.s32 $0x7D80  }
0x1cf: {  	[hbm4b:s12+s3] =	stream.linear.scatter [tilespmem:s13], [sflag:$0x1], $0x80, $0x38;
	[tilespmem:$0x8800] =	vst v63  }
0x1d0: {  	s14 =	sadd.s32 $0xE0, s1;
	s15 =	simm.s32 $0x8180  }
0x1d1: {  	[hbm4b:s14+s3] =	stream.linear.scatter [tilespmem:s15], [sflag:$0x1], $0x80, $0x38;
	[tilespmem:$0x8800] =	vst v63  }
0x1d2: {  	s9 =	simm.s32 $0x8580;
	s1 =	sadd.s32 $0xF0, s1  }
0x1d3: {  	[hbm4b:s1+s3] =	stream.linear.scatter [tilespmem:s9], [sflag:$0x1], $0x80, $0x38;
	[tilespmem:$0x8800] =	vst v63  }
0x1d4: {  	_ =	swait.ge [sflag:s8], $0x800  }
0x1d5: {  	s10 =	sor.u32 $0x60000, s2;
	[sflag:s8] =	ssyncset.done $0x0  }
0x1d6: {  	s11 =	simm.s32 $0x4A00;
	s1 =	sadd.s32 s4, s10;
	[sflag:s8] =	ssyncadd.s32 $0xFFFFF800  }
0x1d7: {  	[hbm4b:s1+s3] =	stream.linear.scatter [tilespmem:s11], [sflag:$0x1], $0x80, $0x38;
	[tilespmem:$0x8800] =	vst v63  }
0x1d8: {  	s13 =	simm.s32 $0x4E00;
	s12 =	sadd.s32 $0x10, s1  }
0x1d9: {  	[hbm4b:s12+s3] =	stream.linear.scatter [tilespmem:s13], [sflag:$0x1], $0x80, $0x38;
	[tilespmem:$0x8800] =	vst v63  }
0x1da: {  	s15 =	simm.s32 $0x5200;
	s14 =	sadd.s32 $0x20, s1  }
0x1db: {  	[hbm4b:s14+s3] =	stream.linear.scatter [tilespmem:s15], [sflag:$0x1], $0x80, $0x38;
	[tilespmem:$0x8800] =	vst v63  }
0x1dc: {  	s10 =	sadd.s32 $0x30, s1;
	s11 =	simm.s32 $0x5600  }
0x1dd: {  	[hbm4b:s10+s3] =	stream.linear.scatter [tilespmem:s11], [sflag:$0x1], $0x80, $0x38;
	[tilespmem:$0x8800] =	vst v63  }
0x1de: {  	s12 =	sadd.s32 $0x40, s1;
	s13 =	simm.s32 $0x5A00  }
0x1df: {  	[hbm4b:s12+s3] =	stream.linear.scatter [tilespmem:s13], [sflag:$0x1], $0x80, $0x38;
	[tilespmem:$0x8800] =	vst v63  }
0x1e0: {  	s14 =	sadd.s32 $0x50, s1;
	s15 =	simm.s32 $0x5E00  }
0x1e1: {  	[hbm4b:s14+s3] =	stream.linear.scatter [tilespmem:s15], [sflag:$0x1], $0x80, $0x38;
	[tilespmem:$0x8800] =	vst v63  }
0x1e2: {  	s10 =	sadd.s32 $0x60, s1;
	s11 =	simm.s32 $0x6200  }
0x1e3: {  	[hbm4b:s10+s3] =	stream.linear.scatter [tilespmem:s11], [sflag:$0x1], $0x80, $0x38;
	[tilespmem:$0x8800] =	vst v63  }
0x1e4: {  	s12 =	sadd.s32 $0x70, s1;
	s13 =	simm.s32 $0x6600  }
0x1e5: {  	[hbm4b:s12+s3] =	stream.linear.scatter [tilespmem:s13], [sflag:$0x1], $0x80, $0x38;
	[tilespmem:$0x8800] =	vst v63  }
0x1e6: {  	s14 =	sadd.s32 $0x80, s1;
	s15 =	simm.s32 $0x6A00  }
0x1e7: {  	[hbm4b:s14+s3] =	stream.linear.scatter [tilespmem:s15], [sflag:$0x1], $0x80, $0x38;
	[tilespmem:$0x8800] =	vst v63  }
0x1e8: {  	s10 =	sadd.s32 $0x90, s1;
	s11 =	simm.s32 $0x6E00  }
0x1e9: {  	[hbm4b:s10+s3] =	stream.linear.scatter [tilespmem:s11], [sflag:$0x1], $0x80, $0x38;
	[tilespmem:$0x8800] =	vst v63  }
0x1ea: {  	s12 =	sadd.s32 $0xA0, s1;
	s13 =	simm.s32 $0x7200  }
0x1eb: {  	[hbm4b:s12+s3] =	stream.linear.scatter [tilespmem:s13], [sflag:$0x1], $0x80, $0x38;
	[tilespmem:$0x8800] =	vst v63  }
0x1ec: {  	s14 =	sadd.s32 $0xB0, s1;
	s15 =	simm.s32 $0x7600  }
0x1ed: {  	[hbm4b:s14+s3] =	stream.linear.scatter [tilespmem:s15], [sflag:$0x1], $0x80, $0x38;
	[tilespmem:$0x8800] =	vst v63  }
0x1ee: {  	s10 =	sadd.s32 $0xC0, s1;
	s11 =	simm.s32 $0x7A00  }
0x1ef: {  	[hbm4b:s10+s3] =	stream.linear.scatter [tilespmem:s11], [sflag:$0x1], $0x80, $0x38;
	[tilespmem:$0x8800] =	vst v63  }
0x1f0: {  	s12 =	sadd.s32 $0xD0, s1;
	s13 =	simm.s32 $0x7E00  }
0x1f1: {  	[hbm4b:s12+s3] =	stream.linear.scatter [tilespmem:s13], [sflag:$0x1], $0x80, $0x38;
	[tilespmem:$0x8800] =	vst v63  }
0x1f2: {  	s14 =	sadd.s32 $0xE0, s1;
	s15 =	simm.s32 $0x8200  }
0x1f3: {  	[hbm4b:s14+s3] =	stream.linear.scatter [tilespmem:s15], [sflag:$0x1], $0x80, $0x38;
	[tilespmem:$0x8800] =	vst v63  }
0x1f4: {  	s9 =	simm.s32 $0x8600;
	s1 =	sadd.s32 $0xF0, s1  }
0x1f5: {  	[hbm4b:s1+s3] =	stream.linear.scatter [tilespmem:s9], [sflag:$0x1], $0x80, $0x38;
	[tilespmem:$0x8800] =	vst v63  }
0x1f6: {  	_ =	swait.ge [sflag:s8], $0x800  }
0x1f7: {  	s10 =	sor.u32 $0x68000, s2;
	[sflag:s8] =	ssyncset.done $0x0  }
0x1f8: {  	s11 =	simm.s32 $0x4A80;
	s1 =	sadd.s32 s4, s10;
	[sflag:s8] =	ssyncadd.s32 $0xFFFFF800  }
0x1f9: {  	[hbm4b:s1+s3] =	stream.linear.scatter [tilespmem:s11], [sflag:$0x1], $0x80, $0x38;
	[tilespmem:$0x8800] =	vst v63  }
0x1fa: {  	s13 =	simm.s32 $0x4E80;
	s12 =	sadd.s32 $0x10, s1  }
0x1fb: {  	[hbm4b:s12+s3] =	stream.linear.scatter [tilespmem:s13], [sflag:$0x1], $0x80, $0x38;
	[tilespmem:$0x8800] =	vst v63  }
0x1fc: {  	s15 =	simm.s32 $0x5280;
	s14 =	sadd.s32 $0x20, s1  }
0x1fd: {  	[hbm4b:s14+s3] =	stream.linear.scatter [tilespmem:s15], [sflag:$0x1], $0x80, $0x38;
	[tilespmem:$0x8800] =	vst v63  }
0x1fe: {  	s10 =	sadd.s32 $0x30, s1;
	s11 =	simm.s32 $0x5680  }
0x1ff: {  	[hbm4b:s10+s3] =	stream.linear.scatter [tilespmem:s11], [sflag:$0x1], $0x80, $0x38;
	[tilespmem:$0x8800] =	vst v63  }
0x200: {  	s12 =	sadd.s32 $0x40, s1;
	s13 =	simm.s32 $0x5A80  }
0x201: {  	[hbm4b:s12+s3] =	stream.linear.scatter [tilespmem:s13], [sflag:$0x1], $0x80, $0x38;
	[tilespmem:$0x8800] =	vst v63  }
0x202: {  	s14 =	sadd.s32 $0x50, s1;
	s15 =	simm.s32 $0x5E80  }
0x203: {  	[hbm4b:s14+s3] =	stream.linear.scatter [tilespmem:s15], [sflag:$0x1], $0x80, $0x38;
	[tilespmem:$0x8800] =	vst v63  }
0x204: {  	s10 =	sadd.s32 $0x60, s1;
	s11 =	simm.s32 $0x6280  }
0x205: {  	[hbm4b:s10+s3] =	stream.linear.scatter [tilespmem:s11], [sflag:$0x1], $0x80, $0x38;
	[tilespmem:$0x8800] =	vst v63  }
0x206: {  	s12 =	sadd.s32 $0x70, s1;
	s13 =	simm.s32 $0x6680  }
0x207: {  	[hbm4b:s12+s3] =	stream.linear.scatter [tilespmem:s13], [sflag:$0x1], $0x80, $0x38;
	[tilespmem:$0x8800] =	vst v63  }
0x208: {  	s14 =	sadd.s32 $0x80, s1;
	s15 =	simm.s32 $0x6A80  }
0x209: {  	[hbm4b:s14+s3] =	stream.linear.scatter [tilespmem:s15], [sflag:$0x1], $0x80, $0x38;
	[tilespmem:$0x8800] =	vst v63  }
0x20a: {  	s10 =	sadd.s32 $0x90, s1;
	s11 =	simm.s32 $0x6E80  }
0x20b: {  	[hbm4b:s10+s3] =	stream.linear.scatter [tilespmem:s11], [sflag:$0x1], $0x80, $0x38;
	[tilespmem:$0x8800] =	vst v63  }
0x20c: {  	s12 =	sadd.s32 $0xA0, s1;
	s13 =	simm.s32 $0x7280  }
0x20d: {  	[hbm4b:s12+s3] =	stream.linear.scatter [tilespmem:s13], [sflag:$0x1], $0x80, $0x38;
	[tilespmem:$0x8800] =	vst v63  }
0x20e: {  	s14 =	sadd.s32 $0xB0, s1;
	s15 =	simm.s32 $0x7680  }
0x20f: {  	[hbm4b:s14+s3] =	stream.linear.scatter [tilespmem:s15], [sflag:$0x1], $0x80, $0x38;
	[tilespmem:$0x8800] =	vst v63  }
0x210: {  	s10 =	sadd.s32 $0xC0, s1;
	s11 =	simm.s32 $0x7A80  }
0x211: {  	[hbm4b:s10+s3] =	stream.linear.scatter [tilespmem:s11], [sflag:$0x1], $0x80, $0x38;
	[tilespmem:$0x8800] =	vst v63  }
0x212: {  	s12 =	sadd.s32 $0xD0, s1;
	s13 =	simm.s32 $0x7E80  }
0x213: {  	[hbm4b:s12+s3] =	stream.linear.scatter [tilespmem:s13], [sflag:$0x1], $0x80, $0x38;
	[tilespmem:$0x8800] =	vst v63  }
0x214: {  	s14 =	sadd.s32 $0xE0, s1;
	s15 =	simm.s32 $0x8280  }
0x215: {  	[hbm4b:s14+s3] =	stream.linear.scatter [tilespmem:s15], [sflag:$0x1], $0x80, $0x38;
	[tilespmem:$0x8800] =	vst v63  }
0x216: {  	s9 =	simm.s32 $0x8680;
	s1 =	sadd.s32 $0xF0, s1  }
0x217: {  	[hbm4b:s1+s3] =	stream.linear.scatter [tilespmem:s9], [sflag:$0x1], $0x80, $0x38;
	[tilespmem:$0x8800] =	vst v63  }
0x218: {  	_ =	swait.ge [sflag:s8], $0x800  }
0x219: {  	s10 =	sor.u32 $0x70000, s2;
	[sflag:s8] =	ssyncset.done $0x0  }
0x21a: {  	s11 =	simm.s32 $0x4B00;
	s1 =	sadd.s32 s4, s10;
	[sflag:s8] =	ssyncadd.s32 $0xFFFFF800  }
0x21b: {  	[hbm4b:s1+s3] =	stream.linear.scatter [tilespmem:s11], [sflag:$0x1], $0x80, $0x38;
	[tilespmem:$0x8800] =	vst v63  }
0x21c: {  	s13 =	simm.s32 $0x4F00;
	s12 =	sadd.s32 $0x10, s1  }
0x21d: {  	[hbm4b:s12+s3] =	stream.linear.scatter [tilespmem:s13], [sflag:$0x1], $0x80, $0x38;
	[tilespmem:$0x8800] =	vst v63  }
0x21e: {  	s15 =	simm.s32 $0x5300;
	s14 =	sadd.s32 $0x20, s1  }
0x21f: {  	[hbm4b:s14+s3] =	stream.linear.scatter [tilespmem:s15], [sflag:$0x1], $0x80, $0x38;
	[tilespmem:$0x8800] =	vst v63  }
0x220: {  	s10 =	sadd.s32 $0x30, s1;
	s11 =	simm.s32 $0x5700  }
0x221: {  	[hbm4b:s10+s3] =	stream.linear.scatter [tilespmem:s11], [sflag:$0x1], $0x80, $0x38;
	[tilespmem:$0x8800] =	vst v63  }
0x222: {  	s12 =	sadd.s32 $0x40, s1;
	s13 =	simm.s32 $0x5B00  }
0x223: {  	[hbm4b:s12+s3] =	stream.linear.scatter [tilespmem:s13], [sflag:$0x1], $0x80, $0x38;
	[tilespmem:$0x8800] =	vst v63  }
0x224: {  	s14 =	sadd.s32 $0x50, s1;
	s15 =	simm.s32 $0x5F00  }
0x225: {  	[hbm4b:s14+s3] =	stream.linear.scatter [tilespmem:s15], [sflag:$0x1], $0x80, $0x38;
	[tilespmem:$0x8800] =	vst v63  }
0x226: {  	s10 =	sadd.s32 $0x60, s1;
	s11 =	simm.s32 $0x6300  }
0x227: {  	[hbm4b:s10+s3] =	stream.linear.scatter [tilespmem:s11], [sflag:$0x1], $0x80, $0x38;
	[tilespmem:$0x8800] =	vst v63  }
0x228: {  	s12 =	sadd.s32 $0x70, s1;
	s13 =	simm.s32 $0x6700  }
0x229: {  	[hbm4b:s12+s3] =	stream.linear.scatter [tilespmem:s13], [sflag:$0x1], $0x80, $0x38;
	[tilespmem:$0x8800] =	vst v63  }
0x22a: {  	s14 =	sadd.s32 $0x80, s1;
	s15 =	simm.s32 $0x6B00  }
0x22b: {  	[hbm4b:s14+s3] =	stream.linear.scatter [tilespmem:s15], [sflag:$0x1], $0x80, $0x38;
	[tilespmem:$0x8800] =	vst v63  }
0x22c: {  	s10 =	sadd.s32 $0x90, s1;
	s11 =	simm.s32 $0x6F00  }
0x22d: {  	[hbm4b:s10+s3] =	stream.linear.scatter [tilespmem:s11], [sflag:$0x1], $0x80, $0x38;
	[tilespmem:$0x8800] =	vst v63  }
0x22e: {  	s12 =	sadd.s32 $0xA0, s1;
	s13 =	simm.s32 $0x7300  }
0x22f: {  	[hbm4b:s12+s3] =	stream.linear.scatter [tilespmem:s13], [sflag:$0x1], $0x80, $0x38;
	[tilespmem:$0x8800] =	vst v63  }
0x230: {  	s14 =	sadd.s32 $0xB0, s1;
	s15 =	simm.s32 $0x7700  }
0x231: {  	[hbm4b:s14+s3] =	stream.linear.scatter [tilespmem:s15], [sflag:$0x1], $0x80, $0x38;
	[tilespmem:$0x8800] =	vst v63  }
0x232: {  	s9 =	sadd.s32 $0xC0, s1;
	s10 =	simm.s32 $0x7B00  }
0x233: {  	[hbm4b:s9+s3] =	stream.linear.scatter [tilespmem:s10], [sflag:$0x1], $0x80, $0x38;
	[tilespmem:$0x8800] =	vst v63  }
0x234: {  	s11 =	sadd.s32 $0xD0, s1;
	s12 =	simm.s32 $0x7F00  }
0x235: {  	[hbm4b:s11+s3] =	stream.linear.scatter [tilespmem:s12], [sflag:$0x1], $0x80, $0x38;
	[tilespmem:$0x8800] =	vst v63  }
0x236: {  	s13 =	sadd.s32 $0xE0, s1;
	s14 =	simm.s32 $0x8300  }
0x237: {  	[hbm4b:s13+s3] =	stream.linear.scatter [tilespmem:s14], [sflag:$0x1], $0x80, $0x38;
	[tilespmem:$0x8800] =	vst v63  }
0x238: {  	s1 =	sadd.s32 $0xF0, s1;
	s15 =	simm.s32 $0x8700  }
0x239: {  	[hbm4b:s1+s3] =	stream.linear.scatter [tilespmem:s15], [sflag:$0x1], $0x80, $0x38;
	[tilespmem:$0x8800] =	vst v63  }
0x23a: {  	_ =	swait.ge [sflag:s8], $0x800  }
0x23b: {  	s7 =	sor.u32 $0x78000, s2;
	[sflag:s8] =	ssyncset.done $0x0  }
0x23c: {  	s9 =	simm.s32 $0x4B80;
	s1 =	sadd.s32 s4, s7;
	[sflag:s8] =	ssyncadd.s32 $0xFFFFF800  }
0x23d: {  	[hbm4b:s1+s3] =	stream.linear.scatter [tilespmem:s9], [sflag:$0x1], $0x80, $0x38;
	[tilespmem:$0x8800] =	vst v63  }
0x23e: {  	s10 =	sadd.s32 $0x10, s1  }
0x23f: {  	[hbm4b:s10+s3] =	stream.linear.scatter [tilespmem:s16], [sflag:$0x1], $0x80, $0x38;
	[tilespmem:$0x8800] =	vst v63  }
0x240: {  	s11 =	sadd.s32 $0x20, s1  }
0x241: {  	[hbm4b:s11+s3] =	stream.linear.scatter [tilespmem:s17], [sflag:$0x1], $0x80, $0x38;
	[tilespmem:$0x8800] =	vst v63  }
0x242: {  	s12 =	sadd.s32 $0x30, s1  }
0x243: {  	[hbm4b:s12+s3] =	stream.linear.scatter [tilespmem:s18], [sflag:$0x1], $0x80, $0x38;
	[tilespmem:$0x8800] =	vst v63  }
0x244: {  	s13 =	sadd.s32 $0x40, s1  }
0x245: {  	[hbm4b:s13+s3] =	stream.linear.scatter [tilespmem:s19], [sflag:$0x1], $0x80, $0x38;
	[tilespmem:$0x8800] =	vst v63  }
0x246: {  	s14 =	sadd.s32 $0x50, s1  }
0x247: {  	[hbm4b:s14+s3] =	stream.linear.scatter [tilespmem:s20], [sflag:$0x1], $0x80, $0x38;
	[tilespmem:$0x8800] =	vst v63  }
0x248: {  	s15 =	sadd.s32 $0x60, s1  }
0x249: {  	[hbm4b:s15+s3] =	stream.linear.scatter [tilespmem:s21], [sflag:$0x1], $0x80, $0x38;
	[tilespmem:$0x8800] =	vst v63  }
0x24a: {  	s7 =	sadd.s32 $0x70, s1  }
0x24b: {  	[hbm4b:s7+s3] =	stream.linear.scatter [tilespmem:s22], [sflag:$0x1], $0x80, $0x38;
	[tilespmem:$0x8800] =	vst v63  }
0x24c: {  	s9 =	sadd.s32 $0x80, s1  }
0x24d: {  	[hbm4b:s9+s3] =	stream.linear.scatter [tilespmem:s23], [sflag:$0x1], $0x80, $0x38;
	[tilespmem:$0x8800] =	vst v63  }
0x24e: {  	s10 =	sadd.s32 $0x90, s1  }
0x24f: {  	[hbm4b:s10+s3] =	stream.linear.scatter [tilespmem:s24], [sflag:$0x1], $0x80, $0x38;
	[tilespmem:$0x8800] =	vst v63  }
0x250: {  	s11 =	sadd.s32 $0xA0, s1  }
0x251: {  	[hbm4b:s11+s3] =	stream.linear.scatter [tilespmem:s25], [sflag:$0x1], $0x80, $0x38;
	[tilespmem:$0x8800] =	vst v63  }
0x252: {  	s12 =	sadd.s32 $0xB0, s1  }
0x253: {  	[hbm4b:s12+s3] =	stream.linear.scatter [tilespmem:s26], [sflag:$0x1], $0x80, $0x38;
	[tilespmem:$0x8800] =	vst v63  }
0x254: {  	s13 =	sadd.s32 $0xC0, s1  }
0x255: {  	[hbm4b:s13+s3] =	stream.linear.scatter [tilespmem:s28], [sflag:$0x1], $0x80, $0x38;
	[tilespmem:$0x8800] =	vst v63  }
0x256: {  	s0 =	sadd.s32 $0x1, s0;
	s14 =	sadd.s32 $0xD0, s1  }
0x257: {  	[hbm4b:s14+s3] =	stream.linear.scatter [tilespmem:s29], [sflag:$0x1], $0x80, $0x38;
	[tilespmem:$0x8800] =	vst v63  }
0x258: {  	p0 =	sne.s32 s0, $0x20;
	s15 =	sadd.s32 $0xE0, s1  }
0x259: {  	[hbm4b:s15+s3] =	stream.linear.scatter [tilespmem:s30], [sflag:$0x1], $0x80, $0x38;
	[tilespmem:$0x8800] =	vst v63  }
.Ltmp1:
0x25a: {  	s1 =	sadd.s32 $0xF0, s1;
	(pc) =	sbr.rel @p0 .LBB2_2-.Ltmp1, $4  }
0x25b: {  	[hbm4b:s1+s3] =	stream.linear.scatter [tilespmem:s31], [sflag:$0x1], $0x80, $0x38;
	[tilespmem:$0x8800] =	vst v63  }
0x25c: {  	_ =	swait.ge [sflag:s8], $0x800  }
0x25d: {  	[sflag:s8] =	ssyncset.done $0x0  }
0x25e: {  	[sflag:s8] =	ssyncadd.s32 $0xFFFFF800  }
0x25f: {  	s1 =	rddreg [dreg:$0x4]  }
0x260: {  	s0 =	rddreg [dreg:$0x3];
	s1 =	sadd.s32 $0x1, s1  }
0x261: {  	p0 =	sne.s32 s1, s0  }
.Ltmp2:
0x262: {  	_ = 	snop;
	(pc) =	sbr.rel @p0 .LBB2_1-.Ltmp2, $1  }
0x263: {  	_ =	sdelay $0x3  }
0x264: {  	_ =	sfence.sel $0x180000  }
0x265: {  	[bflag:$0x0] =	sbarrier.arrive $0xFFFF  }
0x266: {  	_ =	strace $0x90000047  }
0x267: {  	s0 =	stileid.u32;
	[bflag:$0x2] =	sbarrier.arrive $0xFFFF  }
0x268: {  	p0 =	sne.s32 s0, $0x0;
	s0 =	rddreg [dreg:$0x2]  }
0x269: {  	s0 =	sadd.s32 @!p0 $0x100000, s0  }
0x26a: {  	[sflag:s0] =	ssyncadd.tile.s32 @!p0 $0x1;
	_ =	shalt  }
.Lfunc_end2:
_tile_overlayer_lowered:
.L_overlay_start_2:
0x26b: {  	(tag) =	ssettag $0x2  }
0x26c: {  	s0 =	rddreg [dreg:$0x0];
	s2 =	stileid.u32  }
0x26d: {  	s1 =	rddreg [dreg:$0x1];
	p0 =	sne.s32 s2, $0x0  }
0x26e: {  	s3 =	rddreg [dreg:$0x2];
	[bflag:$0x3] =	sbarrier.arrive $0xFFFF;
	s2 =	simm.s32 @!p0 $0x1C01  }
0x26f: {  	[timem:s3], [sflag:s2] =	dma.local @!p0 [hbm:s0], s1  }
0x270: {  	s0 =	simm.s32 @!p0 $0x1  }
0x271: {  	_ =	swait.ge @!p0 [sflag:s0], s1  }
0x272: {  	s1 =	ssub.s32 @!p0 $0x0, s1;
	[sflag:s0] =	ssyncset.done @!p0 $0x0  }
0x273: {  	[sflag:s0] =	ssyncadd.s32 @!p0 s1  }
0x274: {  	[bflag:$0x3] =	sbarrier.arrive $0xFFFF  }
0x275: {  	_ =	shalt  }

</sc_bundles>
